<compile_context>
chip_gen: v7x
topology: tpu7x:2x2x1
jax: 0.10.2.dev20260603
libtpu: 0.0.44.dev20260713+nightly
codegen_flags: <defaults>
</compile_context>

<pallas_src>
import functools

import jax
import jax.numpy as jnp
from jax import lax
from jax.experimental import pallas as pl
from jax.experimental.pallas import tpu as pltpu
from jax.experimental.pallas import tpu_sc as plsc

B, S, D = 2, 2048, 1024
CB = 512
M = CB * CB
SUBK = 32
SLOT_DIM = 64
PK = 32
INV_C = 1.0 / float(SUBK) ** 0.5

S_CHUNK = 256
N_S_CHUNKS = S // S_CHUNK


def _topk32(sim, iota512, col32):
    scores = jnp.zeros((B, PK), jnp.float32)
    idxs = jnp.zeros((B, PK), jnp.int32)
    m0 = None
    work = sim
    for i in range(PK):
        m = jnp.max(work, axis=1, keepdims=True)
        if i == 0:
            m0 = m
        is_m = work == m
        idx = jnp.min(jnp.where(is_m, iota512, 1 << 30), axis=1, keepdims=True)
        scores = jnp.where(col32 == i, m, scores)
        idxs = jnp.where(col32 == i, idx, idxs)
        work = jnp.where(iota512 == idx, -1e30, work)
    return scores, idxs, m0


def _k1_body(x_ref, wa_ref, ba_ref, wb_ref, bb_ref, wvt_ref, bvt_ref,
             wg_ref, bg_ref, cbat_ref, cbbt_ref,
             ean_ref, ebn_ref, ia_ref, ib_ref, wrow_ref, acc_ref):
    step = pl.program_id(0)

    @pl.when(step == 0)
    def _init():
        acc_ref[...] = jnp.zeros_like(acc_ref)

    acc_ref[...] += jnp.sum(x_ref[...], axis=1)

    @pl.when(step == N_S_CHUNKS - 1)
    def _final():
        summary = acc_ref[...] * (1.0 / S)
        qa = summary @ wa_ref[...] + ba_ref[...]
        qb = summary @ wb_ref[...] + bb_ref[...]
        sim_a = qa @ cbat_ref[...]
        sim_b = qb @ cbbt_ref[...]

        iota512 = lax.broadcasted_iota(jnp.int32, (B, CB), 1)
        col32 = lax.broadcasted_iota(jnp.int32, (B, PK), 1)
        sa, ia, ma = _topk32(sim_a, iota512, col32)
        sb, ib, mb = _topk32(sim_b, iota512, col32)

        ea = jnp.exp((sa - ma) * INV_C)
        eb = jnp.exp((sb - mb) * INV_C)
        ean_ref[...] = ea / jnp.sum(ea, axis=1, keepdims=True)
        ebn_ref[...] = eb / jnp.sum(eb, axis=1, keepdims=True)
        ia_ref[...] = ia
        ib_ref[...] = ib

        z = summary @ wg_ref[...] + bg_ref[...]
        gate = 1.0 / (1.0 + jnp.exp(-z))
        wrow_ref[...] = (0.1 * gate) * (summary @ wvt_ref[...] + bvt_ref[...])


def _run_k1(x, Wa, ba2, Wb, bb2, Wvt, bvt2, Wg, bg2, cbat, cbbt):
    whole = lambda shape: pl.BlockSpec(shape, lambda i: tuple(0 for _ in shape))
    outs = (
        jax.ShapeDtypeStruct((B, PK), jnp.float32),
        jax.ShapeDtypeStruct((B, PK), jnp.float32),
        jax.ShapeDtypeStruct((B, PK), jnp.int32),
        jax.ShapeDtypeStruct((B, PK), jnp.int32),
        jax.ShapeDtypeStruct((B, SLOT_DIM), jnp.float32),
    )
    return pl.pallas_call(
        _k1_body,
        grid=(N_S_CHUNKS,),
        in_specs=[
            pl.BlockSpec((B, S_CHUNK, D), lambda i: (0, i, 0)),
            whole(Wa.shape), whole(ba2.shape), whole(Wb.shape), whole(bb2.shape),
            whole(Wvt.shape), whole(bvt2.shape), whole(Wg.shape), whole(bg2.shape),
            whole(cbat.shape), whole(cbbt.shape),
        ],
        out_specs=[whole(o.shape) for o in outs],
        out_shape=outs,
        scratch_shapes=[pltpu.VMEM((B, D), jnp.float32)],
    )(x, Wa, ba2, Wb, bb2, Wvt, bvt2, Wg, bg2, cbat, cbbt)



def _sc_gather(table, idx):
    info = plsc.get_sparse_core_info()
    nc, ns = info.num_cores, info.num_subcores
    nw = nc * ns
    nidx = idx.shape[0]
    b_per_w = nidx // nw

    @functools.partial(
        pl.kernel,
        mesh=plsc.VectorSubcoreMesh(core_axis_name="c", subcore_axis_name="s"),
        out_type=jax.ShapeDtypeStruct((nidx, SLOT_DIM), jnp.float32),
        scratch_types=[
            pltpu.VMEM((b_per_w,), jnp.int32),
            pltpu.VMEM((b_per_w, SLOT_DIM), jnp.float32),
            pltpu.SemaphoreType.DMA,
        ],
        compiler_params=pltpu.CompilerParams(use_tc_tiling_on_sc=False),
    )
    def gather_k(table_hbm, idx_hbm, out_hbm, idx_v, rows_v, sem):
        wid = lax.axis_index("s") * nc + lax.axis_index("c")
        base = wid * b_per_w
        pltpu.sync_copy(idx_hbm.at[pl.ds(base, b_per_w)], idx_v)
        pltpu.async_copy(table_hbm.at[idx_v], rows_v, sem).wait()
        pltpu.sync_copy(rows_v, out_hbm.at[pl.ds(base, b_per_w)])

    return gather_k(table, idx)



def _k3_body(attn_ref, g_ref, wo_ref, bo_ref, rp_ref):
    r0 = attn_ref[0:1, :] @ g_ref[0]
    r1 = attn_ref[1:2, :] @ g_ref[1]
    ro = jnp.concatenate([r0, r1], axis=0)
    rp_ref[...] = ro @ wo_ref[...] + bo_ref[...]


def _run_k3(attn, g3, Wo, bo2):
    return pl.pallas_call(
        _k3_body,
        out_shape=jax.ShapeDtypeStruct((B, D), jnp.float32),
    )(attn, g3, Wo, bo2)



def _k4_body(big_ref, row_ref, out_ref):
    out_ref[...] = big_ref[...] + row_ref[...]


def _run_k4(big, rows, n_chunks):
    _, n, w = big.shape
    chunk = n // n_chunks
    rows3 = rows.reshape(B, 1, w)
    return pl.pallas_call(
        _k4_body,
        grid=(n_chunks,),
        in_specs=[
            pl.BlockSpec((B, chunk, w), lambda i: (0, i, 0)),
            pl.BlockSpec((B, 1, w), lambda i: (0, 0, 0)),
        ],
        out_specs=pl.BlockSpec((B, chunk, w), lambda i: (0, i, 0)),
        out_shape=jax.ShapeDtypeStruct(big.shape, jnp.float32),
    )(big, rows3)


def kernel(x, memory, Wa, ba, Wb, bb, Wv, bv, Wo, bo, Wg, bg, codebook_a, codebook_b):
    f32 = jnp.float32
    Wvt = Wv
    bvt2 = bv.reshape(1, SLOT_DIM)
    ba2 = ba.reshape(1, SUBK)
    bb2 = bb.reshape(1, SUBK)
    bg2 = bg.reshape(1, 1)
    bo2 = bo.reshape(1, D)
    cbat = codebook_a.T
    cbbt = codebook_b.T

    ean, ebn, ia, ib, wrow = _run_k1(x, Wa, ba2, Wb, bb2, Wvt, bvt2, Wg, bg2,
                                     cbat, cbbt)

    ci = ia[:, :, None] * CB + ib[:, None, :]
    flat_idx = (ci + (jnp.arange(B, dtype=jnp.int32) * M)[:, None, None])
    flat_idx = flat_idx.reshape(-1)
    attn = (ean[:, :, None] * ebn[:, None, :]).reshape(B, PK * PK)

    table = memory.reshape(B * M, SLOT_DIM)
    gathered = _sc_gather(table, flat_idx)
    g3 = gathered.reshape(B, PK * PK, SLOT_DIM)

    rp = _run_k3(attn, g3, Wo, bo2)

    x_aug = _run_k4(x, rp, 8)
    memory_new = _run_k4(memory, wrow, 32)

    return (x_aug, memory_new)

# --- scband reference (transcript-rebuilt; emitter-appended) ---
"""Pipeline reference for scband-product-key-memory-26749056319687 (READ-ONLY COPY).

The authoritative reference and input builder live on the scoring server;
editing this copy changes nothing except your own understanding.
"""

import jax, jax.numpy as jnp
import numpy as np

B, S, D = 2, 2048, 1024
CB = 512            # codebook_size = ceil(sqrt(262144))
M = CB * CB         # 262144 slots
SUBK = 32           # subkey_dim
SLOT_DIM = 64
PK = 32             # product_k


def setup_inputs(seed: int = 0) -> dict:
    key = jax.random.key(seed)
    ks = jax.random.split(key, 16)
    x = jax.random.normal(ks[0], (B, S, D), dtype=jnp.float32)
    memory = jax.random.normal(ks[1], (B, M, SLOT_DIM), dtype=jnp.float32) * 0.02
    init_std = 1.0 / np.sqrt(SUBK)
    Wa = jax.random.normal(ks[2], (D, SUBK), dtype=jnp.float32) * 0.02
    ba = jnp.zeros((SUBK,), dtype=jnp.float32)
    Wb = jax.random.normal(ks[3], (D, SUBK), dtype=jnp.float32) * 0.02
    bb = jnp.zeros((SUBK,), dtype=jnp.float32)
    Wv = jax.random.normal(ks[4], (D, SLOT_DIM), dtype=jnp.float32) * 0.02
    bv = jnp.zeros((SLOT_DIM,), dtype=jnp.float32)
    Wo = jax.random.normal(ks[5], (SLOT_DIM, D), dtype=jnp.float32) * 0.02
    bo = jnp.zeros((D,), dtype=jnp.float32)
    Wg = jax.random.normal(ks[6], (D, 1), dtype=jnp.float32) * 0.02
    bg = jnp.zeros((1,), dtype=jnp.float32)
    codebook_a = jax.random.normal(ks[7], (CB, SUBK), dtype=jnp.float32) * init_std
    codebook_b = jax.random.normal(ks[8], (CB, SUBK), dtype=jnp.float32) * init_std
    return {"x": x, "memory": memory, "Wa": Wa, "ba": ba, "Wb": Wb, "bb": bb,
            "Wv": Wv, "bv": bv, "Wo": Wo, "bo": bo, "Wg": Wg, "bg": bg,
            "codebook_a": codebook_a, "codebook_b": codebook_b}


def reference(x, memory, Wa, ba, Wb, bb, Wv, bv, Wo, bo, Wg, bg, codebook_a, codebook_b):
    # x: [B, S, D], memory: [B, M, SLOT_DIM]
    x_summary = jnp.mean(x, axis=1)                       # [B, D]

    # --- product-key lookup (O(sqrt(M))) ---
    q_a = x_summary @ Wa + ba                             # [B, SUBK]
    q_b = x_summary @ Wb + bb                             # [B, SUBK]
    sim_a = q_a @ codebook_a.T                            # [B, CB]
    sim_b = q_b @ codebook_b.T                            # [B, CB]
    scores_a, indices_a = jax.lax.top_k(sim_a, PK)        # [B, PK]
    scores_b, indices_b = jax.lax.top_k(sim_b, PK)        # [B, PK]
    combined_scores = scores_a[:, :, None] + scores_b[:, None, :]          # [B, PK, PK]
    combined_indices = indices_a[:, :, None] * CB + indices_b[:, None, :]  # [B, PK, PK]
    combined_scores = combined_scores.reshape(x.shape[0], -1)              # [B, PK*PK]
    combined_indices = combined_indices.reshape(x.shape[0], -1)            # [B, PK*PK]
    attention = jax.nn.softmax(combined_scores / jnp.sqrt(jnp.float32(SUBK)), axis=-1)
    # batched gather of selected memory slots: [B, PK*PK, SLOT_DIM]
    selected_values = jnp.take_along_axis(memory, combined_indices[:, :, None], axis=1)
    read_out = jnp.einsum('bk,bkd->bd', attention, selected_values)        # [B, SLOT_DIM]

    # --- augment input ---
    read_projected = (read_out @ Wo + bo)[:, None, :]     # [B, 1, D]
    x_augmented = x + read_projected                      # [B, S, D]

    # --- gated write (broadcast update over all slots) ---
    write_value = x_summary @ Wv + bv                     # [B, SLOT_DIM]
    write_gate = jax.nn.sigmoid(x_summary @ Wg + bg)      # [B, 1]
    write_update = write_gate[:, None, :] * write_value[:, None, :]        # [B, 1, SLOT_DIM]
    memory_new = memory + jnp.broadcast_to(write_update, memory.shape) * 0.1
    return (x_augmented, memory_new)

if __name__ == "__main__":
    import jax
    _d = setup_inputs()
    print(jax.jit(kernel)(*tuple(_d.values())))

</pallas_src>

<mosaic_0001>
#map = affine_map<(d0, d1) -> (0, 0)>
#map1 = affine_map<(d0, d1) -> (0)>
module attributes {stable_mosaic.version = 14 : i64} {
  func.func @gather_k(%arg0: i32, %arg1: i32, %arg2: memref<524288x64xf32, #tpu.memory_space<hbm>>, %arg3: memref<2048xi32, #tpu.memory_space<hbm>>, %arg4: memref<2048x64xf32, #tpu.memory_space<hbm>>, %arg5: memref<64xi32, #tpu.memory_space<vmem>>, %arg6: memref<64x64xf32, #tpu.memory_space<vmem>>, %arg7: memref<!tpu.dma_semaphore, #tpu.memory_space<semaphore_mem>>) attributes {dimension_semantics = [#tpu.dimension_semantics<core_parallel>, #tpu.dimension_semantics<subcore_parallel>], iteration_bounds = array<i64: 2, 16>, scalar_prefetch = 0 : i64, scratch_operands = 3 : i64, tpu.core_type = #tpu.core_type<sc_vector_subcore>, window_params = [{transform_indices = #map}, {transform_indices = #map1}, {transform_indices = #map}]} {
    %mul3A = arith.constant 2 : i32
    %mul3A_0 = arith.muli %arg1, %mul3A : i32
    %add3A = arith.addi %mul3A_0, %arg0 : i32
    %mul3A_1 = arith.constant 64 : i32
    %mul3A_2 = arith.muli %add3A, %mul3A_1 : i32
    "tpu.region"() ({
      %run_scoped3A = tpu.sem_alloc : memref<!tpu.dma_semaphore, #tpu.memory_space<semaphore_mem>>
      %dma_start3A_7 = tpu.memref_slice %arg3[%mul3A_2] : memref<2048xi32, #tpu.memory_space<hbm>> -> memref<64xi32, #tpu.memory_space<hbm>>
      %dma_start3A_8 = tpu.memref_slice %arg3[%mul3A_2] : memref<2048xi32, #tpu.memory_space<hbm>> -> memref<64xi32, #tpu.memory_space<hbm>>
      tpu.enqueue_dma source(%dma_start3A_8 : memref<64xi32, #tpu.memory_space<hbm>>) target(%arg5 : memref<64xi32, #tpu.memory_space<vmem>>) target_semaphore(%run_scoped3A : memref<!tpu.dma_semaphore, #tpu.memory_space<semaphore_mem>>)
      %dma_wait3A_9 = tpu.memref_slice %arg3[%mul3A_2] : memref<2048xi32, #tpu.memory_space<hbm>> -> memref<64xi32, #tpu.memory_space<hbm>>
      %dma_wait3A_10 = tpu.memref_slice %arg3[%mul3A_2] : memref<2048xi32, #tpu.memory_space<hbm>> -> memref<64xi32, #tpu.memory_space<hbm>>
      tpu.wait_dma2 semaphore(%run_scoped3A : memref<!tpu.dma_semaphore, #tpu.memory_space<semaphore_mem>>) src(%dma_wait3A_10 : memref<64xi32, #tpu.memory_space<hbm>>) dst(%arg5 : memref<64xi32, #tpu.memory_space<vmem>>)
      tpu.yield
    }) : () -> ()
    %dma_start3A = arith.constant 0 : i32
    %dma_start3A_3 = arith.constant 0 : i32
    %dma_start3A_4 = tpu.memref_slice %arg2[%dma_start3A, %dma_start3A_3] : memref<524288x64xf32, #tpu.memory_space<hbm>> -> memref<524288x64xf32, #tpu.memory_space<hbm>>
    tpu.enqueue_indirect_dma source(%dma_start3A_4 : memref<524288x64xf32, #tpu.memory_space<hbm>>) target(%arg6 : memref<64x64xf32, #tpu.memory_space<vmem>>) offsets(%arg5 : memref<64xi32, #tpu.memory_space<vmem>>) semaphore(%arg7 : memref<!tpu.dma_semaphore, #tpu.memory_space<semaphore_mem>>)
    %dma_wait3A = arith.constant 0 : i32
    %dma_wait3A_5 = arith.constant 0 : i32
    %dma_wait3A_6 = tpu.memref_slice %arg2[%dma_wait3A, %dma_wait3A_5] : memref<524288x64xf32, #tpu.memory_space<hbm>> -> memref<524288x64xf32, #tpu.memory_space<hbm>>
    tpu.wait_indirect_dma semaphore(%arg7 : memref<!tpu.dma_semaphore, #tpu.memory_space<semaphore_mem>>) src(%dma_wait3A_6 : memref<524288x64xf32, #tpu.memory_space<hbm>>) dst(%arg6 : memref<64x64xf32, #tpu.memory_space<vmem>>)
    "tpu.region"() ({
      %run_scoped3A = tpu.sem_alloc : memref<!tpu.dma_semaphore, #tpu.memory_space<semaphore_mem>>
      %dma_start3A_7 = arith.constant 0 : i32
      %dma_start3A_8 = tpu.memref_slice %arg4[%mul3A_2, %dma_start3A_7] : memref<2048x64xf32, #tpu.memory_space<hbm>> -> memref<64x64xf32, #tpu.memory_space<hbm>>
      %dma_start3A_9 = arith.constant 0 : i32
      %dma_start3A_10 = tpu.memref_slice %arg4[%mul3A_2, %dma_start3A_9] : memref<2048x64xf32, #tpu.memory_space<hbm>> -> memref<64x64xf32, #tpu.memory_space<hbm>>
      tpu.enqueue_dma source(%arg6 : memref<64x64xf32, #tpu.memory_space<vmem>>) target(%dma_start3A_10 : memref<64x64xf32, #tpu.memory_space<hbm>>) target_semaphore(%run_scoped3A : memref<!tpu.dma_semaphore, #tpu.memory_space<semaphore_mem>>)
      %dma_wait3A_11 = arith.constant 0 : i32
      %dma_wait3A_12 = tpu.memref_slice %arg4[%mul3A_2, %dma_wait3A_11] : memref<2048x64xf32, #tpu.memory_space<hbm>> -> memref<64x64xf32, #tpu.memory_space<hbm>>
      %dma_wait3A_13 = arith.constant 0 : i32
      %dma_wait3A_14 = tpu.memref_slice %arg4[%mul3A_2, %dma_wait3A_13] : memref<2048x64xf32, #tpu.memory_space<hbm>> -> memref<64x64xf32, #tpu.memory_space<hbm>>
      tpu.wait_dma2 semaphore(%run_scoped3A : memref<!tpu.dma_semaphore, #tpu.memory_space<semaphore_mem>>) src(%arg6 : memref<64x64xf32, #tpu.memory_space<vmem>>) dst(%dma_wait3A_14 : memref<64x64xf32, #tpu.memory_space<hbm>>)
      tpu.yield
    }) : () -> ()
    return
  }
}

module attributes {stable_mosaic.version = 14 : i64} {
  func.func @_k1_body(%arg0: i32, %arg1: memref<2x256x1024xf32, #tpu.memory_space<vmem>>, %arg2: memref<1024x32xf32, #tpu.memory_space<vmem>>, %arg3: memref<1x32xf32, #tpu.memory_space<vmem>>, %arg4: memref<1024x32xf32, #tpu.memory_space<vmem>>, %arg5: memref<1x32xf32, #tpu.memory_space<vmem>>, %arg6: memref<1024x64xf32, #tpu.memory_space<vmem>>, %arg7: memref<1x64xf32, #tpu.memory_space<vmem>>, %arg8: memref<1024x1xf32, #tpu.memory_space<vmem>>, %arg9: memref<1x1xf32, #tpu.memory_space<vmem>>, %arg10: memref<32x512xf32, #tpu.memory_space<vmem>>, %arg11: memref<32x512xf32, #tpu.memory_space<vmem>>, %arg12: memref<2x32xf32, #tpu.memory_space<vmem>>, %arg13: memref<2x32xf32, #tpu.memory_space<vmem>>, %arg14: memref<2x32xi32, #tpu.memory_space<vmem>>, %arg15: memref<2x32xi32, #tpu.memory_space<vmem>>, %arg16: memref<2x64xf32, #tpu.memory_space<vmem>>, %arg17: memref<2x1024xf32, #tpu.memory_space<vmem>>) attributes {dimension_semantics = [#tpu.dimension_semantics<arbitrary>], iteration_bounds = array<i64: 8>, scalar_prefetch = 0 : i64, scratch_operands = 1 : i64, tpu.core_type = #tpu.core_type<tc>, window_params = [{transform_indices = @transform_0, window_bounds = array<i64: 2, 256, 1024>}, {pipeline_mode = #tpu.pipeline_mode<synchronous>, transform_indices = @transform_1, window_bounds = array<i64: 1024, 32>}, {pipeline_mode = #tpu.pipeline_mode<synchronous>, transform_indices = @transform_2, window_bounds = array<i64: 1, 32>}, {pipeline_mode = #tpu.pipeline_mode<synchronous>, transform_indices = @transform_3, window_bounds = array<i64: 1024, 32>}, {pipeline_mode = #tpu.pipeline_mode<synchronous>, transform_indices = @transform_4, window_bounds = array<i64: 1, 32>}, {pipeline_mode = #tpu.pipeline_mode<synchronous>, transform_indices = @transform_5, window_bounds = array<i64: 1024, 64>}, {pipeline_mode = #tpu.pipeline_mode<synchronous>, transform_indices = @transform_6, window_bounds = array<i64: 1, 64>}, {pipeline_mode = #tpu.pipeline_mode<synchronous>, transform_indices = @transform_7, window_bounds = array<i64: 1024, 1>}, {pipeline_mode = #tpu.pipeline_mode<synchronous>, transform_indices = @transform_8, window_bounds = array<i64: 1, 1>}, {pipeline_mode = #tpu.pipeline_mode<synchronous>, transform_indices = @transform_9, window_bounds = array<i64: 32, 512>}, {pipeline_mode = #tpu.pipeline_mode<synchronous>, transform_indices = @transform_10, window_bounds = array<i64: 32, 512>}, {pipeline_mode = #tpu.pipeline_mode<synchronous>, transform_indices = @transform_11, window_bounds = array<i64: 2, 32>}, {pipeline_mode = #tpu.pipeline_mode<synchronous>, transform_indices = @transform_12, window_bounds = array<i64: 2, 32>}, {pipeline_mode = #tpu.pipeline_mode<synchronous>, transform_indices = @transform_13, window_bounds = array<i64: 2, 32>}, {pipeline_mode = #tpu.pipeline_mode<synchronous>, transform_indices = @transform_14, window_bounds = array<i64: 2, 32>}, {pipeline_mode = #tpu.pipeline_mode<synchronous>, transform_indices = @transform_15, window_bounds = array<i64: 2, 64>}]} {
    %eq3A = arith.constant 0 : i32
    %eq3A_0 = arith.cmpi eq, %arg0, %eq3A : i32
    %convert_element_type3A = arith.extui %eq3A_0 : i1 to i32
    %cond3A = arith.constant 0 : i32
    %cond3A_1 = arith.cmpi ne, %convert_element_type3A, %cond3A : i32
    scf.if %cond3A_1 {
      %broadcast_in_dim3A = arith.constant 0.000000e+00 : f32
      %broadcast_in_dim3A_16 = vector.broadcast %broadcast_in_dim3A : f32 to vector<2x1024xf32>
      %swap3A_17 = arith.constant 0 : index
      %swap3A_18 = arith.constant 0 : index
      %swap3A_19 = vector.load %arg17[%swap3A_17, %swap3A_18] : memref<2x1024xf32, #tpu.memory_space<vmem>>, vector<2x1024xf32>
      tpu.vector_store %arg17[%swap3A_17, %swap3A_18], %broadcast_in_dim3A_16 {strides = array<i32>} : memref<2x1024xf32, #tpu.memory_space<vmem>>, vector<2x1024xf32>,
    } else {
    }
    %get3A = arith.constant 0 : index
    %get3A_2 = arith.constant 0 : index
    %get3A_3 = vector.load %arg17[%get3A, %get3A_2] : memref<2x1024xf32, #tpu.memory_space<vmem>>, vector<2x1024xf32>
    %get3A_4 = arith.constant 0 : index
    %get3A_5 = arith.constant 0 : index
    %get3A_6 = arith.constant 0 : index
    %get3A_7 = vector.load %arg1[%get3A_4, %get3A_5, %get3A_6] : memref<2x256x1024xf32, #tpu.memory_space<vmem>>, vector<2x256x1024xf32>
    %reduce_sum3A = arith.constant dense<0.000000e+00> : vector<2x1024xf32>
    %reduce_sum3A_8 = vector.multi_reduction <add>, %get3A_7, %reduce_sum3A [1] : vector<2x256x1024xf32> to vector<2x1024xf32>
    %add3A = arith.addf %get3A_3, %reduce_sum3A_8 : vector<2x1024xf32>
    %swap3A = arith.constant 0 : index
    %swap3A_9 = arith.constant 0 : index
    %swap3A_10 = vector.load %arg17[%swap3A, %swap3A_9] : memref<2x1024xf32, #tpu.memory_space<vmem>>, vector<2x1024xf32>
    tpu.vector_store %arg17[%swap3A, %swap3A_9], %add3A {strides = array<i32>} : memref<2x1024xf32, #tpu.memory_space<vmem>>, vector<2x1024xf32>,
    %eq3A_11 = arith.constant 7 : i32
    %eq3A_12 = arith.cmpi eq, %arg0, %eq3A_11 : i32
    %convert_element_type3A_13 = arith.extui %eq3A_12 : i1 to i32
    %cond3A_14 = arith.constant 0 : i32
    %cond3A_15 = arith.cmpi ne, %convert_element_type3A_13, %cond3A_14 : i32
    scf.if %cond3A_15 {
      %get3A_16 = arith.constant 0 : index
      %get3A_17 = arith.constant 0 : index
      %get3A_18 = vector.load %arg17[%get3A_16, %get3A_17] : memref<2x1024xf32, #tpu.memory_space<vmem>>, vector<2x1024xf32>
      %mul3A = arith.constant 4.8828125E-4 : f32
      %mul3A_19 = vector.broadcast %mul3A : f32 to vector<2x1024xf32>
      %mul3A_20 = arith.mulf %get3A_18, %mul3A_19 : vector<2x1024xf32>
      %get3A_21 = arith.constant 0 : index
      %get3A_22 = arith.constant 0 : index
      %get3A_23 = vector.load %arg2[%get3A_21, %get3A_22] : memref<1024x32xf32, #tpu.memory_space<vmem>>, vector<1024x32xf32>
      %dot_general3A = arith.constant dense<0.000000e+00> : vector<2x32xf32>
      %dot_general3A_24 = tpu.matmul %mul3A_20, %get3A_23, %dot_general3A {dimension_numbers = #tpu.dot_dimension_numbers<[1], [0], [0], [1], [0, 0, 1, 1], [], []>, transpose_lhs_hint = false} : vector<2x1024xf32>, vector<1024x32xf32>, vector<2x32xf32> -> vector<2x32xf32>
      %get3A_25 = arith.constant 0 : index
      %get3A_26 = arith.constant 0 : index
      %get3A_27 = vector.load %arg3[%get3A_25, %get3A_26] : memref<1x32xf32, #tpu.memory_space<vmem>>, vector<1x32xf32>
      %add3A_28 = vector.broadcast %get3A_27 : vector<1x32xf32> to vector<2x32xf32>
      %add3A_29 = arith.addf %dot_general3A_24, %add3A_28 : vector<2x32xf32>
      %get3A_30 = arith.constant 0 : index
      %get3A_31 = arith.constant 0 : index
      %get3A_32 = vector.load %arg4[%get3A_30, %get3A_31] : memref<1024x32xf32, #tpu.memory_space<vmem>>, vector<1024x32xf32>
      %dot_general3A_33 = arith.constant dense<0.000000e+00> : vector<2x32xf32>
      %dot_general3A_34 = tpu.matmul %mul3A_20, %get3A_32, %dot_general3A_33 {dimension_numbers = #tpu.dot_dimension_numbers<[1], [0], [0], [1], [0, 0, 1, 1], [], []>, transpose_lhs_hint = false} : vector<2x1024xf32>, vector<1024x32xf32>, vector<2x32xf32> -> vector<2x32xf32>
      %get3A_35 = arith.constant 0 : index
      %get3A_36 = arith.constant 0 : index
      %get3A_37 = vector.load %arg5[%get3A_35, %get3A_36] : memref<1x32xf32, #tpu.memory_space<vmem>>, vector<1x32xf32>
      %add3A_38 = vector.broadcast %get3A_37 : vector<1x32xf32> to vector<2x32xf32>
      %add3A_39 = arith.addf %dot_general3A_34, %add3A_38 : vector<2x32xf32>
      %get3A_40 = arith.constant 0 : index
      %get3A_41 = arith.constant 0 : index
      %get3A_42 = vector.load %arg10[%get3A_40, %get3A_41] : memref<32x512xf32, #tpu.memory_space<vmem>>, vector<32x512xf32>
      %dot_general3A_43 = arith.constant dense<0.000000e+00> : vector<2x512xf32>
      %dot_general3A_44 = tpu.matmul %add3A_29, %get3A_42, %dot_general3A_43 {dimension_numbers = #tpu.dot_dimension_numbers<[1], [0], [0], [1], [0, 0, 1, 1], [], []>, transpose_lhs_hint = false} : vector<2x32xf32>, vector<32x512xf32>, vector<2x512xf32> -> vector<2x512xf32>
      %get3A_45 = arith.constant 0 : index
      %get3A_46 = arith.constant 0 : index
      %get3A_47 = vector.load %arg11[%get3A_45, %get3A_46] : memref<32x512xf32, #tpu.memory_space<vmem>>, vector<32x512xf32>
      %dot_general3A_48 = arith.constant dense<0.000000e+00> : vector<2x512xf32>
      %dot_general3A_49 = tpu.matmul %add3A_39, %get3A_47, %dot_general3A_48 {dimension_numbers = #tpu.dot_dimension_numbers<[1], [0], [0], [1], [0, 0, 1, 1], [], []>, transpose_lhs_hint = false} : vector<2x32xf32>, vector<32x512xf32>, vector<2x512xf32> -> vector<2x512xf32>
      %iota3A = tpu.iota {dimensions = array<i32: 1>} : vector<2x512xi32>
      %iota3A_50 = tpu.iota {dimensions = array<i32: 1>} : vector<2x32xi32>
      %broadcast_in_dim3A = arith.constant 0.000000e+00 : f32
      %broadcast_in_dim3A_51 = vector.broadcast %broadcast_in_dim3A : f32 to vector<2x32xf32>
      %broadcast_in_dim3A_52 = arith.constant 0 : i32
      %broadcast_in_dim3A_53 = vector.broadcast %broadcast_in_dim3A_52 : i32 to vector<2x32xi32>
      %reduce_max3A = arith.constant dense<0xFF800000> : vector<2xf32>
      %reduce_max3A_54 = vector.multi_reduction <maximumf>, %dot_general3A_44, %reduce_max3A [1] : vector<2x512xf32> to vector<2xf32>
      %broadcast_in_dim3A_55 = vector.shape_cast %reduce_max3A_54 : vector<2xf32> to vector<2x1xf32>
      %eq3A_56 = vector.broadcast %broadcast_in_dim3A_55 : vector<2x1xf32> to vector<2x512xf32>
      %eq3A_57 = arith.cmpf oeq, %dot_general3A_44, %eq3A_56 : vector<2x512xf32>
      %jit3A = arith.constant 1073741824 : i32
      %broadcast_in_dim3A_58 = vector.broadcast %jit3A : i32 to vector<2x512xi32>
      %select_n3A = arith.select %eq3A_57, %iota3A, %broadcast_in_dim3A_58 : vector<2x512xi1>, vector<2x512xi32>
      %reduce_min3A = arith.constant dense<2147483647> : vector<2xi32>
      %reduce_min3A_59 = vector.multi_reduction <minsi>, %select_n3A, %reduce_min3A [1] : vector<2x512xi32> to vector<2xi32>
      %broadcast_in_dim3A_60 = vector.shape_cast %reduce_min3A_59 : vector<2xi32> to vector<2x1xi32>
      %eq3A_61 = arith.constant 0 : i32
      %eq3A_62 = vector.broadcast %eq3A_61 : i32 to vector<2x32xi32>
      %eq3A_63 = arith.cmpi eq, %iota3A_50, %eq3A_62 : vector<2x32xi32>
      %broadcast_in_dim3A_64 = vector.shape_cast %broadcast_in_dim3A_55 : vector<2x1xf32> to vector<2x1xf32>
      %broadcast_in_dim3A_65 = vector.broadcast %broadcast_in_dim3A_64 : vector<2x1xf32> to vector<2x32xf32>
      %select_n3A_66 = arith.select %eq3A_63, %broadcast_in_dim3A_65, %broadcast_in_dim3A_51 : vector<2x32xi1>, vector<2x32xf32>
      %eq3A_67 = arith.constant 0 : i32
      %eq3A_68 = vector.broadcast %eq3A_67 : i32 to vector<2x32xi32>
      %eq3A_69 = arith.cmpi eq, %iota3A_50, %eq3A_68 : vector<2x32xi32>
      %broadcast_in_dim3A_70 = vector.shape_cast %broadcast_in_dim3A_60 : vector<2x1xi32> to vector<2x1xi32>
      %broadcast_in_dim3A_71 = vector.broadcast %broadcast_in_dim3A_70 : vector<2x1xi32> to vector<2x32xi32>
      %select_n3A_72 = arith.select %eq3A_69, %broadcast_in_dim3A_71, %broadcast_in_dim3A_53 : vector<2x32xi1>, vector<2x32xi32>
      %eq3A_73 = vector.broadcast %broadcast_in_dim3A_60 : vector<2x1xi32> to vector<2x512xi32>
      %eq3A_74 = arith.cmpi eq, %iota3A, %eq3A_73 : vector<2x512xi32>
      %jit3A_75 = arith.constant -1.000000e+30 : f32
      %broadcast_in_dim3A_76 = vector.broadcast %jit3A_75 : f32 to vector<2x512xf32>
      %select_n3A_77 = arith.select %eq3A_74, %broadcast_in_dim3A_76, %dot_general3A_44 : vector<2x512xi1>, vector<2x512xf32>
      %reduce_max3A_78 = arith.constant dense<0xFF800000> : vector<2xf32>
      %reduce_max3A_79 = vector.multi_reduction <maximumf>, %select_n3A_77, %reduce_max3A_78 [1] : vector<2x512xf32> to vector<2xf32>
      %broadcast_in_dim3A_80 = vector.shape_cast %reduce_max3A_79 : vector<2xf32> to vector<2x1xf32>
      %eq3A_81 = vector.broadcast %broadcast_in_dim3A_80 : vector<2x1xf32> to vector<2x512xf32>
      %eq3A_82 = arith.cmpf oeq, %select_n3A_77, %eq3A_81 : vector<2x512xf32>
      %jit3A_83 = arith.constant 1073741824 : i32
      %broadcast_in_dim3A_84 = vector.broadcast %jit3A_83 : i32 to vector<2x512xi32>
      %select_n3A_85 = arith.select %eq3A_82, %iota3A, %broadcast_in_dim3A_84 : vector<2x512xi1>, vector<2x512xi32>
      %reduce_min3A_86 = arith.constant dense<2147483647> : vector<2xi32>
      %reduce_min3A_87 = vector.multi_reduction <minsi>, %select_n3A_85, %reduce_min3A_86 [1] : vector<2x512xi32> to vector<2xi32>
      %broadcast_in_dim3A_88 = vector.shape_cast %reduce_min3A_87 : vector<2xi32> to vector<2x1xi32>
      %eq3A_89 = arith.constant 1 : i32
      %eq3A_90 = vector.broadcast %eq3A_89 : i32 to vector<2x32xi32>
      %eq3A_91 = arith.cmpi eq, %iota3A_50, %eq3A_90 : vector<2x32xi32>
      %broadcast_in_dim3A_92 = vector.shape_cast %broadcast_in_dim3A_80 : vector<2x1xf32> to vector<2x1xf32>
      %broadcast_in_dim3A_93 = vector.broadcast %broadcast_in_dim3A_92 : vector<2x1xf32> to vector<2x32xf32>
      %select_n3A_94 = arith.select %eq3A_91, %broadcast_in_dim3A_93, %select_n3A_66 : vector<2x32xi1>, vector<2x32xf32>
      %eq3A_95 = arith.constant 1 : i32
      %eq3A_96 = vector.broadcast %eq3A_95 : i32 to vector<2x32xi32>
      %eq3A_97 = arith.cmpi eq, %iota3A_50, %eq3A_96 : vector<2x32xi32>
      %broadcast_in_dim3A_98 = vector.shape_cast %broadcast_in_dim3A_88 : vector<2x1xi32> to vector<2x1xi32>
      %broadcast_in_dim3A_99 = vector.broadcast %broadcast_in_dim3A_98 : vector<2x1xi32> to vector<2x32xi32>
      %select_n3A_100 = arith.select %eq3A_97, %broadcast_in_dim3A_99, %select_n3A_72 : vector<2x32xi1>, vector<2x32xi32>
      %eq3A_101 = vector.broadcast %broadcast_in_dim3A_88 : vector<2x1xi32> to vector<2x512xi32>
      %eq3A_102 = arith.cmpi eq, %iota3A, %eq3A_101 : vector<2x512xi32>
      %jit3A_103 = arith.constant -1.000000e+30 : f32
      %broadcast_in_dim3A_104 = vector.broadcast %jit3A_103 : f32 to vector<2x512xf32>
      %select_n3A_105 = arith.select %eq3A_102, %broadcast_in_dim3A_104, %select_n3A_77 : vector<2x512xi1>, vector<2x512xf32>
      %reduce_max3A_106 = arith.constant dense<0xFF800000> : vector<2xf32>
      %reduce_max3A_107 = vector.multi_reduction <maximumf>, %select_n3A_105, %reduce_max3A_106 [1] : vector<2x512xf32> to vector<2xf32>
      %broadcast_in_dim3A_108 = vector.shape_cast %reduce_max3A_107 : vector<2xf32> to vector<2x1xf32>
      %eq3A_109 = vector.broadcast %broadcast_in_dim3A_108 : vector<2x1xf32> to vector<2x512xf32>
      %eq3A_110 = arith.cmpf oeq, %select_n3A_105, %eq3A_109 : vector<2x512xf32>
      %jit3A_111 = arith.constant 1073741824 : i32
      %broadcast_in_dim3A_112 = vector.broadcast %jit3A_111 : i32 to vector<2x512xi32>
      %select_n3A_113 = arith.select %eq3A_110, %iota3A, %broadcast_in_dim3A_112 : vector<2x512xi1>, vector<2x512xi32>
      %reduce_min3A_114 = arith.constant dense<2147483647> : vector<2xi32>
      %reduce_min3A_115 = vector.multi_reduction <minsi>, %select_n3A_113, %reduce_min3A_114 [1] : vector<2x512xi32> to vector<2xi32>
      %broadcast_in_dim3A_116 = vector.shape_cast %reduce_min3A_115 : vector<2xi32> to vector<2x1xi32>
      %eq3A_117 = arith.constant 2 : i32
      %eq3A_118 = vector.broadcast %eq3A_117 : i32 to vector<2x32xi32>
      %eq3A_119 = arith.cmpi eq, %iota3A_50, %eq3A_118 : vector<2x32xi32>
      %broadcast_in_dim3A_120 = vector.shape_cast %broadcast_in_dim3A_108 : vector<2x1xf32> to vector<2x1xf32>
      %broadcast_in_dim3A_121 = vector.broadcast %broadcast_in_dim3A_120 : vector<2x1xf32> to vector<2x32xf32>
      %select_n3A_122 = arith.select %eq3A_119, %broadcast_in_dim3A_121, %select_n3A_94 : vector<2x32xi1>, vector<2x32xf32>
      %eq3A_123 = arith.constant 2 : i32
      %eq3A_124 = vector.broadcast %eq3A_123 : i32 to vector<2x32xi32>
      %eq3A_125 = arith.cmpi eq, %iota3A_50, %eq3A_124 : vector<2x32xi32>
      %broadcast_in_dim3A_126 = vector.shape_cast %broadcast_in_dim3A_116 : vector<2x1xi32> to vector<2x1xi32>
      %broadcast_in_dim3A_127 = vector.broadcast %broadcast_in_dim3A_126 : vector<2x1xi32> to vector<2x32xi32>
      %select_n3A_128 = arith.select %eq3A_125, %broadcast_in_dim3A_127, %select_n3A_100 : vector<2x32xi1>, vector<2x32xi32>
      %eq3A_129 = vector.broadcast %broadcast_in_dim3A_116 : vector<2x1xi32> to vector<2x512xi32>
      %eq3A_130 = arith.cmpi eq, %iota3A, %eq3A_129 : vector<2x512xi32>
      %jit3A_131 = arith.constant -1.000000e+30 : f32
      %broadcast_in_dim3A_132 = vector.broadcast %jit3A_131 : f32 to vector<2x512xf32>
      %select_n3A_133 = arith.select %eq3A_130, %broadcast_in_dim3A_132, %select_n3A_105 : vector<2x512xi1>, vector<2x512xf32>
      %reduce_max3A_134 = arith.constant dense<0xFF800000> : vector<2xf32>
      %reduce_max3A_135 = vector.multi_reduction <maximumf>, %select_n3A_133, %reduce_max3A_134 [1] : vector<2x512xf32> to vector<2xf32>
      %broadcast_in_dim3A_136 = vector.shape_cast %reduce_max3A_135 : vector<2xf32> to vector<2x1xf32>
      %eq3A_137 = vector.broadcast %broadcast_in_dim3A_136 : vector<2x1xf32> to vector<2x512xf32>
      %eq3A_138 = arith.cmpf oeq, %select_n3A_133, %eq3A_137 : vector<2x512xf32>
      %jit3A_139 = arith.constant 1073741824 : i32
      %broadcast_in_dim3A_140 = vector.broadcast %jit3A_139 : i32 to vector<2x512xi32>
      %select_n3A_141 = arith.select %eq3A_138, %iota3A, %broadcast_in_dim3A_140 : vector<2x512xi1>, vector<2x512xi32>
      %reduce_min3A_142 = arith.constant dense<2147483647> : vector<2xi32>
      %reduce_min3A_143 = vector.multi_reduction <minsi>, %select_n3A_141, %reduce_min3A_142 [1] : vector<2x512xi32> to vector<2xi32>
      %broadcast_in_dim3A_144 = vector.shape_cast %reduce_min3A_143 : vector<2xi32> to vector<2x1xi32>
      %eq3A_145 = arith.constant 3 : i32
      %eq3A_146 = vector.broadcast %eq3A_145 : i32 to vector<2x32xi32>
      %eq3A_147 = arith.cmpi eq, %iota3A_50, %eq3A_146 : vector<2x32xi32>
      %broadcast_in_dim3A_148 = vector.shape_cast %broadcast_in_dim3A_136 : vector<2x1xf32> to vector<2x1xf32>
      %broadcast_in_dim3A_149 = vector.broadcast %broadcast_in_dim3A_148 : vector<2x1xf32> to vector<2x32xf32>
      %select_n3A_150 = arith.select %eq3A_147, %broadcast_in_dim3A_149, %select_n3A_122 : vector<2x32xi1>, vector<2x32xf32>
      %eq3A_151 = arith.constant 3 : i32
      %eq3A_152 = vector.broadcast %eq3A_151 : i32 to vector<2x32xi32>
      %eq3A_153 = arith.cmpi eq, %iota3A_50, %eq3A_152 : vector<2x32xi32>
      %broadcast_in_dim3A_154 = vector.shape_cast %broadcast_in_dim3A_144 : vector<2x1xi32> to vector<2x1xi32>
      %broadcast_in_dim3A_155 = vector.broadcast %broadcast_in_dim3A_154 : vector<2x1xi32> to vector<2x32xi32>
      %select_n3A_156 = arith.select %eq3A_153, %broadcast_in_dim3A_155, %select_n3A_128 : vector<2x32xi1>, vector<2x32xi32>
      %eq3A_157 = vector.broadcast %broadcast_in_dim3A_144 : vector<2x1xi32> to vector<2x512xi32>
      %eq3A_158 = arith.cmpi eq, %iota3A, %eq3A_157 : vector<2x512xi32>
      %jit3A_159 = arith.constant -1.000000e+30 : f32
      %broadcast_in_dim3A_160 = vector.broadcast %jit3A_159 : f32 to vector<2x512xf32>
      %select_n3A_161 = arith.select %eq3A_158, %broadcast_in_dim3A_160, %select_n3A_133 : vector<2x512xi1>, vector<2x512xf32>
      %reduce_max3A_162 = arith.constant dense<0xFF800000> : vector<2xf32>
      %reduce_max3A_163 = vector.multi_reduction <maximumf>, %select_n3A_161, %reduce_max3A_162 [1] : vector<2x512xf32> to vector<2xf32>
      %broadcast_in_dim3A_164 = vector.shape_cast %reduce_max3A_163 : vector<2xf32> to vector<2x1xf32>
      %eq3A_165 = vector.broadcast %broadcast_in_dim3A_164 : vector<2x1xf32> to vector<2x512xf32>
      %eq3A_166 = arith.cmpf oeq, %select_n3A_161, %eq3A_165 : vector<2x512xf32>
      %jit3A_167 = arith.constant 1073741824 : i32
      %broadcast_in_dim3A_168 = vector.broadcast %jit3A_167 : i32 to vector<2x512xi32>
      %select_n3A_169 = arith.select %eq3A_166, %iota3A, %broadcast_in_dim3A_168 : vector<2x512xi1>, vector<2x512xi32>
      %reduce_min3A_170 = arith.constant dense<2147483647> : vector<2xi32>
      %reduce_min3A_171 = vector.multi_reduction <minsi>, %select_n3A_169, %reduce_min3A_170 [1] : vector<2x512xi32> to vector<2xi32>
      %broadcast_in_dim3A_172 = vector.shape_cast %reduce_min3A_171 : vector<2xi32> to vector<2x1xi32>
      %eq3A_173 = arith.constant 4 : i32
      %eq3A_174 = vector.broadcast %eq3A_173 : i32 to vector<2x32xi32>
      %eq3A_175 = arith.cmpi eq, %iota3A_50, %eq3A_174 : vector<2x32xi32>
      %broadcast_in_dim3A_176 = vector.shape_cast %broadcast_in_dim3A_164 : vector<2x1xf32> to vector<2x1xf32>
      %broadcast_in_dim3A_177 = vector.broadcast %broadcast_in_dim3A_176 : vector<2x1xf32> to vector<2x32xf32>
      %select_n3A_178 = arith.select %eq3A_175, %broadcast_in_dim3A_177, %select_n3A_150 : vector<2x32xi1>, vector<2x32xf32>
      %eq3A_179 = arith.constant 4 : i32
      %eq3A_180 = vector.broadcast %eq3A_179 : i32 to vector<2x32xi32>
      %eq3A_181 = arith.cmpi eq, %iota3A_50, %eq3A_180 : vector<2x32xi32>
      %broadcast_in_dim3A_182 = vector.shape_cast %broadcast_in_dim3A_172 : vector<2x1xi32> to vector<2x1xi32>
      %broadcast_in_dim3A_183 = vector.broadcast %broadcast_in_dim3A_182 : vector<2x1xi32> to vector<2x32xi32>
      %select_n3A_184 = arith.select %eq3A_181, %broadcast_in_dim3A_183, %select_n3A_156 : vector<2x32xi1>, vector<2x32xi32>
      %eq3A_185 = vector.broadcast %broadcast_in_dim3A_172 : vector<2x1xi32> to vector<2x512xi32>
      %eq3A_186 = arith.cmpi eq, %iota3A, %eq3A_185 : vector<2x512xi32>
      %jit3A_187 = arith.constant -1.000000e+30 : f32
      %broadcast_in_dim3A_188 = vector.broadcast %jit3A_187 : f32 to vector<2x512xf32>
      %select_n3A_189 = arith.select %eq3A_186, %broadcast_in_dim3A_188, %select_n3A_161 : vector<2x512xi1>, vector<2x512xf32>
      %reduce_max3A_190 = arith.constant dense<0xFF800000> : vector<2xf32>
      %reduce_max3A_191 = vector.multi_reduction <maximumf>, %select_n3A_189, %reduce_max3A_190 [1] : vector<2x512xf32> to vector<2xf32>
      %broadcast_in_dim3A_192 = vector.shape_cast %reduce_max3A_191 : vector<2xf32> to vector<2x1xf32>
      %eq3A_193 = vector.broadcast %broadcast_in_dim3A_192 : vector<2x1xf32> to vector<2x512xf32>
      %eq3A_194 = arith.cmpf oeq, %select_n3A_189, %eq3A_193 : vector<2x512xf32>
      %jit3A_195 = arith.constant 1073741824 : i32
      %broadcast_in_dim3A_196 = vector.broadcast %jit3A_195 : i32 to vector<2x512xi32>
      %select_n3A_197 = arith.select %eq3A_194, %iota3A, %broadcast_in_dim3A_196 : vector<2x512xi1>, vector<2x512xi32>
      %reduce_min3A_198 = arith.constant dense<2147483647> : vector<2xi32>
      %reduce_min3A_199 = vector.multi_reduction <minsi>, %select_n3A_197, %reduce_min3A_198 [1] : vector<2x512xi32> to vector<2xi32>
      %broadcast_in_dim3A_200 = vector.shape_cast %reduce_min3A_199 : vector<2xi32> to vector<2x1xi32>
      %eq3A_201 = arith.constant 5 : i32
      %eq3A_202 = vector.broadcast %eq3A_201 : i32 to vector<2x32xi32>
      %eq3A_203 = arith.cmpi eq, %iota3A_50, %eq3A_202 : vector<2x32xi32>
      %broadcast_in_dim3A_204 = vector.shape_cast %broadcast_in_dim3A_192 : vector<2x1xf32> to vector<2x1xf32>
      %broadcast_in_dim3A_205 = vector.broadcast %broadcast_in_dim3A_204 : vector<2x1xf32> to vector<2x32xf32>
      %select_n3A_206 = arith.select %eq3A_203, %broadcast_in_dim3A_205, %select_n3A_178 : vector<2x32xi1>, vector<2x32xf32>
      %eq3A_207 = arith.constant 5 : i32
      %eq3A_208 = vector.broadcast %eq3A_207 : i32 to vector<2x32xi32>
      %eq3A_209 = arith.cmpi eq, %iota3A_50, %eq3A_208 : vector<2x32xi32>
      %broadcast_in_dim3A_210 = vector.shape_cast %broadcast_in_dim3A_200 : vector<2x1xi32> to vector<2x1xi32>
      %broadcast_in_dim3A_211 = vector.broadcast %broadcast_in_dim3A_210 : vector<2x1xi32> to vector<2x32xi32>
      %select_n3A_212 = arith.select %eq3A_209, %broadcast_in_dim3A_211, %select_n3A_184 : vector<2x32xi1>, vector<2x32xi32>
      %eq3A_213 = vector.broadcast %broadcast_in_dim3A_200 : vector<2x1xi32> to vector<2x512xi32>
      %eq3A_214 = arith.cmpi eq, %iota3A, %eq3A_213 : vector<2x512xi32>
      %jit3A_215 = arith.constant -1.000000e+30 : f32
      %broadcast_in_dim3A_216 = vector.broadcast %jit3A_215 : f32 to vector<2x512xf32>
      %select_n3A_217 = arith.select %eq3A_214, %broadcast_in_dim3A_216, %select_n3A_189 : vector<2x512xi1>, vector<2x512xf32>
      %reduce_max3A_218 = arith.constant dense<0xFF800000> : vector<2xf32>
      %reduce_max3A_219 = vector.multi_reduction <maximumf>, %select_n3A_217, %reduce_max3A_218 [1] : vector<2x512xf32> to vector<2xf32>
      %broadcast_in_dim3A_220 = vector.shape_cast %reduce_max3A_219 : vector<2xf32> to vector<2x1xf32>
      %eq3A_221 = vector.broadcast %broadcast_in_dim3A_220 : vector<2x1xf32> to vector<2x512xf32>
      %eq3A_222 = arith.cmpf oeq, %select_n3A_217, %eq3A_221 : vector<2x512xf32>
      %jit3A_223 = arith.constant 1073741824 : i32
      %broadcast_in_dim3A_224 = vector.broadcast %jit3A_223 : i32 to vector<2x512xi32>
      %select_n3A_225 = arith.select %eq3A_222, %iota3A, %broadcast_in_dim3A_224 : vector<2x512xi1>, vector<2x512xi32>
      %reduce_min3A_226 = arith.constant dense<2147483647> : vector<2xi32>
      %reduce_min3A_227 = vector.multi_reduction <minsi>, %select_n3A_225, %reduce_min3A_226 [1] : vector<2x512xi32> to vector<2xi32>
      %broadcast_in_dim3A_228 = vector.shape_cast %reduce_min3A_227 : vector<2xi32> to vector<2x1xi32>
      %eq3A_229 = arith.constant 6 : i32
      %eq3A_230 = vector.broadcast %eq3A_229 : i32 to vector<2x32xi32>
      %eq3A_231 = arith.cmpi eq, %iota3A_50, %eq3A_230 : vector<2x32xi32>
      %broadcast_in_dim3A_232 = vector.shape_cast %broadcast_in_dim3A_220 : vector<2x1xf32> to vector<2x1xf32>
      %broadcast_in_dim3A_233 = vector.broadcast %broadcast_in_dim3A_232 : vector<2x1xf32> to vector<2x32xf32>
      %select_n3A_234 = arith.select %eq3A_231, %broadcast_in_dim3A_233, %select_n3A_206 : vector<2x32xi1>, vector<2x32xf32>
      %eq3A_235 = arith.constant 6 : i32
      %eq3A_236 = vector.broadcast %eq3A_235 : i32 to vector<2x32xi32>
      %eq3A_237 = arith.cmpi eq, %iota3A_50, %eq3A_236 : vector<2x32xi32>
      %broadcast_in_dim3A_238 = vector.shape_cast %broadcast_in_dim3A_228 : vector<2x1xi32> to vector<2x1xi32>
      %broadcast_in_dim3A_239 = vector.broadcast %broadcast_in_dim3A_238 : vector<2x1xi32> to vector<2x32xi32>
      %select_n3A_240 = arith.select %eq3A_237, %broadcast_in_dim3A_239, %select_n3A_212 : vector<2x32xi1>, vector<2x32xi32>
      %eq3A_241 = vector.broadcast %broadcast_in_dim3A_228 : vector<2x1xi32> to vector<2x512xi32>
      %eq3A_242 = arith.cmpi eq, %iota3A, %eq3A_241 : vector<2x512xi32>
      %jit3A_243 = arith.constant -1.000000e+30 : f32
      %broadcast_in_dim3A_244 = vector.broadcast %jit3A_243 : f32 to vector<2x512xf32>
      %select_n3A_245 = arith.select %eq3A_242, %broadcast_in_dim3A_244, %select_n3A_217 : vector<2x512xi1>, vector<2x512xf32>
      %reduce_max3A_246 = arith.constant dense<0xFF800000> : vector<2xf32>
      %reduce_max3A_247 = vector.multi_reduction <maximumf>, %select_n3A_245, %reduce_max3A_246 [1] : vector<2x512xf32> to vector<2xf32>
      %broadcast_in_dim3A_248 = vector.shape_cast %reduce_max3A_247 : vector<2xf32> to vector<2x1xf32>
      %eq3A_249 = vector.broadcast %broadcast_in_dim3A_248 : vector<2x1xf32> to vector<2x512xf32>
      %eq3A_250 = arith.cmpf oeq, %select_n3A_245, %eq3A_249 : vector<2x512xf32>
      %jit3A_251 = arith.constant 1073741824 : i32
      %broadcast_in_dim3A_252 = vector.broadcast %jit3A_251 : i32 to vector<2x512xi32>
      %select_n3A_253 = arith.select %eq3A_250, %iota3A, %broadcast_in_dim3A_252 : vector<2x512xi1>, vector<2x512xi32>
      %reduce_min3A_254 = arith.constant dense<2147483647> : vector<2xi32>
      %reduce_min3A_255 = vector.multi_reduction <minsi>, %select_n3A_253, %reduce_min3A_254 [1] : vector<2x512xi32> to vector<2xi32>
      %broadcast_in_dim3A_256 = vector.shape_cast %reduce_min3A_255 : vector<2xi32> to vector<2x1xi32>
      %eq3A_257 = arith.constant 7 : i32
      %eq3A_258 = vector.broadcast %eq3A_257 : i32 to vector<2x32xi32>
      %eq3A_259 = arith.cmpi eq, %iota3A_50, %eq3A_258 : vector<2x32xi32>
      %broadcast_in_dim3A_260 = vector.shape_cast %broadcast_in_dim3A_248 : vector<2x1xf32> to vector<2x1xf32>
      %broadcast_in_dim3A_261 = vector.broadcast %broadcast_in_dim3A_260 : vector<2x1xf32> to vector<2x32xf32>
      %select_n3A_262 = arith.select %eq3A_259, %broadcast_in_dim3A_261, %select_n3A_234 : vector<2x32xi1>, vector<2x32xf32>
      %eq3A_263 = arith.constant 7 : i32
      %eq3A_264 = vector.broadcast %eq3A_263 : i32 to vector<2x32xi32>
      %eq3A_265 = arith.cmpi eq, %iota3A_50, %eq3A_264 : vector<2x32xi32>
      %broadcast_in_dim3A_266 = vector.shape_cast %broadcast_in_dim3A_256 : vector<2x1xi32> to vector<2x1xi32>
      %broadcast_in_dim3A_267 = vector.broadcast %broadcast_in_dim3A_266 : vector<2x1xi32> to vector<2x32xi32>
      %select_n3A_268 = arith.select %eq3A_265, %broadcast_in_dim3A_267, %select_n3A_240 : vector<2x32xi1>, vector<2x32xi32>
      %eq3A_269 = vector.broadcast %broadcast_in_dim3A_256 : vector<2x1xi32> to vector<2x512xi32>
      %eq3A_270 = arith.cmpi eq, %iota3A, %eq3A_269 : vector<2x512xi32>
      %jit3A_271 = arith.constant -1.000000e+30 : f32
      %broadcast_in_dim3A_272 = vector.broadcast %jit3A_271 : f32 to vector<2x512xf32>
      %select_n3A_273 = arith.select %eq3A_270, %broadcast_in_dim3A_272, %select_n3A_245 : vector<2x512xi1>, vector<2x512xf32>
      %reduce_max3A_274 = arith.constant dense<0xFF800000> : vector<2xf32>
      %reduce_max3A_275 = vector.multi_reduction <maximumf>, %select_n3A_273, %reduce_max3A_274 [1] : vector<2x512xf32> to vector<2xf32>
      %broadcast_in_dim3A_276 = vector.shape_cast %reduce_max3A_275 : vector<2xf32> to vector<2x1xf32>
      %eq3A_277 = vector.broadcast %broadcast_in_dim3A_276 : vector<2x1xf32> to vector<2x512xf32>
      %eq3A_278 = arith.cmpf oeq, %select_n3A_273, %eq3A_277 : vector<2x512xf32>
      %jit3A_279 = arith.constant 1073741824 : i32
      %broadcast_in_dim3A_280 = vector.broadcast %jit3A_279 : i32 to vector<2x512xi32>
      %select_n3A_281 = arith.select %eq3A_278, %iota3A, %broadcast_in_dim3A_280 : vector<2x512xi1>, vector<2x512xi32>
      %reduce_min3A_282 = arith.constant dense<2147483647> : vector<2xi32>
      %reduce_min3A_283 = vector.multi_reduction <minsi>, %select_n3A_281, %reduce_min3A_282 [1] : vector<2x512xi32> to vector<2xi32>
      %broadcast_in_dim3A_284 = vector.shape_cast %reduce_min3A_283 : vector<2xi32> to vector<2x1xi32>
      %eq3A_285 = arith.constant 8 : i32
      %eq3A_286 = vector.broadcast %eq3A_285 : i32 to vector<2x32xi32>
      %eq3A_287 = arith.cmpi eq, %iota3A_50, %eq3A_286 : vector<2x32xi32>
      %broadcast_in_dim3A_288 = vector.shape_cast %broadcast_in_dim3A_276 : vector<2x1xf32> to vector<2x1xf32>
      %broadcast_in_dim3A_289 = vector.broadcast %broadcast_in_dim3A_288 : vector<2x1xf32> to vector<2x32xf32>
      %select_n3A_290 = arith.select %eq3A_287, %broadcast_in_dim3A_289, %select_n3A_262 : vector<2x32xi1>, vector<2x32xf32>
      %eq3A_291 = arith.constant 8 : i32
      %eq3A_292 = vector.broadcast %eq3A_291 : i32 to vector<2x32xi32>
      %eq3A_293 = arith.cmpi eq, %iota3A_50, %eq3A_292 : vector<2x32xi32>
      %broadcast_in_dim3A_294 = vector.shape_cast %broadcast_in_dim3A_284 : vector<2x1xi32> to vector<2x1xi32>
      %broadcast_in_dim3A_295 = vector.broadcast %broadcast_in_dim3A_294 : vector<2x1xi32> to vector<2x32xi32>
      %select_n3A_296 = arith.select %eq3A_293, %broadcast_in_dim3A_295, %select_n3A_268 : vector<2x32xi1>, vector<2x32xi32>
      %eq3A_297 = vector.broadcast %broadcast_in_dim3A_284 : vector<2x1xi32> to vector<2x512xi32>
      %eq3A_298 = arith.cmpi eq, %iota3A, %eq3A_297 : vector<2x512xi32>
      %jit3A_299 = arith.constant -1.000000e+30 : f32
      %broadcast_in_dim3A_300 = vector.broadcast %jit3A_299 : f32 to vector<2x512xf32>
      %select_n3A_301 = arith.select %eq3A_298, %broadcast_in_dim3A_300, %select_n3A_273 : vector<2x512xi1>, vector<2x512xf32>
      %reduce_max3A_302 = arith.constant dense<0xFF800000> : vector<2xf32>
      %reduce_max3A_303 = vector.multi_reduction <maximumf>, %select_n3A_301, %reduce_max3A_302 [1] : vector<2x512xf32> to vector<2xf32>
      %broadcast_in_dim3A_304 = vector.shape_cast %reduce_max3A_303 : vector<2xf32> to vector<2x1xf32>
      %eq3A_305 = vector.broadcast %broadcast_in_dim3A_304 : vector<2x1xf32> to vector<2x512xf32>
      %eq3A_306 = arith.cmpf oeq, %select_n3A_301, %eq3A_305 : vector<2x512xf32>
      %jit3A_307 = arith.constant 1073741824 : i32
      %broadcast_in_dim3A_308 = vector.broadcast %jit3A_307 : i32 to vector<2x512xi32>
      %select_n3A_309 = arith.select %eq3A_306, %iota3A, %broadcast_in_dim3A_308 : vector<2x512xi1>, vector<2x512xi32>
      %reduce_min3A_310 = arith.constant dense<2147483647> : vector<2xi32>
      %reduce_min3A_311 = vector.multi_reduction <minsi>, %select_n3A_309, %reduce_min3A_310 [1] : vector<2x512xi32> to vector<2xi32>
      %broadcast_in_dim3A_312 = vector.shape_cast %reduce_min3A_311 : vector<2xi32> to vector<2x1xi32>
      %eq3A_313 = arith.constant 9 : i32
      %eq3A_314 = vector.broadcast %eq3A_313 : i32 to vector<2x32xi32>
      %eq3A_315 = arith.cmpi eq, %iota3A_50, %eq3A_314 : vector<2x32xi32>
      %broadcast_in_dim3A_316 = vector.shape_cast %broadcast_in_dim3A_304 : vector<2x1xf32> to vector<2x1xf32>
      %broadcast_in_dim3A_317 = vector.broadcast %broadcast_in_dim3A_316 : vector<2x1xf32> to vector<2x32xf32>
      %select_n3A_318 = arith.select %eq3A_315, %broadcast_in_dim3A_317, %select_n3A_290 : vector<2x32xi1>, vector<2x32xf32>
      %eq3A_319 = arith.constant 9 : i32
      %eq3A_320 = vector.broadcast %eq3A_319 : i32 to vector<2x32xi32>
      %eq3A_321 = arith.cmpi eq, %iota3A_50, %eq3A_320 : vector<2x32xi32>
      %broadcast_in_dim3A_322 = vector.shape_cast %broadcast_in_dim3A_312 : vector<2x1xi32> to vector<2x1xi32>
      %broadcast_in_dim3A_323 = vector.broadcast %broadcast_in_dim3A_322 : vector<2x1xi32> to vector<2x32xi32>
      %select_n3A_324 = arith.select %eq3A_321, %broadcast_in_dim3A_323, %select_n3A_296 : vector<2x32xi1>, vector<2x32xi32>
      %eq3A_325 = vector.broadcast %broadcast_in_dim3A_312 : vector<2x1xi32> to vector<2x512xi32>
      %eq3A_326 = arith.cmpi eq, %iota3A, %eq3A_325 : vector<2x512xi32>
      %jit3A_327 = arith.constant -1.000000e+30 : f32
      %broadcast_in_dim3A_328 = vector.broadcast %jit3A_327 : f32 to vector<2x512xf32>
      %select_n3A_329 = arith.select %eq3A_326, %broadcast_in_dim3A_328, %select_n3A_301 : vector<2x512xi1>, vector<2x512xf32>
      %reduce_max3A_330 = arith.constant dense<0xFF800000> : vector<2xf32>
      %reduce_max3A_331 = vector.multi_reduction <maximumf>, %select_n3A_329, %reduce_max3A_330 [1] : vector<2x512xf32> to vector<2xf32>
      %broadcast_in_dim3A_332 = vector.shape_cast %reduce_max3A_331 : vector<2xf32> to vector<2x1xf32>
      %eq3A_333 = vector.broadcast %broadcast_in_dim3A_332 : vector<2x1xf32> to vector<2x512xf32>
      %eq3A_334 = arith.cmpf oeq, %select_n3A_329, %eq3A_333 : vector<2x512xf32>
      %jit3A_335 = arith.constant 1073741824 : i32
      %broadcast_in_dim3A_336 = vector.broadcast %jit3A_335 : i32 to vector<2x512xi32>
      %select_n3A_337 = arith.select %eq3A_334, %iota3A, %broadcast_in_dim3A_336 : vector<2x512xi1>, vector<2x512xi32>
      %reduce_min3A_338 = arith.constant dense<2147483647> : vector<2xi32>
      %reduce_min3A_339 = vector.multi_reduction <minsi>, %select_n3A_337, %reduce_min3A_338 [1] : vector<2x512xi32> to vector<2xi32>
      %broadcast_in_dim3A_340 = vector.shape_cast %reduce_min3A_339 : vector<2xi32> to vector<2x1xi32>
      %eq3A_341 = arith.constant 10 : i32
      %eq3A_342 = vector.broadcast %eq3A_341 : i32 to vector<2x32xi32>
      %eq3A_343 = arith.cmpi eq, %iota3A_50, %eq3A_342 : vector<2x32xi32>
      %broadcast_in_dim3A_344 = vector.shape_cast %broadcast_in_dim3A_332 : vector<2x1xf32> to vector<2x1xf32>
      %broadcast_in_dim3A_345 = vector.broadcast %broadcast_in_dim3A_344 : vector<2x1xf32> to vector<2x32xf32>
      %select_n3A_346 = arith.select %eq3A_343, %broadcast_in_dim3A_345, %select_n3A_318 : vector<2x32xi1>, vector<2x32xf32>
      %eq3A_347 = arith.constant 10 : i32
      %eq3A_348 = vector.broadcast %eq3A_347 : i32 to vector<2x32xi32>
      %eq3A_349 = arith.cmpi eq, %iota3A_50, %eq3A_348 : vector<2x32xi32>
      %broadcast_in_dim3A_350 = vector.shape_cast %broadcast_in_dim3A_340 : vector<2x1xi32> to vector<2x1xi32>
      %broadcast_in_dim3A_351 = vector.broadcast %broadcast_in_dim3A_350 : vector<2x1xi32> to vector<2x32xi32>
      %select_n3A_352 = arith.select %eq3A_349, %broadcast_in_dim3A_351, %select_n3A_324 : vector<2x32xi1>, vector<2x32xi32>
      %eq3A_353 = vector.broadcast %broadcast_in_dim3A_340 : vector<2x1xi32> to vector<2x512xi32>
      %eq3A_354 = arith.cmpi eq, %iota3A, %eq3A_353 : vector<2x512xi32>
      %jit3A_355 = arith.constant -1.000000e+30 : f32
      %broadcast_in_dim3A_356 = vector.broadcast %jit3A_355 : f32 to vector<2x512xf32>
      %select_n3A_357 = arith.select %eq3A_354, %broadcast_in_dim3A_356, %select_n3A_329 : vector<2x512xi1>, vector<2x512xf32>
      %reduce_max3A_358 = arith.constant dense<0xFF800000> : vector<2xf32>
      %reduce_max3A_359 = vector.multi_reduction <maximumf>, %select_n3A_357, %reduce_max3A_358 [1] : vector<2x512xf32> to vector<2xf32>
      %broadcast_in_dim3A_360 = vector.shape_cast %reduce_max3A_359 : vector<2xf32> to vector<2x1xf32>
      %eq3A_361 = vector.broadcast %broadcast_in_dim3A_360 : vector<2x1xf32> to vector<2x512xf32>
      %eq3A_362 = arith.cmpf oeq, %select_n3A_357, %eq3A_361 : vector<2x512xf32>
      %jit3A_363 = arith.constant 1073741824 : i32
      %broadcast_in_dim3A_364 = vector.broadcast %jit3A_363 : i32 to vector<2x512xi32>
      %select_n3A_365 = arith.select %eq3A_362, %iota3A, %broadcast_in_dim3A_364 : vector<2x512xi1>, vector<2x512xi32>
      %reduce_min3A_366 = arith.constant dense<2147483647> : vector<2xi32>
      %reduce_min3A_367 = vector.multi_reduction <minsi>, %select_n3A_365, %reduce_min3A_366 [1] : vector<2x512xi32> to vector<2xi32>
      %broadcast_in_dim3A_368 = vector.shape_cast %reduce_min3A_367 : vector<2xi32> to vector<2x1xi32>
      %eq3A_369 = arith.constant 11 : i32
      %eq3A_370 = vector.broadcast %eq3A_369 : i32 to vector<2x32xi32>
      %eq3A_371 = arith.cmpi eq, %iota3A_50, %eq3A_370 : vector<2x32xi32>
      %broadcast_in_dim3A_372 = vector.shape_cast %broadcast_in_dim3A_360 : vector<2x1xf32> to vector<2x1xf32>
      %broadcast_in_dim3A_373 = vector.broadcast %broadcast_in_dim3A_372 : vector<2x1xf32> to vector<2x32xf32>
      %select_n3A_374 = arith.select %eq3A_371, %broadcast_in_dim3A_373, %select_n3A_346 : vector<2x32xi1>, vector<2x32xf32>
      %eq3A_375 = arith.constant 11 : i32
      %eq3A_376 = vector.broadcast %eq3A_375 : i32 to vector<2x32xi32>
      %eq3A_377 = arith.cmpi eq, %iota3A_50, %eq3A_376 : vector<2x32xi32>
      %broadcast_in_dim3A_378 = vector.shape_cast %broadcast_in_dim3A_368 : vector<2x1xi32> to vector<2x1xi32>
      %broadcast_in_dim3A_379 = vector.broadcast %broadcast_in_dim3A_378 : vector<2x1xi32> to vector<2x32xi32>
      %select_n3A_380 = arith.select %eq3A_377, %broadcast_in_dim3A_379, %select_n3A_352 : vector<2x32xi1>, vector<2x32xi32>
      %eq3A_381 = vector.broadcast %broadcast_in_dim3A_368 : vector<2x1xi32> to vector<2x512xi32>
      %eq3A_382 = arith.cmpi eq, %iota3A, %eq3A_381 : vector<2x512xi32>
      %jit3A_383 = arith.constant -1.000000e+30 : f32
      %broadcast_in_dim3A_384 = vector.broadcast %jit3A_383 : f32 to vector<2x512xf32>
      %select_n3A_385 = arith.select %eq3A_382, %broadcast_in_dim3A_384, %select_n3A_357 : vector<2x512xi1>, vector<2x512xf32>
      %reduce_max3A_386 = arith.constant dense<0xFF800000> : vector<2xf32>
      %reduce_max3A_387 = vector.multi_reduction <maximumf>, %select_n3A_385, %reduce_max3A_386 [1] : vector<2x512xf32> to vector<2xf32>
      %broadcast_in_dim3A_388 = vector.shape_cast %reduce_max3A_387 : vector<2xf32> to vector<2x1xf32>
      %eq3A_389 = vector.broadcast %broadcast_in_dim3A_388 : vector<2x1xf32> to vector<2x512xf32>
      %eq3A_390 = arith.cmpf oeq, %select_n3A_385, %eq3A_389 : vector<2x512xf32>
      %jit3A_391 = arith.constant 1073741824 : i32
      %broadcast_in_dim3A_392 = vector.broadcast %jit3A_391 : i32 to vector<2x512xi32>
      %select_n3A_393 = arith.select %eq3A_390, %iota3A, %broadcast_in_dim3A_392 : vector<2x512xi1>, vector<2x512xi32>
      %reduce_min3A_394 = arith.constant dense<2147483647> : vector<2xi32>
      %reduce_min3A_395 = vector.multi_reduction <minsi>, %select_n3A_393, %reduce_min3A_394 [1] : vector<2x512xi32> to vector<2xi32>
      %broadcast_in_dim3A_396 = vector.shape_cast %reduce_min3A_395 : vector<2xi32> to vector<2x1xi32>
      %eq3A_397 = arith.constant 12 : i32
      %eq3A_398 = vector.broadcast %eq3A_397 : i32 to vector<2x32xi32>
      %eq3A_399 = arith.cmpi eq, %iota3A_50, %eq3A_398 : vector<2x32xi32>
      %broadcast_in_dim3A_400 = vector.shape_cast %broadcast_in_dim3A_388 : vector<2x1xf32> to vector<2x1xf32>
      %broadcast_in_dim3A_401 = vector.broadcast %broadcast_in_dim3A_400 : vector<2x1xf32> to vector<2x32xf32>
      %select_n3A_402 = arith.select %eq3A_399, %broadcast_in_dim3A_401, %select_n3A_374 : vector<2x32xi1>, vector<2x32xf32>
      %eq3A_403 = arith.constant 12 : i32
      %eq3A_404 = vector.broadcast %eq3A_403 : i32 to vector<2x32xi32>
      %eq3A_405 = arith.cmpi eq, %iota3A_50, %eq3A_404 : vector<2x32xi32>
      %broadcast_in_dim3A_406 = vector.shape_cast %broadcast_in_dim3A_396 : vector<2x1xi32> to vector<2x1xi32>
      %broadcast_in_dim3A_407 = vector.broadcast %broadcast_in_dim3A_406 : vector<2x1xi32> to vector<2x32xi32>
      %select_n3A_408 = arith.select %eq3A_405, %broadcast_in_dim3A_407, %select_n3A_380 : vector<2x32xi1>, vector<2x32xi32>
      %eq3A_409 = vector.broadcast %broadcast_in_dim3A_396 : vector<2x1xi32> to vector<2x512xi32>
      %eq3A_410 = arith.cmpi eq, %iota3A, %eq3A_409 : vector<2x512xi32>
      %jit3A_411 = arith.constant -1.000000e+30 : f32
      %broadcast_in_dim3A_412 = vector.broadcast %jit3A_411 : f32 to vector<2x512xf32>
      %select_n3A_413 = arith.select %eq3A_410, %broadcast_in_dim3A_412, %select_n3A_385 : vector<2x512xi1>, vector<2x512xf32>
      %reduce_max3A_414 = arith.constant dense<0xFF800000> : vector<2xf32>
      %reduce_max3A_415 = vector.multi_reduction <maximumf>, %select_n3A_413, %reduce_max3A_414 [1] : vector<2x512xf32> to vector<2xf32>
      %broadcast_in_dim3A_416 = vector.shape_cast %reduce_max3A_415 : vector<2xf32> to vector<2x1xf32>
      %eq3A_417 = vector.broadcast %broadcast_in_dim3A_416 : vector<2x1xf32> to vector<2x512xf32>
      %eq3A_418 = arith.cmpf oeq, %select_n3A_413, %eq3A_417 : vector<2x512xf32>
      %jit3A_419 = arith.constant 1073741824 : i32
      %broadcast_in_dim3A_420 = vector.broadcast %jit3A_419 : i32 to vector<2x512xi32>
      %select_n3A_421 = arith.select %eq3A_418, %iota3A, %broadcast_in_dim3A_420 : vector<2x512xi1>, vector<2x512xi32>
      %reduce_min3A_422 = arith.constant dense<2147483647> : vector<2xi32>
      %reduce_min3A_423 = vector.multi_reduction <minsi>, %select_n3A_421, %reduce_min3A_422 [1] : vector<2x512xi32> to vector<2xi32>
      %broadcast_in_dim3A_424 = vector.shape_cast %reduce_min3A_423 : vector<2xi32> to vector<2x1xi32>
      %eq3A_425 = arith.constant 13 : i32
      %eq3A_426 = vector.broadcast %eq3A_425 : i32 to vector<2x32xi32>
      %eq3A_427 = arith.cmpi eq, %iota3A_50, %eq3A_426 : vector<2x32xi32>
      %broadcast_in_dim3A_428 = vector.shape_cast %broadcast_in_dim3A_416 : vector<2x1xf32> to vector<2x1xf32>
      %broadcast_in_dim3A_429 = vector.broadcast %broadcast_in_dim3A_428 : vector<2x1xf32> to vector<2x32xf32>
      %select_n3A_430 = arith.select %eq3A_427, %broadcast_in_dim3A_429, %select_n3A_402 : vector<2x32xi1>, vector<2x32xf32>
      %eq3A_431 = arith.constant 13 : i32
      %eq3A_432 = vector.broadcast %eq3A_431 : i32 to vector<2x32xi32>
      %eq3A_433 = arith.cmpi eq, %iota3A_50, %eq3A_432 : vector<2x32xi32>
      %broadcast_in_dim3A_434 = vector.shape_cast %broadcast_in_dim3A_424 : vector<2x1xi32> to vector<2x1xi32>
      %broadcast_in_dim3A_435 = vector.broadcast %broadcast_in_dim3A_434 : vector<2x1xi32> to vector<2x32xi32>
      %select_n3A_436 = arith.select %eq3A_433, %broadcast_in_dim3A_435, %select_n3A_408 : vector<2x32xi1>, vector<2x32xi32>
      %eq3A_437 = vector.broadcast %broadcast_in_dim3A_424 : vector<2x1xi32> to vector<2x512xi32>
      %eq3A_438 = arith.cmpi eq, %iota3A, %eq3A_437 : vector<2x512xi32>
      %jit3A_439 = arith.constant -1.000000e+30 : f32
      %broadcast_in_dim3A_440 = vector.broadcast %jit3A_439 : f32 to vector<2x512xf32>
      %select_n3A_441 = arith.select %eq3A_438, %broadcast_in_dim3A_440, %select_n3A_413 : vector<2x512xi1>, vector<2x512xf32>
      %reduce_max3A_442 = arith.constant dense<0xFF800000> : vector<2xf32>
      %reduce_max3A_443 = vector.multi_reduction <maximumf>, %select_n3A_441, %reduce_max3A_442 [1] : vector<2x512xf32> to vector<2xf32>
      %broadcast_in_dim3A_444 = vector.shape_cast %reduce_max3A_443 : vector<2xf32> to vector<2x1xf32>
      %eq3A_445 = vector.broadcast %broadcast_in_dim3A_444 : vector<2x1xf32> to vector<2x512xf32>
      %eq3A_446 = arith.cmpf oeq, %select_n3A_441, %eq3A_445 : vector<2x512xf32>
      %jit3A_447 = arith.constant 1073741824 : i32
      %broadcast_in_dim3A_448 = vector.broadcast %jit3A_447 : i32 to vector<2x512xi32>
      %select_n3A_449 = arith.select %eq3A_446, %iota3A, %broadcast_in_dim3A_448 : vector<2x512xi1>, vector<2x512xi32>
      %reduce_min3A_450 = arith.constant dense<2147483647> : vector<2xi32>
      %reduce_min3A_451 = vector.multi_reduction <minsi>, %select_n3A_449, %reduce_min3A_450 [1] : vector<2x512xi32> to vector<2xi32>
      %broadcast_in_dim3A_452 = vector.shape_cast %reduce_min3A_451 : vector<2xi32> to vector<2x1xi32>
      %eq3A_453 = arith.constant 14 : i32
      %eq3A_454 = vector.broadcast %eq3A_453 : i32 to vector<2x32xi32>
      %eq3A_455 = arith.cmpi eq, %iota3A_50, %eq3A_454 : vector<2x32xi32>
      %broadcast_in_dim3A_456 = vector.shape_cast %broadcast_in_dim3A_444 : vector<2x1xf32> to vector<2x1xf32>
      %broadcast_in_dim3A_457 = vector.broadcast %broadcast_in_dim3A_456 : vector<2x1xf32> to vector<2x32xf32>
      %select_n3A_458 = arith.select %eq3A_455, %broadcast_in_dim3A_457, %select_n3A_430 : vector<2x32xi1>, vector<2x32xf32>
      %eq3A_459 = arith.constant 14 : i32
      %eq3A_460 = vector.broadcast %eq3A_459 : i32 to vector<2x32xi32>
      %eq3A_461 = arith.cmpi eq, %iota3A_50, %eq3A_460 : vector<2x32xi32>
      %broadcast_in_dim3A_462 = vector.shape_cast %broadcast_in_dim3A_452 : vector<2x1xi32> to vector<2x1xi32>
      %broadcast_in_dim3A_463 = vector.broadcast %broadcast_in_dim3A_462 : vector<2x1xi32> to vector<2x32xi32>
      %select_n3A_464 = arith.select %eq3A_461, %broadcast_in_dim3A_463, %select_n3A_436 : vector<2x32xi1>, vector<2x32xi32>
      %eq3A_465 = vector.broadcast %broadcast_in_dim3A_452 : vector<2x1xi32> to vector<2x512xi32>
      %eq3A_466 = arith.cmpi eq, %iota3A, %eq3A_465 : vector<2x512xi32>
      %jit3A_467 = arith.constant -1.000000e+30 : f32
      %broadcast_in_dim3A_468 = vector.broadcast %jit3A_467 : f32 to vector<2x512xf32>
      %select_n3A_469 = arith.select %eq3A_466, %broadcast_in_dim3A_468, %select_n3A_441 : vector<2x512xi1>, vector<2x512xf32>
      %reduce_max3A_470 = arith.constant dense<0xFF800000> : vector<2xf32>
      %reduce_max3A_471 = vector.multi_reduction <maximumf>, %select_n3A_469, %reduce_max3A_470 [1] : vector<2x512xf32> to vector<2xf32>
      %broadcast_in_dim3A_472 = vector.shape_cast %reduce_max3A_471 : vector<2xf32> to vector<2x1xf32>
      %eq3A_473 = vector.broadcast %broadcast_in_dim3A_472 : vector<2x1xf32> to vector<2x512xf32>
      %eq3A_474 = arith.cmpf oeq, %select_n3A_469, %eq3A_473 : vector<2x512xf32>
      %jit3A_475 = arith.constant 1073741824 : i32
      %broadcast_in_dim3A_476 = vector.broadcast %jit3A_475 : i32 to vector<2x512xi32>
      %select_n3A_477 = arith.select %eq3A_474, %iota3A, %broadcast_in_dim3A_476 : vector<2x512xi1>, vector<2x512xi32>
      %reduce_min3A_478 = arith.constant dense<2147483647> : vector<2xi32>
      %reduce_min3A_479 = vector.multi_reduction <minsi>, %select_n3A_477, %reduce_min3A_478 [1] : vector<2x512xi32> to vector<2xi32>
      %broadcast_in_dim3A_480 = vector.shape_cast %reduce_min3A_479 : vector<2xi32> to vector<2x1xi32>
      %eq3A_481 = arith.constant 15 : i32
      %eq3A_482 = vector.broadcast %eq3A_481 : i32 to vector<2x32xi32>
      %eq3A_483 = arith.cmpi eq, %iota3A_50, %eq3A_482 : vector<2x32xi32>
      %broadcast_in_dim3A_484 = vector.shape_cast %broadcast_in_dim3A_472 : vector<2x1xf32> to vector<2x1xf32>
      %broadcast_in_dim3A_485 = vector.broadcast %broadcast_in_dim3A_484 : vector<2x1xf32> to vector<2x32xf32>
      %select_n3A_486 = arith.select %eq3A_483, %broadcast_in_dim3A_485, %select_n3A_458 : vector<2x32xi1>, vector<2x32xf32>
      %eq3A_487 = arith.constant 15 : i32
      %eq3A_488 = vector.broadcast %eq3A_487 : i32 to vector<2x32xi32>
      %eq3A_489 = arith.cmpi eq, %iota3A_50, %eq3A_488 : vector<2x32xi32>
      %broadcast_in_dim3A_490 = vector.shape_cast %broadcast_in_dim3A_480 : vector<2x1xi32> to vector<2x1xi32>
      %broadcast_in_dim3A_491 = vector.broadcast %broadcast_in_dim3A_490 : vector<2x1xi32> to vector<2x32xi32>
      %select_n3A_492 = arith.select %eq3A_489, %broadcast_in_dim3A_491, %select_n3A_464 : vector<2x32xi1>, vector<2x32xi32>
      %eq3A_493 = vector.broadcast %broadcast_in_dim3A_480 : vector<2x1xi32> to vector<2x512xi32>
      %eq3A_494 = arith.cmpi eq, %iota3A, %eq3A_493 : vector<2x512xi32>
      %jit3A_495 = arith.constant -1.000000e+30 : f32
      %broadcast_in_dim3A_496 = vector.broadcast %jit3A_495 : f32 to vector<2x512xf32>
      %select_n3A_497 = arith.select %eq3A_494, %broadcast_in_dim3A_496, %select_n3A_469 : vector<2x512xi1>, vector<2x512xf32>
      %reduce_max3A_498 = arith.constant dense<0xFF800000> : vector<2xf32>
      %reduce_max3A_499 = vector.multi_reduction <maximumf>, %select_n3A_497, %reduce_max3A_498 [1] : vector<2x512xf32> to vector<2xf32>
      %broadcast_in_dim3A_500 = vector.shape_cast %reduce_max3A_499 : vector<2xf32> to vector<2x1xf32>
      %eq3A_501 = vector.broadcast %broadcast_in_dim3A_500 : vector<2x1xf32> to vector<2x512xf32>
      %eq3A_502 = arith.cmpf oeq, %select_n3A_497, %eq3A_501 : vector<2x512xf32>
      %jit3A_503 = arith.constant 1073741824 : i32
      %broadcast_in_dim3A_504 = vector.broadcast %jit3A_503 : i32 to vector<2x512xi32>
      %select_n3A_505 = arith.select %eq3A_502, %iota3A, %broadcast_in_dim3A_504 : vector<2x512xi1>, vector<2x512xi32>
      %reduce_min3A_506 = arith.constant dense<2147483647> : vector<2xi32>
      %reduce_min3A_507 = vector.multi_reduction <minsi>, %select_n3A_505, %reduce_min3A_506 [1] : vector<2x512xi32> to vector<2xi32>
      %broadcast_in_dim3A_508 = vector.shape_cast %reduce_min3A_507 : vector<2xi32> to vector<2x1xi32>
      %eq3A_509 = arith.constant 16 : i32
      %eq3A_510 = vector.broadcast %eq3A_509 : i32 to vector<2x32xi32>
      %eq3A_511 = arith.cmpi eq, %iota3A_50, %eq3A_510 : vector<2x32xi32>
      %broadcast_in_dim3A_512 = vector.shape_cast %broadcast_in_dim3A_500 : vector<2x1xf32> to vector<2x1xf32>
      %broadcast_in_dim3A_513 = vector.broadcast %broadcast_in_dim3A_512 : vector<2x1xf32> to vector<2x32xf32>
      %select_n3A_514 = arith.select %eq3A_511, %broadcast_in_dim3A_513, %select_n3A_486 : vector<2x32xi1>, vector<2x32xf32>
      %eq3A_515 = arith.constant 16 : i32
      %eq3A_516 = vector.broadcast %eq3A_515 : i32 to vector<2x32xi32>
      %eq3A_517 = arith.cmpi eq, %iota3A_50, %eq3A_516 : vector<2x32xi32>
      %broadcast_in_dim3A_518 = vector.shape_cast %broadcast_in_dim3A_508 : vector<2x1xi32> to vector<2x1xi32>
      %broadcast_in_dim3A_519 = vector.broadcast %broadcast_in_dim3A_518 : vector<2x1xi32> to vector<2x32xi32>
      %select_n3A_520 = arith.select %eq3A_517, %broadcast_in_dim3A_519, %select_n3A_492 : vector<2x32xi1>, vector<2x32xi32>
      %eq3A_521 = vector.broadcast %broadcast_in_dim3A_508 : vector<2x1xi32> to vector<2x512xi32>
      %eq3A_522 = arith.cmpi eq, %iota3A, %eq3A_521 : vector<2x512xi32>
      %jit3A_523 = arith.constant -1.000000e+30 : f32
      %broadcast_in_dim3A_524 = vector.broadcast %jit3A_523 : f32 to vector<2x512xf32>
      %select_n3A_525 = arith.select %eq3A_522, %broadcast_in_dim3A_524, %select_n3A_497 : vector<2x512xi1>, vector<2x512xf32>
      %reduce_max3A_526 = arith.constant dense<0xFF800000> : vector<2xf32>
      %reduce_max3A_527 = vector.multi_reduction <maximumf>, %select_n3A_525, %reduce_max3A_526 [1] : vector<2x512xf32> to vector<2xf32>
      %broadcast_in_dim3A_528 = vector.shape_cast %reduce_max3A_527 : vector<2xf32> to vector<2x1xf32>
      %eq3A_529 = vector.broadcast %broadcast_in_dim3A_528 : vector<2x1xf32> to vector<2x512xf32>
      %eq3A_530 = arith.cmpf oeq, %select_n3A_525, %eq3A_529 : vector<2x512xf32>
      %jit3A_531 = arith.constant 1073741824 : i32
      %broadcast_in_dim3A_532 = vector.broadcast %jit3A_531 : i32 to vector<2x512xi32>
      %select_n3A_533 = arith.select %eq3A_530, %iota3A, %broadcast_in_dim3A_532 : vector<2x512xi1>, vector<2x512xi32>
      %reduce_min3A_534 = arith.constant dense<2147483647> : vector<2xi32>
      %reduce_min3A_535 = vector.multi_reduction <minsi>, %select_n3A_533, %reduce_min3A_534 [1] : vector<2x512xi32> to vector<2xi32>
      %broadcast_in_dim3A_536 = vector.shape_cast %reduce_min3A_535 : vector<2xi32> to vector<2x1xi32>
      %eq3A_537 = arith.constant 17 : i32
      %eq3A_538 = vector.broadcast %eq3A_537 : i32 to vector<2x32xi32>
      %eq3A_539 = arith.cmpi eq, %iota3A_50, %eq3A_538 : vector<2x32xi32>
      %broadcast_in_dim3A_540 = vector.shape_cast %broadcast_in_dim3A_528 : vector<2x1xf32> to vector<2x1xf32>
      %broadcast_in_dim3A_541 = vector.broadcast %broadcast_in_dim3A_540 : vector<2x1xf32> to vector<2x32xf32>
      %select_n3A_542 = arith.select %eq3A_539, %broadcast_in_dim3A_541, %select_n3A_514 : vector<2x32xi1>, vector<2x32xf32>
      %eq3A_543 = arith.constant 17 : i32
      %eq3A_544 = vector.broadcast %eq3A_543 : i32 to vector<2x32xi32>
      %eq3A_545 = arith.cmpi eq, %iota3A_50, %eq3A_544 : vector<2x32xi32>
      %broadcast_in_dim3A_546 = vector.shape_cast %broadcast_in_dim3A_536 : vector<2x1xi32> to vector<2x1xi32>
      %broadcast_in_dim3A_547 = vector.broadcast %broadcast_in_dim3A_546 : vector<2x1xi32> to vector<2x32xi32>
      %select_n3A_548 = arith.select %eq3A_545, %broadcast_in_dim3A_547, %select_n3A_520 : vector<2x32xi1>, vector<2x32xi32>
      %eq3A_549 = vector.broadcast %broadcast_in_dim3A_536 : vector<2x1xi32> to vector<2x512xi32>
      %eq3A_550 = arith.cmpi eq, %iota3A, %eq3A_549 : vector<2x512xi32>
      %jit3A_551 = arith.constant -1.000000e+30 : f32
      %broadcast_in_dim3A_552 = vector.broadcast %jit3A_551 : f32 to vector<2x512xf32>
      %select_n3A_553 = arith.select %eq3A_550, %broadcast_in_dim3A_552, %select_n3A_525 : vector<2x512xi1>, vector<2x512xf32>
      %reduce_max3A_554 = arith.constant dense<0xFF800000> : vector<2xf32>
      %reduce_max3A_555 = vector.multi_reduction <maximumf>, %select_n3A_553, %reduce_max3A_554 [1] : vector<2x512xf32> to vector<2xf32>
      %broadcast_in_dim3A_556 = vector.shape_cast %reduce_max3A_555 : vector<2xf32> to vector<2x1xf32>
      %eq3A_557 = vector.broadcast %broadcast_in_dim3A_556 : vector<2x1xf32> to vector<2x512xf32>
      %eq3A_558 = arith.cmpf oeq, %select_n3A_553, %eq3A_557 : vector<2x512xf32>
      %jit3A_559 = arith.constant 1073741824 : i32
      %broadcast_in_dim3A_560 = vector.broadcast %jit3A_559 : i32 to vector<2x512xi32>
      %select_n3A_561 = arith.select %eq3A_558, %iota3A, %broadcast_in_dim3A_560 : vector<2x512xi1>, vector<2x512xi32>
      %reduce_min3A_562 = arith.constant dense<2147483647> : vector<2xi32>
      %reduce_min3A_563 = vector.multi_reduction <minsi>, %select_n3A_561, %reduce_min3A_562 [1] : vector<2x512xi32> to vector<2xi32>
      %broadcast_in_dim3A_564 = vector.shape_cast %reduce_min3A_563 : vector<2xi32> to vector<2x1xi32>
      %eq3A_565 = arith.constant 18 : i32
      %eq3A_566 = vector.broadcast %eq3A_565 : i32 to vector<2x32xi32>
      %eq3A_567 = arith.cmpi eq, %iota3A_50, %eq3A_566 : vector<2x32xi32>
      %broadcast_in_dim3A_568 = vector.shape_cast %broadcast_in_dim3A_556 : vector<2x1xf32> to vector<2x1xf32>
      %broadcast_in_dim3A_569 = vector.broadcast %broadcast_in_dim3A_568 : vector<2x1xf32> to vector<2x32xf32>
      %select_n3A_570 = arith.select %eq3A_567, %broadcast_in_dim3A_569, %select_n3A_542 : vector<2x32xi1>, vector<2x32xf32>
      %eq3A_571 = arith.constant 18 : i32
      %eq3A_572 = vector.broadcast %eq3A_571 : i32 to vector<2x32xi32>
      %eq3A_573 = arith.cmpi eq, %iota3A_50, %eq3A_572 : vector<2x32xi32>
      %broadcast_in_dim3A_574 = vector.shape_cast %broadcast_in_dim3A_564 : vector<2x1xi32> to vector<2x1xi32>
      %broadcast_in_dim3A_575 = vector.broadcast %broadcast_in_dim3A_574 : vector<2x1xi32> to vector<2x32xi32>
      %select_n3A_576 = arith.select %eq3A_573, %broadcast_in_dim3A_575, %select_n3A_548 : vector<2x32xi1>, vector<2x32xi32>
      %eq3A_577 = vector.broadcast %broadcast_in_dim3A_564 : vector<2x1xi32> to vector<2x512xi32>
      %eq3A_578 = arith.cmpi eq, %iota3A, %eq3A_577 : vector<2x512xi32>
      %jit3A_579 = arith.constant -1.000000e+30 : f32
      %broadcast_in_dim3A_580 = vector.broadcast %jit3A_579 : f32 to vector<2x512xf32>
      %select_n3A_581 = arith.select %eq3A_578, %broadcast_in_dim3A_580, %select_n3A_553 : vector<2x512xi1>, vector<2x512xf32>
      %reduce_max3A_582 = arith.constant dense<0xFF800000> : vector<2xf32>
      %reduce_max3A_583 = vector.multi_reduction <maximumf>, %select_n3A_581, %reduce_max3A_582 [1] : vector<2x512xf32> to vector<2xf32>
      %broadcast_in_dim3A_584 = vector.shape_cast %reduce_max3A_583 : vector<2xf32> to vector<2x1xf32>
      %eq3A_585 = vector.broadcast %broadcast_in_dim3A_584 : vector<2x1xf32> to vector<2x512xf32>
      %eq3A_586 = arith.cmpf oeq, %select_n3A_581, %eq3A_585 : vector<2x512xf32>
      %jit3A_587 = arith.constant 1073741824 : i32
      %broadcast_in_dim3A_588 = vector.broadcast %jit3A_587 : i32 to vector<2x512xi32>
      %select_n3A_589 = arith.select %eq3A_586, %iota3A, %broadcast_in_dim3A_588 : vector<2x512xi1>, vector<2x512xi32>
      %reduce_min3A_590 = arith.constant dense<2147483647> : vector<2xi32>
      %reduce_min3A_591 = vector.multi_reduction <minsi>, %select_n3A_589, %reduce_min3A_590 [1] : vector<2x512xi32> to vector<2xi32>
      %broadcast_in_dim3A_592 = vector.shape_cast %reduce_min3A_591 : vector<2xi32> to vector<2x1xi32>
      %eq3A_593 = arith.constant 19 : i32
      %eq3A_594 = vector.broadcast %eq3A_593 : i32 to vector<2x32xi32>
      %eq3A_595 = arith.cmpi eq, %iota3A_50, %eq3A_594 : vector<2x32xi32>
      %broadcast_in_dim3A_596 = vector.shape_cast %broadcast_in_dim3A_584 : vector<2x1xf32> to vector<2x1xf32>
      %broadcast_in_dim3A_597 = vector.broadcast %broadcast_in_dim3A_596 : vector<2x1xf32> to vector<2x32xf32>
      %select_n3A_598 = arith.select %eq3A_595, %broadcast_in_dim3A_597, %select_n3A_570 : vector<2x32xi1>, vector<2x32xf32>
      %eq3A_599 = arith.constant 19 : i32
      %eq3A_600 = vector.broadcast %eq3A_599 : i32 to vector<2x32xi32>
      %eq3A_601 = arith.cmpi eq, %iota3A_50, %eq3A_600 : vector<2x32xi32>
      %broadcast_in_dim3A_602 = vector.shape_cast %broadcast_in_dim3A_592 : vector<2x1xi32> to vector<2x1xi32>
      %broadcast_in_dim3A_603 = vector.broadcast %broadcast_in_dim3A_602 : vector<2x1xi32> to vector<2x32xi32>
      %select_n3A_604 = arith.select %eq3A_601, %broadcast_in_dim3A_603, %select_n3A_576 : vector<2x32xi1>, vector<2x32xi32>
      %eq3A_605 = vector.broadcast %broadcast_in_dim3A_592 : vector<2x1xi32> to vector<2x512xi32>
      %eq3A_606 = arith.cmpi eq, %iota3A, %eq3A_605 : vector<2x512xi32>
      %jit3A_607 = arith.constant -1.000000e+30 : f32
      %broadcast_in_dim3A_608 = vector.broadcast %jit3A_607 : f32 to vector<2x512xf32>
      %select_n3A_609 = arith.select %eq3A_606, %broadcast_in_dim3A_608, %select_n3A_581 : vector<2x512xi1>, vector<2x512xf32>
      %reduce_max3A_610 = arith.constant dense<0xFF800000> : vector<2xf32>
      %reduce_max3A_611 = vector.multi_reduction <maximumf>, %select_n3A_609, %reduce_max3A_610 [1] : vector<2x512xf32> to vector<2xf32>
      %broadcast_in_dim3A_612 = vector.shape_cast %reduce_max3A_611 : vector<2xf32> to vector<2x1xf32>
      %eq3A_613 = vector.broadcast %broadcast_in_dim3A_612 : vector<2x1xf32> to vector<2x512xf32>
      %eq3A_614 = arith.cmpf oeq, %select_n3A_609, %eq3A_613 : vector<2x512xf32>
      %jit3A_615 = arith.constant 1073741824 : i32
      %broadcast_in_dim3A_616 = vector.broadcast %jit3A_615 : i32 to vector<2x512xi32>
      %select_n3A_617 = arith.select %eq3A_614, %iota3A, %broadcast_in_dim3A_616 : vector<2x512xi1>, vector<2x512xi32>
      %reduce_min3A_618 = arith.constant dense<2147483647> : vector<2xi32>
      %reduce_min3A_619 = vector.multi_reduction <minsi>, %select_n3A_617, %reduce_min3A_618 [1] : vector<2x512xi32> to vector<2xi32>
      %broadcast_in_dim3A_620 = vector.shape_cast %reduce_min3A_619 : vector<2xi32> to vector<2x1xi32>
      %eq3A_621 = arith.constant 20 : i32
      %eq3A_622 = vector.broadcast %eq3A_621 : i32 to vector<2x32xi32>
      %eq3A_623 = arith.cmpi eq, %iota3A_50, %eq3A_622 : vector<2x32xi32>
      %broadcast_in_dim3A_624 = vector.shape_cast %broadcast_in_dim3A_612 : vector<2x1xf32> to vector<2x1xf32>
      %broadcast_in_dim3A_625 = vector.broadcast %broadcast_in_dim3A_624 : vector<2x1xf32> to vector<2x32xf32>
      %select_n3A_626 = arith.select %eq3A_623, %broadcast_in_dim3A_625, %select_n3A_598 : vector<2x32xi1>, vector<2x32xf32>
      %eq3A_627 = arith.constant 20 : i32
      %eq3A_628 = vector.broadcast %eq3A_627 : i32 to vector<2x32xi32>
      %eq3A_629 = arith.cmpi eq, %iota3A_50, %eq3A_628 : vector<2x32xi32>
      %broadcast_in_dim3A_630 = vector.shape_cast %broadcast_in_dim3A_620 : vector<2x1xi32> to vector<2x1xi32>
      %broadcast_in_dim3A_631 = vector.broadcast %broadcast_in_dim3A_630 : vector<2x1xi32> to vector<2x32xi32>
      %select_n3A_632 = arith.select %eq3A_629, %broadcast_in_dim3A_631, %select_n3A_604 : vector<2x32xi1>, vector<2x32xi32>
      %eq3A_633 = vector.broadcast %broadcast_in_dim3A_620 : vector<2x1xi32> to vector<2x512xi32>
      %eq3A_634 = arith.cmpi eq, %iota3A, %eq3A_633 : vector<2x512xi32>
      %jit3A_635 = arith.constant -1.000000e+30 : f32
      %broadcast_in_dim3A_636 = vector.broadcast %jit3A_635 : f32 to vector<2x512xf32>
      %select_n3A_637 = arith.select %eq3A_634, %broadcast_in_dim3A_636, %select_n3A_609 : vector<2x512xi1>, vector<2x512xf32>
      %reduce_max3A_638 = arith.constant dense<0xFF800000> : vector<2xf32>
      %reduce_max3A_639 = vector.multi_reduction <maximumf>, %select_n3A_637, %reduce_max3A_638 [1] : vector<2x512xf32> to vector<2xf32>
      %broadcast_in_dim3A_640 = vector.shape_cast %reduce_max3A_639 : vector<2xf32> to vector<2x1xf32>
      %eq3A_641 = vector.broadcast %broadcast_in_dim3A_640 : vector<2x1xf32> to vector<2x512xf32>
      %eq3A_642 = arith.cmpf oeq, %select_n3A_637, %eq3A_641 : vector<2x512xf32>
      %jit3A_643 = arith.constant 1073741824 : i32
      %broadcast_in_dim3A_644 = vector.broadcast %jit3A_643 : i32 to vector<2x512xi32>
      %select_n3A_645 = arith.select %eq3A_642, %iota3A, %broadcast_in_dim3A_644 : vector<2x512xi1>, vector<2x512xi32>
      %reduce_min3A_646 = arith.constant dense<2147483647> : vector<2xi32>
      %reduce_min3A_647 = vector.multi_reduction <minsi>, %select_n3A_645, %reduce_min3A_646 [1] : vector<2x512xi32> to vector<2xi32>
      %broadcast_in_dim3A_648 = vector.shape_cast %reduce_min3A_647 : vector<2xi32> to vector<2x1xi32>
      %eq3A_649 = arith.constant 21 : i32
      %eq3A_650 = vector.broadcast %eq3A_649 : i32 to vector<2x32xi32>
      %eq3A_651 = arith.cmpi eq, %iota3A_50, %eq3A_650 : vector<2x32xi32>
      %broadcast_in_dim3A_652 = vector.shape_cast %broadcast_in_dim3A_640 : vector<2x1xf32> to vector<2x1xf32>
      %broadcast_in_dim3A_653 = vector.broadcast %broadcast_in_dim3A_652 : vector<2x1xf32> to vector<2x32xf32>
      %select_n3A_654 = arith.select %eq3A_651, %broadcast_in_dim3A_653, %select_n3A_626 : vector<2x32xi1>, vector<2x32xf32>
      %eq3A_655 = arith.constant 21 : i32
      %eq3A_656 = vector.broadcast %eq3A_655 : i32 to vector<2x32xi32>
      %eq3A_657 = arith.cmpi eq, %iota3A_50, %eq3A_656 : vector<2x32xi32>
      %broadcast_in_dim3A_658 = vector.shape_cast %broadcast_in_dim3A_648 : vector<2x1xi32> to vector<2x1xi32>
      %broadcast_in_dim3A_659 = vector.broadcast %broadcast_in_dim3A_658 : vector<2x1xi32> to vector<2x32xi32>
      %select_n3A_660 = arith.select %eq3A_657, %broadcast_in_dim3A_659, %select_n3A_632 : vector<2x32xi1>, vector<2x32xi32>
      %eq3A_661 = vector.broadcast %broadcast_in_dim3A_648 : vector<2x1xi32> to vector<2x512xi32>
      %eq3A_662 = arith.cmpi eq, %iota3A, %eq3A_661 : vector<2x512xi32>
      %jit3A_663 = arith.constant -1.000000e+30 : f32
      %broadcast_in_dim3A_664 = vector.broadcast %jit3A_663 : f32 to vector<2x512xf32>
      %select_n3A_665 = arith.select %eq3A_662, %broadcast_in_dim3A_664, %select_n3A_637 : vector<2x512xi1>, vector<2x512xf32>
      %reduce_max3A_666 = arith.constant dense<0xFF800000> : vector<2xf32>
      %reduce_max3A_667 = vector.multi_reduction <maximumf>, %select_n3A_665, %reduce_max3A_666 [1] : vector<2x512xf32> to vector<2xf32>
      %broadcast_in_dim3A_668 = vector.shape_cast %reduce_max3A_667 : vector<2xf32> to vector<2x1xf32>
      %eq3A_669 = vector.broadcast %broadcast_in_dim3A_668 : vector<2x1xf32> to vector<2x512xf32>
      %eq3A_670 = arith.cmpf oeq, %select_n3A_665, %eq3A_669 : vector<2x512xf32>
      %jit3A_671 = arith.constant 1073741824 : i32
      %broadcast_in_dim3A_672 = vector.broadcast %jit3A_671 : i32 to vector<2x512xi32>
      %select_n3A_673 = arith.select %eq3A_670, %iota3A, %broadcast_in_dim3A_672 : vector<2x512xi1>, vector<2x512xi32>
      %reduce_min3A_674 = arith.constant dense<2147483647> : vector<2xi32>
      %reduce_min3A_675 = vector.multi_reduction <minsi>, %select_n3A_673, %reduce_min3A_674 [1] : vector<2x512xi32> to vector<2xi32>
      %broadcast_in_dim3A_676 = vector.shape_cast %reduce_min3A_675 : vector<2xi32> to vector<2x1xi32>
      %eq3A_677 = arith.constant 22 : i32
      %eq3A_678 = vector.broadcast %eq3A_677 : i32 to vector<2x32xi32>
      %eq3A_679 = arith.cmpi eq, %iota3A_50, %eq3A_678 : vector<2x32xi32>
      %broadcast_in_dim3A_680 = vector.shape_cast %broadcast_in_dim3A_668 : vector<2x1xf32> to vector<2x1xf32>
      %broadcast_in_dim3A_681 = vector.broadcast %broadcast_in_dim3A_680 : vector<2x1xf32> to vector<2x32xf32>
      %select_n3A_682 = arith.select %eq3A_679, %broadcast_in_dim3A_681, %select_n3A_654 : vector<2x32xi1>, vector<2x32xf32>
      %eq3A_683 = arith.constant 22 : i32
      %eq3A_684 = vector.broadcast %eq3A_683 : i32 to vector<2x32xi32>
      %eq3A_685 = arith.cmpi eq, %iota3A_50, %eq3A_684 : vector<2x32xi32>
      %broadcast_in_dim3A_686 = vector.shape_cast %broadcast_in_dim3A_676 : vector<2x1xi32> to vector<2x1xi32>
      %broadcast_in_dim3A_687 = vector.broadcast %broadcast_in_dim3A_686 : vector<2x1xi32> to vector<2x32xi32>
      %select_n3A_688 = arith.select %eq3A_685, %broadcast_in_dim3A_687, %select_n3A_660 : vector<2x32xi1>, vector<2x32xi32>
      %eq3A_689 = vector.broadcast %broadcast_in_dim3A_676 : vector<2x1xi32> to vector<2x512xi32>
      %eq3A_690 = arith.cmpi eq, %iota3A, %eq3A_689 : vector<2x512xi32>
      %jit3A_691 = arith.constant -1.000000e+30 : f32
      %broadcast_in_dim3A_692 = vector.broadcast %jit3A_691 : f32 to vector<2x512xf32>
      %select_n3A_693 = arith.select %eq3A_690, %broadcast_in_dim3A_692, %select_n3A_665 : vector<2x512xi1>, vector<2x512xf32>
      %reduce_max3A_694 = arith.constant dense<0xFF800000> : vector<2xf32>
      %reduce_max3A_695 = vector.multi_reduction <maximumf>, %select_n3A_693, %reduce_max3A_694 [1] : vector<2x512xf32> to vector<2xf32>
      %broadcast_in_dim3A_696 = vector.shape_cast %reduce_max3A_695 : vector<2xf32> to vector<2x1xf32>
      %eq3A_697 = vector.broadcast %broadcast_in_dim3A_696 : vector<2x1xf32> to vector<2x512xf32>
      %eq3A_698 = arith.cmpf oeq, %select_n3A_693, %eq3A_697 : vector<2x512xf32>
      %jit3A_699 = arith.constant 1073741824 : i32
      %broadcast_in_dim3A_700 = vector.broadcast %jit3A_699 : i32 to vector<2x512xi32>
      %select_n3A_701 = arith.select %eq3A_698, %iota3A, %broadcast_in_dim3A_700 : vector<2x512xi1>, vector<2x512xi32>
      %reduce_min3A_702 = arith.constant dense<2147483647> : vector<2xi32>
      %reduce_min3A_703 = vector.multi_reduction <minsi>, %select_n3A_701, %reduce_min3A_702 [1] : vector<2x512xi32> to vector<2xi32>
      %broadcast_in_dim3A_704 = vector.shape_cast %reduce_min3A_703 : vector<2xi32> to vector<2x1xi32>
      %eq3A_705 = arith.constant 23 : i32
      %eq3A_706 = vector.broadcast %eq3A_705 : i32 to vector<2x32xi32>
      %eq3A_707 = arith.cmpi eq, %iota3A_50, %eq3A_706 : vector<2x32xi32>
      %broadcast_in_dim3A_708 = vector.shape_cast %broadcast_in_dim3A_696 : vector<2x1xf32> to vector<2x1xf32>
      %broadcast_in_dim3A_709 = vector.broadcast %broadcast_in_dim3A_708 : vector<2x1xf32> to vector<2x32xf32>
      %select_n3A_710 = arith.select %eq3A_707, %broadcast_in_dim3A_709, %select_n3A_682 : vector<2x32xi1>, vector<2x32xf32>
      %eq3A_711 = arith.constant 23 : i32
      %eq3A_712 = vector.broadcast %eq3A_711 : i32 to vector<2x32xi32>
      %eq3A_713 = arith.cmpi eq, %iota3A_50, %eq3A_712 : vector<2x32xi32>
      %broadcast_in_dim3A_714 = vector.shape_cast %broadcast_in_dim3A_704 : vector<2x1xi32> to vector<2x1xi32>
      %broadcast_in_dim3A_715 = vector.broadcast %broadcast_in_dim3A_714 : vector<2x1xi32> to vector<2x32xi32>
      %select_n3A_716 = arith.select %eq3A_713, %broadcast_in_dim3A_715, %select_n3A_688 : vector<2x32xi1>, vector<2x32xi32>
      %eq3A_717 = vector.broadcast %broadcast_in_dim3A_704 : vector<2x1xi32> to vector<2x512xi32>
      %eq3A_718 = arith.cmpi eq, %iota3A, %eq3A_717 : vector<2x512xi32>
      %jit3A_719 = arith.constant -1.000000e+30 : f32
      %broadcast_in_dim3A_720 = vector.broadcast %jit3A_719 : f32 to vector<2x512xf32>
      %select_n3A_721 = arith.select %eq3A_718, %broadcast_in_dim3A_720, %select_n3A_693 : vector<2x512xi1>, vector<2x512xf32>
      %reduce_max3A_722 = arith.constant dense<0xFF800000> : vector<2xf32>
      %reduce_max3A_723 = vector.multi_reduction <maximumf>, %select_n3A_721, %reduce_max3A_722 [1] : vector<2x512xf32> to vector<2xf32>
      %broadcast_in_dim3A_724 = vector.shape_cast %reduce_max3A_723 : vector<2xf32> to vector<2x1xf32>
      %eq3A_725 = vector.broadcast %broadcast_in_dim3A_724 : vector<2x1xf32> to vector<2x512xf32>
      %eq3A_726 = arith.cmpf oeq, %select_n3A_721, %eq3A_725 : vector<2x512xf32>
      %jit3A_727 = arith.constant 1073741824 : i32
      %broadcast_in_dim3A_728 = vector.broadcast %jit3A_727 : i32 to vector<2x512xi32>
      %select_n3A_729 = arith.select %eq3A_726, %iota3A, %broadcast_in_dim3A_728 : vector<2x512xi1>, vector<2x512xi32>
      %reduce_min3A_730 = arith.constant dense<2147483647> : vector<2xi32>
      %reduce_min3A_731 = vector.multi_reduction <minsi>, %select_n3A_729, %reduce_min3A_730 [1] : vector<2x512xi32> to vector<2xi32>
      %broadcast_in_dim3A_732 = vector.shape_cast %reduce_min3A_731 : vector<2xi32> to vector<2x1xi32>
      %eq3A_733 = arith.constant 24 : i32
      %eq3A_734 = vector.broadcast %eq3A_733 : i32 to vector<2x32xi32>
      %eq3A_735 = arith.cmpi eq, %iota3A_50, %eq3A_734 : vector<2x32xi32>
      %broadcast_in_dim3A_736 = vector.shape_cast %broadcast_in_dim3A_724 : vector<2x1xf32> to vector<2x1xf32>
      %broadcast_in_dim3A_737 = vector.broadcast %broadcast_in_dim3A_736 : vector<2x1xf32> to vector<2x32xf32>
      %select_n3A_738 = arith.select %eq3A_735, %broadcast_in_dim3A_737, %select_n3A_710 : vector<2x32xi1>, vector<2x32xf32>
      %eq3A_739 = arith.constant 24 : i32
      %eq3A_740 = vector.broadcast %eq3A_739 : i32 to vector<2x32xi32>
      %eq3A_741 = arith.cmpi eq, %iota3A_50, %eq3A_740 : vector<2x32xi32>
      %broadcast_in_dim3A_742 = vector.shape_cast %broadcast_in_dim3A_732 : vector<2x1xi32> to vector<2x1xi32>
      %broadcast_in_dim3A_743 = vector.broadcast %broadcast_in_dim3A_742 : vector<2x1xi32> to vector<2x32xi32>
      %select_n3A_744 = arith.select %eq3A_741, %broadcast_in_dim3A_743, %select_n3A_716 : vector<2x32xi1>, vector<2x32xi32>
      %eq3A_745 = vector.broadcast %broadcast_in_dim3A_732 : vector<2x1xi32> to vector<2x512xi32>
      %eq3A_746 = arith.cmpi eq, %iota3A, %eq3A_745 : vector<2x512xi32>
      %jit3A_747 = arith.constant -1.000000e+30 : f32
      %broadcast_in_dim3A_748 = vector.broadcast %jit3A_747 : f32 to vector<2x512xf32>
      %select_n3A_749 = arith.select %eq3A_746, %broadcast_in_dim3A_748, %select_n3A_721 : vector<2x512xi1>, vector<2x512xf32>
      %reduce_max3A_750 = arith.constant dense<0xFF800000> : vector<2xf32>
      %reduce_max3A_751 = vector.multi_reduction <maximumf>, %select_n3A_749, %reduce_max3A_750 [1] : vector<2x512xf32> to vector<2xf32>
      %broadcast_in_dim3A_752 = vector.shape_cast %reduce_max3A_751 : vector<2xf32> to vector<2x1xf32>
      %eq3A_753 = vector.broadcast %broadcast_in_dim3A_752 : vector<2x1xf32> to vector<2x512xf32>
      %eq3A_754 = arith.cmpf oeq, %select_n3A_749, %eq3A_753 : vector<2x512xf32>
      %jit3A_755 = arith.constant 1073741824 : i32
      %broadcast_in_dim3A_756 = vector.broadcast %jit3A_755 : i32 to vector<2x512xi32>
      %select_n3A_757 = arith.select %eq3A_754, %iota3A, %broadcast_in_dim3A_756 : vector<2x512xi1>, vector<2x512xi32>
      %reduce_min3A_758 = arith.constant dense<2147483647> : vector<2xi32>
      %reduce_min3A_759 = vector.multi_reduction <minsi>, %select_n3A_757, %reduce_min3A_758 [1] : vector<2x512xi32> to vector<2xi32>
      %broadcast_in_dim3A_760 = vector.shape_cast %reduce_min3A_759 : vector<2xi32> to vector<2x1xi32>
      %eq3A_761 = arith.constant 25 : i32
      %eq3A_762 = vector.broadcast %eq3A_761 : i32 to vector<2x32xi32>
      %eq3A_763 = arith.cmpi eq, %iota3A_50, %eq3A_762 : vector<2x32xi32>
      %broadcast_in_dim3A_764 = vector.shape_cast %broadcast_in_dim3A_752 : vector<2x1xf32> to vector<2x1xf32>
      %broadcast_in_dim3A_765 = vector.broadcast %broadcast_in_dim3A_764 : vector<2x1xf32> to vector<2x32xf32>
      %select_n3A_766 = arith.select %eq3A_763, %broadcast_in_dim3A_765, %select_n3A_738 : vector<2x32xi1>, vector<2x32xf32>
      %eq3A_767 = arith.constant 25 : i32
      %eq3A_768 = vector.broadcast %eq3A_767 : i32 to vector<2x32xi32>
      %eq3A_769 = arith.cmpi eq, %iota3A_50, %eq3A_768 : vector<2x32xi32>
      %broadcast_in_dim3A_770 = vector.shape_cast %broadcast_in_dim3A_760 : vector<2x1xi32> to vector<2x1xi32>
      %broadcast_in_dim3A_771 = vector.broadcast %broadcast_in_dim3A_770 : vector<2x1xi32> to vector<2x32xi32>
      %select_n3A_772 = arith.select %eq3A_769, %broadcast_in_dim3A_771, %select_n3A_744 : vector<2x32xi1>, vector<2x32xi32>
      %eq3A_773 = vector.broadcast %broadcast_in_dim3A_760 : vector<2x1xi32> to vector<2x512xi32>
      %eq3A_774 = arith.cmpi eq, %iota3A, %eq3A_773 : vector<2x512xi32>
      %jit3A_775 = arith.constant -1.000000e+30 : f32
      %broadcast_in_dim3A_776 = vector.broadcast %jit3A_775 : f32 to vector<2x512xf32>
      %select_n3A_777 = arith.select %eq3A_774, %broadcast_in_dim3A_776, %select_n3A_749 : vector<2x512xi1>, vector<2x512xf32>
      %reduce_max3A_778 = arith.constant dense<0xFF800000> : vector<2xf32>
      %reduce_max3A_779 = vector.multi_reduction <maximumf>, %select_n3A_777, %reduce_max3A_778 [1] : vector<2x512xf32> to vector<2xf32>
      %broadcast_in_dim3A_780 = vector.shape_cast %reduce_max3A_779 : vector<2xf32> to vector<2x1xf32>
      %eq3A_781 = vector.broadcast %broadcast_in_dim3A_780 : vector<2x1xf32> to vector<2x512xf32>
      %eq3A_782 = arith.cmpf oeq, %select_n3A_777, %eq3A_781 : vector<2x512xf32>
      %jit3A_783 = arith.constant 1073741824 : i32
      %broadcast_in_dim3A_784 = vector.broadcast %jit3A_783 : i32 to vector<2x512xi32>
      %select_n3A_785 = arith.select %eq3A_782, %iota3A, %broadcast_in_dim3A_784 : vector<2x512xi1>, vector<2x512xi32>
      %reduce_min3A_786 = arith.constant dense<2147483647> : vector<2xi32>
      %reduce_min3A_787 = vector.multi_reduction <minsi>, %select_n3A_785, %reduce_min3A_786 [1] : vector<2x512xi32> to vector<2xi32>
      %broadcast_in_dim3A_788 = vector.shape_cast %reduce_min3A_787 : vector<2xi32> to vector<2x1xi32>
      %eq3A_789 = arith.constant 26 : i32
      %eq3A_790 = vector.broadcast %eq3A_789 : i32 to vector<2x32xi32>
      %eq3A_791 = arith.cmpi eq, %iota3A_50, %eq3A_790 : vector<2x32xi32>
      %broadcast_in_dim3A_792 = vector.shape_cast %broadcast_in_dim3A_780 : vector<2x1xf32> to vector<2x1xf32>
      %broadcast_in_dim3A_793 = vector.broadcast %broadcast_in_dim3A_792 : vector<2x1xf32> to vector<2x32xf32>
      %select_n3A_794 = arith.select %eq3A_791, %broadcast_in_dim3A_793, %select_n3A_766 : vector<2x32xi1>, vector<2x32xf32>
      %eq3A_795 = arith.constant 26 : i32
      %eq3A_796 = vector.broadcast %eq3A_795 : i32 to vector<2x32xi32>
      %eq3A_797 = arith.cmpi eq, %iota3A_50, %eq3A_796 : vector<2x32xi32>
      %broadcast_in_dim3A_798 = vector.shape_cast %broadcast_in_dim3A_788 : vector<2x1xi32> to vector<2x1xi32>
      %broadcast_in_dim3A_799 = vector.broadcast %broadcast_in_dim3A_798 : vector<2x1xi32> to vector<2x32xi32>
      %select_n3A_800 = arith.select %eq3A_797, %broadcast_in_dim3A_799, %select_n3A_772 : vector<2x32xi1>, vector<2x32xi32>
      %eq3A_801 = vector.broadcast %broadcast_in_dim3A_788 : vector<2x1xi32> to vector<2x512xi32>
      %eq3A_802 = arith.cmpi eq, %iota3A, %eq3A_801 : vector<2x512xi32>
      %jit3A_803 = arith.constant -1.000000e+30 : f32
      %broadcast_in_dim3A_804 = vector.broadcast %jit3A_803 : f32 to vector<2x512xf32>
      %select_n3A_805 = arith.select %eq3A_802, %broadcast_in_dim3A_804, %select_n3A_777 : vector<2x512xi1>, vector<2x512xf32>
      %reduce_max3A_806 = arith.constant dense<0xFF800000> : vector<2xf32>
      %reduce_max3A_807 = vector.multi_reduction <maximumf>, %select_n3A_805, %reduce_max3A_806 [1] : vector<2x512xf32> to vector<2xf32>
      %broadcast_in_dim3A_808 = vector.shape_cast %reduce_max3A_807 : vector<2xf32> to vector<2x1xf32>
      %eq3A_809 = vector.broadcast %broadcast_in_dim3A_808 : vector<2x1xf32> to vector<2x512xf32>
      %eq3A_810 = arith.cmpf oeq, %select_n3A_805, %eq3A_809 : vector<2x512xf32>
      %jit3A_811 = arith.constant 1073741824 : i32
      %broadcast_in_dim3A_812 = vector.broadcast %jit3A_811 : i32 to vector<2x512xi32>
      %select_n3A_813 = arith.select %eq3A_810, %iota3A, %broadcast_in_dim3A_812 : vector<2x512xi1>, vector<2x512xi32>
      %reduce_min3A_814 = arith.constant dense<2147483647> : vector<2xi32>
      %reduce_min3A_815 = vector.multi_reduction <minsi>, %select_n3A_813, %reduce_min3A_814 [1] : vector<2x512xi32> to vector<2xi32>
      %broadcast_in_dim3A_816 = vector.shape_cast %reduce_min3A_815 : vector<2xi32> to vector<2x1xi32>
      %eq3A_817 = arith.constant 27 : i32
      %eq3A_818 = vector.broadcast %eq3A_817 : i32 to vector<2x32xi32>
      %eq3A_819 = arith.cmpi eq, %iota3A_50, %eq3A_818 : vector<2x32xi32>
      %broadcast_in_dim3A_820 = vector.shape_cast %broadcast_in_dim3A_808 : vector<2x1xf32> to vector<2x1xf32>
      %broadcast_in_dim3A_821 = vector.broadcast %broadcast_in_dim3A_820 : vector<2x1xf32> to vector<2x32xf32>
      %select_n3A_822 = arith.select %eq3A_819, %broadcast_in_dim3A_821, %select_n3A_794 : vector<2x32xi1>, vector<2x32xf32>
      %eq3A_823 = arith.constant 27 : i32
      %eq3A_824 = vector.broadcast %eq3A_823 : i32 to vector<2x32xi32>
      %eq3A_825 = arith.cmpi eq, %iota3A_50, %eq3A_824 : vector<2x32xi32>
      %broadcast_in_dim3A_826 = vector.shape_cast %broadcast_in_dim3A_816 : vector<2x1xi32> to vector<2x1xi32>
      %broadcast_in_dim3A_827 = vector.broadcast %broadcast_in_dim3A_826 : vector<2x1xi32> to vector<2x32xi32>
      %select_n3A_828 = arith.select %eq3A_825, %broadcast_in_dim3A_827, %select_n3A_800 : vector<2x32xi1>, vector<2x32xi32>
      %eq3A_829 = vector.broadcast %broadcast_in_dim3A_816 : vector<2x1xi32> to vector<2x512xi32>
      %eq3A_830 = arith.cmpi eq, %iota3A, %eq3A_829 : vector<2x512xi32>
      %jit3A_831 = arith.constant -1.000000e+30 : f32
      %broadcast_in_dim3A_832 = vector.broadcast %jit3A_831 : f32 to vector<2x512xf32>
      %select_n3A_833 = arith.select %eq3A_830, %broadcast_in_dim3A_832, %select_n3A_805 : vector<2x512xi1>, vector<2x512xf32>
      %reduce_max3A_834 = arith.constant dense<0xFF800000> : vector<2xf32>
      %reduce_max3A_835 = vector.multi_reduction <maximumf>, %select_n3A_833, %reduce_max3A_834 [1] : vector<2x512xf32> to vector<2xf32>
      %broadcast_in_dim3A_836 = vector.shape_cast %reduce_max3A_835 : vector<2xf32> to vector<2x1xf32>
      %eq3A_837 = vector.broadcast %broadcast_in_dim3A_836 : vector<2x1xf32> to vector<2x512xf32>
      %eq3A_838 = arith.cmpf oeq, %select_n3A_833, %eq3A_837 : vector<2x512xf32>
      %jit3A_839 = arith.constant 1073741824 : i32
      %broadcast_in_dim3A_840 = vector.broadcast %jit3A_839 : i32 to vector<2x512xi32>
      %select_n3A_841 = arith.select %eq3A_838, %iota3A, %broadcast_in_dim3A_840 : vector<2x512xi1>, vector<2x512xi32>
      %reduce_min3A_842 = arith.constant dense<2147483647> : vector<2xi32>
      %reduce_min3A_843 = vector.multi_reduction <minsi>, %select_n3A_841, %reduce_min3A_842 [1] : vector<2x512xi32> to vector<2xi32>
      %broadcast_in_dim3A_844 = vector.shape_cast %reduce_min3A_843 : vector<2xi32> to vector<2x1xi32>
      %eq3A_845 = arith.constant 28 : i32
      %eq3A_846 = vector.broadcast %eq3A_845 : i32 to vector<2x32xi32>
      %eq3A_847 = arith.cmpi eq, %iota3A_50, %eq3A_846 : vector<2x32xi32>
      %broadcast_in_dim3A_848 = vector.shape_cast %broadcast_in_dim3A_836 : vector<2x1xf32> to vector<2x1xf32>
      %broadcast_in_dim3A_849 = vector.broadcast %broadcast_in_dim3A_848 : vector<2x1xf32> to vector<2x32xf32>
      %select_n3A_850 = arith.select %eq3A_847, %broadcast_in_dim3A_849, %select_n3A_822 : vector<2x32xi1>, vector<2x32xf32>
      %eq3A_851 = arith.constant 28 : i32
      %eq3A_852 = vector.broadcast %eq3A_851 : i32 to vector<2x32xi32>
      %eq3A_853 = arith.cmpi eq, %iota3A_50, %eq3A_852 : vector<2x32xi32>
      %broadcast_in_dim3A_854 = vector.shape_cast %broadcast_in_dim3A_844 : vector<2x1xi32> to vector<2x1xi32>
      %broadcast_in_dim3A_855 = vector.broadcast %broadcast_in_dim3A_854 : vector<2x1xi32> to vector<2x32xi32>
      %select_n3A_856 = arith.select %eq3A_853, %broadcast_in_dim3A_855, %select_n3A_828 : vector<2x32xi1>, vector<2x32xi32>
      %eq3A_857 = vector.broadcast %broadcast_in_dim3A_844 : vector<2x1xi32> to vector<2x512xi32>
      %eq3A_858 = arith.cmpi eq, %iota3A, %eq3A_857 : vector<2x512xi32>
      %jit3A_859 = arith.constant -1.000000e+30 : f32
      %broadcast_in_dim3A_860 = vector.broadcast %jit3A_859 : f32 to vector<2x512xf32>
      %select_n3A_861 = arith.select %eq3A_858, %broadcast_in_dim3A_860, %select_n3A_833 : vector<2x512xi1>, vector<2x512xf32>
      %reduce_max3A_862 = arith.constant dense<0xFF800000> : vector<2xf32>
      %reduce_max3A_863 = vector.multi_reduction <maximumf>, %select_n3A_861, %reduce_max3A_862 [1] : vector<2x512xf32> to vector<2xf32>
      %broadcast_in_dim3A_864 = vector.shape_cast %reduce_max3A_863 : vector<2xf32> to vector<2x1xf32>
      %eq3A_865 = vector.broadcast %broadcast_in_dim3A_864 : vector<2x1xf32> to vector<2x512xf32>
      %eq3A_866 = arith.cmpf oeq, %select_n3A_861, %eq3A_865 : vector<2x512xf32>
      %jit3A_867 = arith.constant 1073741824 : i32
      %broadcast_in_dim3A_868 = vector.broadcast %jit3A_867 : i32 to vector<2x512xi32>
      %select_n3A_869 = arith.select %eq3A_866, %iota3A, %broadcast_in_dim3A_868 : vector<2x512xi1>, vector<2x512xi32>
      %reduce_min3A_870 = arith.constant dense<2147483647> : vector<2xi32>
      %reduce_min3A_871 = vector.multi_reduction <minsi>, %select_n3A_869, %reduce_min3A_870 [1] : vector<2x512xi32> to vector<2xi32>
      %broadcast_in_dim3A_872 = vector.shape_cast %reduce_min3A_871 : vector<2xi32> to vector<2x1xi32>
      %eq3A_873 = arith.constant 29 : i32
      %eq3A_874 = vector.broadcast %eq3A_873 : i32 to vector<2x32xi32>
      %eq3A_875 = arith.cmpi eq, %iota3A_50, %eq3A_874 : vector<2x32xi32>
      %broadcast_in_dim3A_876 = vector.shape_cast %broadcast_in_dim3A_864 : vector<2x1xf32> to vector<2x1xf32>
      %broadcast_in_dim3A_877 = vector.broadcast %broadcast_in_dim3A_876 : vector<2x1xf32> to vector<2x32xf32>
      %select_n3A_878 = arith.select %eq3A_875, %broadcast_in_dim3A_877, %select_n3A_850 : vector<2x32xi1>, vector<2x32xf32>
      %eq3A_879 = arith.constant 29 : i32
      %eq3A_880 = vector.broadcast %eq3A_879 : i32 to vector<2x32xi32>
      %eq3A_881 = arith.cmpi eq, %iota3A_50, %eq3A_880 : vector<2x32xi32>
      %broadcast_in_dim3A_882 = vector.shape_cast %broadcast_in_dim3A_872 : vector<2x1xi32> to vector<2x1xi32>
      %broadcast_in_dim3A_883 = vector.broadcast %broadcast_in_dim3A_882 : vector<2x1xi32> to vector<2x32xi32>
      %select_n3A_884 = arith.select %eq3A_881, %broadcast_in_dim3A_883, %select_n3A_856 : vector<2x32xi1>, vector<2x32xi32>
      %eq3A_885 = vector.broadcast %broadcast_in_dim3A_872 : vector<2x1xi32> to vector<2x512xi32>
      %eq3A_886 = arith.cmpi eq, %iota3A, %eq3A_885 : vector<2x512xi32>
      %jit3A_887 = arith.constant -1.000000e+30 : f32
      %broadcast_in_dim3A_888 = vector.broadcast %jit3A_887 : f32 to vector<2x512xf32>
      %select_n3A_889 = arith.select %eq3A_886, %broadcast_in_dim3A_888, %select_n3A_861 : vector<2x512xi1>, vector<2x512xf32>
      %reduce_max3A_890 = arith.constant dense<0xFF800000> : vector<2xf32>
      %reduce_max3A_891 = vector.multi_reduction <maximumf>, %select_n3A_889, %reduce_max3A_890 [1] : vector<2x512xf32> to vector<2xf32>
      %broadcast_in_dim3A_892 = vector.shape_cast %reduce_max3A_891 : vector<2xf32> to vector<2x1xf32>
      %eq3A_893 = vector.broadcast %broadcast_in_dim3A_892 : vector<2x1xf32> to vector<2x512xf32>
      %eq3A_894 = arith.cmpf oeq, %select_n3A_889, %eq3A_893 : vector<2x512xf32>
      %jit3A_895 = arith.constant 1073741824 : i32
      %broadcast_in_dim3A_896 = vector.broadcast %jit3A_895 : i32 to vector<2x512xi32>
      %select_n3A_897 = arith.select %eq3A_894, %iota3A, %broadcast_in_dim3A_896 : vector<2x512xi1>, vector<2x512xi32>
      %reduce_min3A_898 = arith.constant dense<2147483647> : vector<2xi32>
      %reduce_min3A_899 = vector.multi_reduction <minsi>, %select_n3A_897, %reduce_min3A_898 [1] : vector<2x512xi32> to vector<2xi32>
      %broadcast_in_dim3A_900 = vector.shape_cast %reduce_min3A_899 : vector<2xi32> to vector<2x1xi32>
      %eq3A_901 = arith.constant 30 : i32
      %eq3A_902 = vector.broadcast %eq3A_901 : i32 to vector<2x32xi32>
      %eq3A_903 = arith.cmpi eq, %iota3A_50, %eq3A_902 : vector<2x32xi32>
      %broadcast_in_dim3A_904 = vector.shape_cast %broadcast_in_dim3A_892 : vector<2x1xf32> to vector<2x1xf32>
      %broadcast_in_dim3A_905 = vector.broadcast %broadcast_in_dim3A_904 : vector<2x1xf32> to vector<2x32xf32>
      %select_n3A_906 = arith.select %eq3A_903, %broadcast_in_dim3A_905, %select_n3A_878 : vector<2x32xi1>, vector<2x32xf32>
      %eq3A_907 = arith.constant 30 : i32
      %eq3A_908 = vector.broadcast %eq3A_907 : i32 to vector<2x32xi32>
      %eq3A_909 = arith.cmpi eq, %iota3A_50, %eq3A_908 : vector<2x32xi32>
      %broadcast_in_dim3A_910 = vector.shape_cast %broadcast_in_dim3A_900 : vector<2x1xi32> to vector<2x1xi32>
      %broadcast_in_dim3A_911 = vector.broadcast %broadcast_in_dim3A_910 : vector<2x1xi32> to vector<2x32xi32>
      %select_n3A_912 = arith.select %eq3A_909, %broadcast_in_dim3A_911, %select_n3A_884 : vector<2x32xi1>, vector<2x32xi32>
      %eq3A_913 = vector.broadcast %broadcast_in_dim3A_900 : vector<2x1xi32> to vector<2x512xi32>
      %eq3A_914 = arith.cmpi eq, %iota3A, %eq3A_913 : vector<2x512xi32>
      %jit3A_915 = arith.constant -1.000000e+30 : f32
      %broadcast_in_dim3A_916 = vector.broadcast %jit3A_915 : f32 to vector<2x512xf32>
      %select_n3A_917 = arith.select %eq3A_914, %broadcast_in_dim3A_916, %select_n3A_889 : vector<2x512xi1>, vector<2x512xf32>
      %reduce_max3A_918 = arith.constant dense<0xFF800000> : vector<2xf32>
      %reduce_max3A_919 = vector.multi_reduction <maximumf>, %select_n3A_917, %reduce_max3A_918 [1] : vector<2x512xf32> to vector<2xf32>
      %broadcast_in_dim3A_920 = vector.shape_cast %reduce_max3A_919 : vector<2xf32> to vector<2x1xf32>
      %eq3A_921 = vector.broadcast %broadcast_in_dim3A_920 : vector<2x1xf32> to vector<2x512xf32>
      %eq3A_922 = arith.cmpf oeq, %select_n3A_917, %eq3A_921 : vector<2x512xf32>
      %jit3A_923 = arith.constant 1073741824 : i32
      %broadcast_in_dim3A_924 = vector.broadcast %jit3A_923 : i32 to vector<2x512xi32>
      %select_n3A_925 = arith.select %eq3A_922, %iota3A, %broadcast_in_dim3A_924 : vector<2x512xi1>, vector<2x512xi32>
      %reduce_min3A_926 = arith.constant dense<2147483647> : vector<2xi32>
      %reduce_min3A_927 = vector.multi_reduction <minsi>, %select_n3A_925, %reduce_min3A_926 [1] : vector<2x512xi32> to vector<2xi32>
      %broadcast_in_dim3A_928 = vector.shape_cast %reduce_min3A_927 : vector<2xi32> to vector<2x1xi32>
      %eq3A_929 = arith.constant 31 : i32
      %eq3A_930 = vector.broadcast %eq3A_929 : i32 to vector<2x32xi32>
      %eq3A_931 = arith.cmpi eq, %iota3A_50, %eq3A_930 : vector<2x32xi32>
      %broadcast_in_dim3A_932 = vector.shape_cast %broadcast_in_dim3A_920 : vector<2x1xf32> to vector<2x1xf32>
      %broadcast_in_dim3A_933 = vector.broadcast %broadcast_in_dim3A_932 : vector<2x1xf32> to vector<2x32xf32>
      %select_n3A_934 = arith.select %eq3A_931, %broadcast_in_dim3A_933, %select_n3A_906 : vector<2x32xi1>, vector<2x32xf32>
      %eq3A_935 = arith.constant 31 : i32
      %eq3A_936 = vector.broadcast %eq3A_935 : i32 to vector<2x32xi32>
      %eq3A_937 = arith.cmpi eq, %iota3A_50, %eq3A_936 : vector<2x32xi32>
      %broadcast_in_dim3A_938 = vector.shape_cast %broadcast_in_dim3A_928 : vector<2x1xi32> to vector<2x1xi32>
      %broadcast_in_dim3A_939 = vector.broadcast %broadcast_in_dim3A_938 : vector<2x1xi32> to vector<2x32xi32>
      %select_n3A_940 = arith.select %eq3A_937, %broadcast_in_dim3A_939, %select_n3A_912 : vector<2x32xi1>, vector<2x32xi32>
      %broadcast_in_dim3A_941 = arith.constant 0.000000e+00 : f32
      %broadcast_in_dim3A_942 = vector.broadcast %broadcast_in_dim3A_941 : f32 to vector<2x32xf32>
      %broadcast_in_dim3A_943 = arith.constant 0 : i32
      %broadcast_in_dim3A_944 = vector.broadcast %broadcast_in_dim3A_943 : i32 to vector<2x32xi32>
      %reduce_max3A_945 = arith.constant dense<0xFF800000> : vector<2xf32>
      %reduce_max3A_946 = vector.multi_reduction <maximumf>, %dot_general3A_49, %reduce_max3A_945 [1] : vector<2x512xf32> to vector<2xf32>
      %broadcast_in_dim3A_947 = vector.shape_cast %reduce_max3A_946 : vector<2xf32> to vector<2x1xf32>
      %eq3A_948 = vector.broadcast %broadcast_in_dim3A_947 : vector<2x1xf32> to vector<2x512xf32>
      %eq3A_949 = arith.cmpf oeq, %dot_general3A_49, %eq3A_948 : vector<2x512xf32>
      %jit3A_950 = arith.constant 1073741824 : i32
      %broadcast_in_dim3A_951 = vector.broadcast %jit3A_950 : i32 to vector<2x512xi32>
      %select_n3A_952 = arith.select %eq3A_949, %iota3A, %broadcast_in_dim3A_951 : vector<2x512xi1>, vector<2x512xi32>
      %reduce_min3A_953 = arith.constant dense<2147483647> : vector<2xi32>
      %reduce_min3A_954 = vector.multi_reduction <minsi>, %select_n3A_952, %reduce_min3A_953 [1] : vector<2x512xi32> to vector<2xi32>
      %broadcast_in_dim3A_955 = vector.shape_cast %reduce_min3A_954 : vector<2xi32> to vector<2x1xi32>
      %eq3A_956 = arith.constant 0 : i32
      %eq3A_957 = vector.broadcast %eq3A_956 : i32 to vector<2x32xi32>
      %eq3A_958 = arith.cmpi eq, %iota3A_50, %eq3A_957 : vector<2x32xi32>
      %broadcast_in_dim3A_959 = vector.shape_cast %broadcast_in_dim3A_947 : vector<2x1xf32> to vector<2x1xf32>
      %broadcast_in_dim3A_960 = vector.broadcast %broadcast_in_dim3A_959 : vector<2x1xf32> to vector<2x32xf32>
      %select_n3A_961 = arith.select %eq3A_958, %broadcast_in_dim3A_960, %broadcast_in_dim3A_942 : vector<2x32xi1>, vector<2x32xf32>
      %eq3A_962 = arith.constant 0 : i32
      %eq3A_963 = vector.broadcast %eq3A_962 : i32 to vector<2x32xi32>
      %eq3A_964 = arith.cmpi eq, %iota3A_50, %eq3A_963 : vector<2x32xi32>
      %broadcast_in_dim3A_965 = vector.shape_cast %broadcast_in_dim3A_955 : vector<2x1xi32> to vector<2x1xi32>
      %broadcast_in_dim3A_966 = vector.broadcast %broadcast_in_dim3A_965 : vector<2x1xi32> to vector<2x32xi32>
      %select_n3A_967 = arith.select %eq3A_964, %broadcast_in_dim3A_966, %broadcast_in_dim3A_944 : vector<2x32xi1>, vector<2x32xi32>
      %eq3A_968 = vector.broadcast %broadcast_in_dim3A_955 : vector<2x1xi32> to vector<2x512xi32>
      %eq3A_969 = arith.cmpi eq, %iota3A, %eq3A_968 : vector<2x512xi32>
      %jit3A_970 = arith.constant -1.000000e+30 : f32
      %broadcast_in_dim3A_971 = vector.broadcast %jit3A_970 : f32 to vector<2x512xf32>
      %select_n3A_972 = arith.select %eq3A_969, %broadcast_in_dim3A_971, %dot_general3A_49 : vector<2x512xi1>, vector<2x512xf32>
      %reduce_max3A_973 = arith.constant dense<0xFF800000> : vector<2xf32>
      %reduce_max3A_974 = vector.multi_reduction <maximumf>, %select_n3A_972, %reduce_max3A_973 [1] : vector<2x512xf32> to vector<2xf32>
      %broadcast_in_dim3A_975 = vector.shape_cast %reduce_max3A_974 : vector<2xf32> to vector<2x1xf32>
      %eq3A_976 = vector.broadcast %broadcast_in_dim3A_975 : vector<2x1xf32> to vector<2x512xf32>
      %eq3A_977 = arith.cmpf oeq, %select_n3A_972, %eq3A_976 : vector<2x512xf32>
      %jit3A_978 = arith.constant 1073741824 : i32
      %broadcast_in_dim3A_979 = vector.broadcast %jit3A_978 : i32 to vector<2x512xi32>
      %select_n3A_980 = arith.select %eq3A_977, %iota3A, %broadcast_in_dim3A_979 : vector<2x512xi1>, vector<2x512xi32>
      %reduce_min3A_981 = arith.constant dense<2147483647> : vector<2xi32>
      %reduce_min3A_982 = vector.multi_reduction <minsi>, %select_n3A_980, %reduce_min3A_981 [1] : vector<2x512xi32> to vector<2xi32>
      %broadcast_in_dim3A_983 = vector.shape_cast %reduce_min3A_982 : vector<2xi32> to vector<2x1xi32>
      %eq3A_984 = arith.constant 1 : i32
      %eq3A_985 = vector.broadcast %eq3A_984 : i32 to vector<2x32xi32>
      %eq3A_986 = arith.cmpi eq, %iota3A_50, %eq3A_985 : vector<2x32xi32>
      %broadcast_in_dim3A_987 = vector.shape_cast %broadcast_in_dim3A_975 : vector<2x1xf32> to vector<2x1xf32>
      %broadcast_in_dim3A_988 = vector.broadcast %broadcast_in_dim3A_987 : vector<2x1xf32> to vector<2x32xf32>
      %select_n3A_989 = arith.select %eq3A_986, %broadcast_in_dim3A_988, %select_n3A_961 : vector<2x32xi1>, vector<2x32xf32>
      %eq3A_990 = arith.constant 1 : i32
      %eq3A_991 = vector.broadcast %eq3A_990 : i32 to vector<2x32xi32>
      %eq3A_992 = arith.cmpi eq, %iota3A_50, %eq3A_991 : vector<2x32xi32>
      %broadcast_in_dim3A_993 = vector.shape_cast %broadcast_in_dim3A_983 : vector<2x1xi32> to vector<2x1xi32>
      %broadcast_in_dim3A_994 = vector.broadcast %broadcast_in_dim3A_993 : vector<2x1xi32> to vector<2x32xi32>
      %select_n3A_995 = arith.select %eq3A_992, %broadcast_in_dim3A_994, %select_n3A_967 : vector<2x32xi1>, vector<2x32xi32>
      %eq3A_996 = vector.broadcast %broadcast_in_dim3A_983 : vector<2x1xi32> to vector<2x512xi32>
      %eq3A_997 = arith.cmpi eq, %iota3A, %eq3A_996 : vector<2x512xi32>
      %jit3A_998 = arith.constant -1.000000e+30 : f32
      %broadcast_in_dim3A_999 = vector.broadcast %jit3A_998 : f32 to vector<2x512xf32>
      %select_n3A_1000 = arith.select %eq3A_997, %broadcast_in_dim3A_999, %select_n3A_972 : vector<2x512xi1>, vector<2x512xf32>
      %reduce_max3A_1001 = arith.constant dense<0xFF800000> : vector<2xf32>
      %reduce_max3A_1002 = vector.multi_reduction <maximumf>, %select_n3A_1000, %reduce_max3A_1001 [1] : vector<2x512xf32> to vector<2xf32>
      %broadcast_in_dim3A_1003 = vector.shape_cast %reduce_max3A_1002 : vector<2xf32> to vector<2x1xf32>
      %eq3A_1004 = vector.broadcast %broadcast_in_dim3A_1003 : vector<2x1xf32> to vector<2x512xf32>
      %eq3A_1005 = arith.cmpf oeq, %select_n3A_1000, %eq3A_1004 : vector<2x512xf32>
      %jit3A_1006 = arith.constant 1073741824 : i32
      %broadcast_in_dim3A_1007 = vector.broadcast %jit3A_1006 : i32 to vector<2x512xi32>
      %select_n3A_1008 = arith.select %eq3A_1005, %iota3A, %broadcast_in_dim3A_1007 : vector<2x512xi1>, vector<2x512xi32>
      %reduce_min3A_1009 = arith.constant dense<2147483647> : vector<2xi32>
      %reduce_min3A_1010 = vector.multi_reduction <minsi>, %select_n3A_1008, %reduce_min3A_1009 [1] : vector<2x512xi32> to vector<2xi32>
      %broadcast_in_dim3A_1011 = vector.shape_cast %reduce_min3A_1010 : vector<2xi32> to vector<2x1xi32>
      %eq3A_1012 = arith.constant 2 : i32
      %eq3A_1013 = vector.broadcast %eq3A_1012 : i32 to vector<2x32xi32>
      %eq3A_1014 = arith.cmpi eq, %iota3A_50, %eq3A_1013 : vector<2x32xi32>
      %broadcast_in_dim3A_1015 = vector.shape_cast %broadcast_in_dim3A_1003 : vector<2x1xf32> to vector<2x1xf32>
      %broadcast_in_dim3A_1016 = vector.broadcast %broadcast_in_dim3A_1015 : vector<2x1xf32> to vector<2x32xf32>
      %select_n3A_1017 = arith.select %eq3A_1014, %broadcast_in_dim3A_1016, %select_n3A_989 : vector<2x32xi1>, vector<2x32xf32>
      %eq3A_1018 = arith.constant 2 : i32
      %eq3A_1019 = vector.broadcast %eq3A_1018 : i32 to vector<2x32xi32>
      %eq3A_1020 = arith.cmpi eq, %iota3A_50, %eq3A_1019 : vector<2x32xi32>
      %broadcast_in_dim3A_1021 = vector.shape_cast %broadcast_in_dim3A_1011 : vector<2x1xi32> to vector<2x1xi32>
      %broadcast_in_dim3A_1022 = vector.broadcast %broadcast_in_dim3A_1021 : vector<2x1xi32> to vector<2x32xi32>
      %select_n3A_1023 = arith.select %eq3A_1020, %broadcast_in_dim3A_1022, %select_n3A_995 : vector<2x32xi1>, vector<2x32xi32>
      %eq3A_1024 = vector.broadcast %broadcast_in_dim3A_1011 : vector<2x1xi32> to vector<2x512xi32>
      %eq3A_1025 = arith.cmpi eq, %iota3A, %eq3A_1024 : vector<2x512xi32>
      %jit3A_1026 = arith.constant -1.000000e+30 : f32
      %broadcast_in_dim3A_1027 = vector.broadcast %jit3A_1026 : f32 to vector<2x512xf32>
      %select_n3A_1028 = arith.select %eq3A_1025, %broadcast_in_dim3A_1027, %select_n3A_1000 : vector<2x512xi1>, vector<2x512xf32>
      %reduce_max3A_1029 = arith.constant dense<0xFF800000> : vector<2xf32>
      %reduce_max3A_1030 = vector.multi_reduction <maximumf>, %select_n3A_1028, %reduce_max3A_1029 [1] : vector<2x512xf32> to vector<2xf32>
      %broadcast_in_dim3A_1031 = vector.shape_cast %reduce_max3A_1030 : vector<2xf32> to vector<2x1xf32>
      %eq3A_1032 = vector.broadcast %broadcast_in_dim3A_1031 : vector<2x1xf32> to vector<2x512xf32>
      %eq3A_1033 = arith.cmpf oeq, %select_n3A_1028, %eq3A_1032 : vector<2x512xf32>
      %jit3A_1034 = arith.constant 1073741824 : i32
      %broadcast_in_dim3A_1035 = vector.broadcast %jit3A_1034 : i32 to vector<2x512xi32>
      %select_n3A_1036 = arith.select %eq3A_1033, %iota3A, %broadcast_in_dim3A_1035 : vector<2x512xi1>, vector<2x512xi32>
      %reduce_min3A_1037 = arith.constant dense<2147483647> : vector<2xi32>
      %reduce_min3A_1038 = vector.multi_reduction <minsi>, %select_n3A_1036, %reduce_min3A_1037 [1] : vector<2x512xi32> to vector<2xi32>
      %broadcast_in_dim3A_1039 = vector.shape_cast %reduce_min3A_1038 : vector<2xi32> to vector<2x1xi32>
      %eq3A_1040 = arith.constant 3 : i32
      %eq3A_1041 = vector.broadcast %eq3A_1040 : i32 to vector<2x32xi32>
      %eq3A_1042 = arith.cmpi eq, %iota3A_50, %eq3A_1041 : vector<2x32xi32>
      %broadcast_in_dim3A_1043 = vector.shape_cast %broadcast_in_dim3A_1031 : vector<2x1xf32> to vector<2x1xf32>
      %broadcast_in_dim3A_1044 = vector.broadcast %broadcast_in_dim3A_1043 : vector<2x1xf32> to vector<2x32xf32>
      %select_n3A_1045 = arith.select %eq3A_1042, %broadcast_in_dim3A_1044, %select_n3A_1017 : vector<2x32xi1>, vector<2x32xf32>
      %eq3A_1046 = arith.constant 3 : i32
      %eq3A_1047 = vector.broadcast %eq3A_1046 : i32 to vector<2x32xi32>
      %eq3A_1048 = arith.cmpi eq, %iota3A_50, %eq3A_1047 : vector<2x32xi32>
      %broadcast_in_dim3A_1049 = vector.shape_cast %broadcast_in_dim3A_1039 : vector<2x1xi32> to vector<2x1xi32>
      %broadcast_in_dim3A_1050 = vector.broadcast %broadcast_in_dim3A_1049 : vector<2x1xi32> to vector<2x32xi32>
      %select_n3A_1051 = arith.select %eq3A_1048, %broadcast_in_dim3A_1050, %select_n3A_1023 : vector<2x32xi1>, vector<2x32xi32>
      %eq3A_1052 = vector.broadcast %broadcast_in_dim3A_1039 : vector<2x1xi32> to vector<2x512xi32>
      %eq3A_1053 = arith.cmpi eq, %iota3A, %eq3A_1052 : vector<2x512xi32>
      %jit3A_1054 = arith.constant -1.000000e+30 : f32
      %broadcast_in_dim3A_1055 = vector.broadcast %jit3A_1054 : f32 to vector<2x512xf32>
      %select_n3A_1056 = arith.select %eq3A_1053, %broadcast_in_dim3A_1055, %select_n3A_1028 : vector<2x512xi1>, vector<2x512xf32>
      %reduce_max3A_1057 = arith.constant dense<0xFF800000> : vector<2xf32>
      %reduce_max3A_1058 = vector.multi_reduction <maximumf>, %select_n3A_1056, %reduce_max3A_1057 [1] : vector<2x512xf32> to vector<2xf32>
      %broadcast_in_dim3A_1059 = vector.shape_cast %reduce_max3A_1058 : vector<2xf32> to vector<2x1xf32>
      %eq3A_1060 = vector.broadcast %broadcast_in_dim3A_1059 : vector<2x1xf32> to vector<2x512xf32>
      %eq3A_1061 = arith.cmpf oeq, %select_n3A_1056, %eq3A_1060 : vector<2x512xf32>
      %jit3A_1062 = arith.constant 1073741824 : i32
      %broadcast_in_dim3A_1063 = vector.broadcast %jit3A_1062 : i32 to vector<2x512xi32>
      %select_n3A_1064 = arith.select %eq3A_1061, %iota3A, %broadcast_in_dim3A_1063 : vector<2x512xi1>, vector<2x512xi32>
      %reduce_min3A_1065 = arith.constant dense<2147483647> : vector<2xi32>
      %reduce_min3A_1066 = vector.multi_reduction <minsi>, %select_n3A_1064, %reduce_min3A_1065 [1] : vector<2x512xi32> to vector<2xi32>
      %broadcast_in_dim3A_1067 = vector.shape_cast %reduce_min3A_1066 : vector<2xi32> to vector<2x1xi32>
      %eq3A_1068 = arith.constant 4 : i32
      %eq3A_1069 = vector.broadcast %eq3A_1068 : i32 to vector<2x32xi32>
      %eq3A_1070 = arith.cmpi eq, %iota3A_50, %eq3A_1069 : vector<2x32xi32>
      %broadcast_in_dim3A_1071 = vector.shape_cast %broadcast_in_dim3A_1059 : vector<2x1xf32> to vector<2x1xf32>
      %broadcast_in_dim3A_1072 = vector.broadcast %broadcast_in_dim3A_1071 : vector<2x1xf32> to vector<2x32xf32>
      %select_n3A_1073 = arith.select %eq3A_1070, %broadcast_in_dim3A_1072, %select_n3A_1045 : vector<2x32xi1>, vector<2x32xf32>
      %eq3A_1074 = arith.constant 4 : i32
      %eq3A_1075 = vector.broadcast %eq3A_1074 : i32 to vector<2x32xi32>
      %eq3A_1076 = arith.cmpi eq, %iota3A_50, %eq3A_1075 : vector<2x32xi32>
      %broadcast_in_dim3A_1077 = vector.shape_cast %broadcast_in_dim3A_1067 : vector<2x1xi32> to vector<2x1xi32>
      %broadcast_in_dim3A_1078 = vector.broadcast %broadcast_in_dim3A_1077 : vector<2x1xi32> to vector<2x32xi32>
      %select_n3A_1079 = arith.select %eq3A_1076, %broadcast_in_dim3A_1078, %select_n3A_1051 : vector<2x32xi1>, vector<2x32xi32>
      %eq3A_1080 = vector.broadcast %broadcast_in_dim3A_1067 : vector<2x1xi32> to vector<2x512xi32>
      %eq3A_1081 = arith.cmpi eq, %iota3A, %eq3A_1080 : vector<2x512xi32>
      %jit3A_1082 = arith.constant -1.000000e+30 : f32
      %broadcast_in_dim3A_1083 = vector.broadcast %jit3A_1082 : f32 to vector<2x512xf32>
      %select_n3A_1084 = arith.select %eq3A_1081, %broadcast_in_dim3A_1083, %select_n3A_1056 : vector<2x512xi1>, vector<2x512xf32>
      %reduce_max3A_1085 = arith.constant dense<0xFF800000> : vector<2xf32>
      %reduce_max3A_1086 = vector.multi_reduction <maximumf>, %select_n3A_1084, %reduce_max3A_1085 [1] : vector<2x512xf32> to vector<2xf32>
      %broadcast_in_dim3A_1087 = vector.shape_cast %reduce_max3A_1086 : vector<2xf32> to vector<2x1xf32>
      %eq3A_1088 = vector.broadcast %broadcast_in_dim3A_1087 : vector<2x1xf32> to vector<2x512xf32>
      %eq3A_1089 = arith.cmpf oeq, %select_n3A_1084, %eq3A_1088 : vector<2x512xf32>
      %jit3A_1090 = arith.constant 1073741824 : i32
      %broadcast_in_dim3A_1091 = vector.broadcast %jit3A_1090 : i32 to vector<2x512xi32>
      %select_n3A_1092 = arith.select %eq3A_1089, %iota3A, %broadcast_in_dim3A_1091 : vector<2x512xi1>, vector<2x512xi32>
      %reduce_min3A_1093 = arith.constant dense<2147483647> : vector<2xi32>
      %reduce_min3A_1094 = vector.multi_reduction <minsi>, %select_n3A_1092, %reduce_min3A_1093 [1] : vector<2x512xi32> to vector<2xi32>
      %broadcast_in_dim3A_1095 = vector.shape_cast %reduce_min3A_1094 : vector<2xi32> to vector<2x1xi32>
      %eq3A_1096 = arith.constant 5 : i32
      %eq3A_1097 = vector.broadcast %eq3A_1096 : i32 to vector<2x32xi32>
      %eq3A_1098 = arith.cmpi eq, %iota3A_50, %eq3A_1097 : vector<2x32xi32>
      %broadcast_in_dim3A_1099 = vector.shape_cast %broadcast_in_dim3A_1087 : vector<2x1xf32> to vector<2x1xf32>
      %broadcast_in_dim3A_1100 = vector.broadcast %broadcast_in_dim3A_1099 : vector<2x1xf32> to vector<2x32xf32>
      %select_n3A_1101 = arith.select %eq3A_1098, %broadcast_in_dim3A_1100, %select_n3A_1073 : vector<2x32xi1>, vector<2x32xf32>
      %eq3A_1102 = arith.constant 5 : i32
      %eq3A_1103 = vector.broadcast %eq3A_1102 : i32 to vector<2x32xi32>
      %eq3A_1104 = arith.cmpi eq, %iota3A_50, %eq3A_1103 : vector<2x32xi32>
      %broadcast_in_dim3A_1105 = vector.shape_cast %broadcast_in_dim3A_1095 : vector<2x1xi32> to vector<2x1xi32>
      %broadcast_in_dim3A_1106 = vector.broadcast %broadcast_in_dim3A_1105 : vector<2x1xi32> to vector<2x32xi32>
      %select_n3A_1107 = arith.select %eq3A_1104, %broadcast_in_dim3A_1106, %select_n3A_1079 : vector<2x32xi1>, vector<2x32xi32>
      %eq3A_1108 = vector.broadcast %broadcast_in_dim3A_1095 : vector<2x1xi32> to vector<2x512xi32>
      %eq3A_1109 = arith.cmpi eq, %iota3A, %eq3A_1108 : vector<2x512xi32>
      %jit3A_1110 = arith.constant -1.000000e+30 : f32
      %broadcast_in_dim3A_1111 = vector.broadcast %jit3A_1110 : f32 to vector<2x512xf32>
      %select_n3A_1112 = arith.select %eq3A_1109, %broadcast_in_dim3A_1111, %select_n3A_1084 : vector<2x512xi1>, vector<2x512xf32>
      %reduce_max3A_1113 = arith.constant dense<0xFF800000> : vector<2xf32>
      %reduce_max3A_1114 = vector.multi_reduction <maximumf>, %select_n3A_1112, %reduce_max3A_1113 [1] : vector<2x512xf32> to vector<2xf32>
      %broadcast_in_dim3A_1115 = vector.shape_cast %reduce_max3A_1114 : vector<2xf32> to vector<2x1xf32>
      %eq3A_1116 = vector.broadcast %broadcast_in_dim3A_1115 : vector<2x1xf32> to vector<2x512xf32>
      %eq3A_1117 = arith.cmpf oeq, %select_n3A_1112, %eq3A_1116 : vector<2x512xf32>
      %jit3A_1118 = arith.constant 1073741824 : i32
      %broadcast_in_dim3A_1119 = vector.broadcast %jit3A_1118 : i32 to vector<2x512xi32>
      %select_n3A_1120 = arith.select %eq3A_1117, %iota3A, %broadcast_in_dim3A_1119 : vector<2x512xi1>, vector<2x512xi32>
      %reduce_min3A_1121 = arith.constant dense<2147483647> : vector<2xi32>
      %reduce_min3A_1122 = vector.multi_reduction <minsi>, %select_n3A_1120, %reduce_min3A_1121 [1] : vector<2x512xi32> to vector<2xi32>
      %broadcast_in_dim3A_1123 = vector.shape_cast %reduce_min3A_1122 : vector<2xi32> to vector<2x1xi32>
      %eq3A_1124 = arith.constant 6 : i32
      %eq3A_1125 = vector.broadcast %eq3A_1124 : i32 to vector<2x32xi32>
      %eq3A_1126 = arith.cmpi eq, %iota3A_50, %eq3A_1125 : vector<2x32xi32>
      %broadcast_in_dim3A_1127 = vector.shape_cast %broadcast_in_dim3A_1115 : vector<2x1xf32> to vector<2x1xf32>
      %broadcast_in_dim3A_1128 = vector.broadcast %broadcast_in_dim3A_1127 : vector<2x1xf32> to vector<2x32xf32>
      %select_n3A_1129 = arith.select %eq3A_1126, %broadcast_in_dim3A_1128, %select_n3A_1101 : vector<2x32xi1>, vector<2x32xf32>
      %eq3A_1130 = arith.constant 6 : i32
      %eq3A_1131 = vector.broadcast %eq3A_1130 : i32 to vector<2x32xi32>
      %eq3A_1132 = arith.cmpi eq, %iota3A_50, %eq3A_1131 : vector<2x32xi32>
      %broadcast_in_dim3A_1133 = vector.shape_cast %broadcast_in_dim3A_1123 : vector<2x1xi32> to vector<2x1xi32>
      %broadcast_in_dim3A_1134 = vector.broadcast %broadcast_in_dim3A_1133 : vector<2x1xi32> to vector<2x32xi32>
      %select_n3A_1135 = arith.select %eq3A_1132, %broadcast_in_dim3A_1134, %select_n3A_1107 : vector<2x32xi1>, vector<2x32xi32>
      %eq3A_1136 = vector.broadcast %broadcast_in_dim3A_1123 : vector<2x1xi32> to vector<2x512xi32>
      %eq3A_1137 = arith.cmpi eq, %iota3A, %eq3A_1136 : vector<2x512xi32>
      %jit3A_1138 = arith.constant -1.000000e+30 : f32
      %broadcast_in_dim3A_1139 = vector.broadcast %jit3A_1138 : f32 to vector<2x512xf32>
      %select_n3A_1140 = arith.select %eq3A_1137, %broadcast_in_dim3A_1139, %select_n3A_1112 : vector<2x512xi1>, vector<2x512xf32>
      %reduce_max3A_1141 = arith.constant dense<0xFF800000> : vector<2xf32>
      %reduce_max3A_1142 = vector.multi_reduction <maximumf>, %select_n3A_1140, %reduce_max3A_1141 [1] : vector<2x512xf32> to vector<2xf32>
      %broadcast_in_dim3A_1143 = vector.shape_cast %reduce_max3A_1142 : vector<2xf32> to vector<2x1xf32>
      %eq3A_1144 = vector.broadcast %broadcast_in_dim3A_1143 : vector<2x1xf32> to vector<2x512xf32>
      %eq3A_1145 = arith.cmpf oeq, %select_n3A_1140, %eq3A_1144 : vector<2x512xf32>
      %jit3A_1146 = arith.constant 1073741824 : i32
      %broadcast_in_dim3A_1147 = vector.broadcast %jit3A_1146 : i32 to vector<2x512xi32>
      %select_n3A_1148 = arith.select %eq3A_1145, %iota3A, %broadcast_in_dim3A_1147 : vector<2x512xi1>, vector<2x512xi32>
      %reduce_min3A_1149 = arith.constant dense<2147483647> : vector<2xi32>
      %reduce_min3A_1150 = vector.multi_reduction <minsi>, %select_n3A_1148, %reduce_min3A_1149 [1] : vector<2x512xi32> to vector<2xi32>
      %broadcast_in_dim3A_1151 = vector.shape_cast %reduce_min3A_1150 : vector<2xi32> to vector<2x1xi32>
      %eq3A_1152 = arith.constant 7 : i32
      %eq3A_1153 = vector.broadcast %eq3A_1152 : i32 to vector<2x32xi32>
      %eq3A_1154 = arith.cmpi eq, %iota3A_50, %eq3A_1153 : vector<2x32xi32>
      %broadcast_in_dim3A_1155 = vector.shape_cast %broadcast_in_dim3A_1143 : vector<2x1xf32> to vector<2x1xf32>
      %broadcast_in_dim3A_1156 = vector.broadcast %broadcast_in_dim3A_1155 : vector<2x1xf32> to vector<2x32xf32>
      %select_n3A_1157 = arith.select %eq3A_1154, %broadcast_in_dim3A_1156, %select_n3A_1129 : vector<2x32xi1>, vector<2x32xf32>
      %eq3A_1158 = arith.constant 7 : i32
      %eq3A_1159 = vector.broadcast %eq3A_1158 : i32 to vector<2x32xi32>
      %eq3A_1160 = arith.cmpi eq, %iota3A_50, %eq3A_1159 : vector<2x32xi32>
      %broadcast_in_dim3A_1161 = vector.shape_cast %broadcast_in_dim3A_1151 : vector<2x1xi32> to vector<2x1xi32>
      %broadcast_in_dim3A_1162 = vector.broadcast %broadcast_in_dim3A_1161 : vector<2x1xi32> to vector<2x32xi32>
      %select_n3A_1163 = arith.select %eq3A_1160, %broadcast_in_dim3A_1162, %select_n3A_1135 : vector<2x32xi1>, vector<2x32xi32>
      %eq3A_1164 = vector.broadcast %broadcast_in_dim3A_1151 : vector<2x1xi32> to vector<2x512xi32>
      %eq3A_1165 = arith.cmpi eq, %iota3A, %eq3A_1164 : vector<2x512xi32>
      %jit3A_1166 = arith.constant -1.000000e+30 : f32
      %broadcast_in_dim3A_1167 = vector.broadcast %jit3A_1166 : f32 to vector<2x512xf32>
      %select_n3A_1168 = arith.select %eq3A_1165, %broadcast_in_dim3A_1167, %select_n3A_1140 : vector<2x512xi1>, vector<2x512xf32>
      %reduce_max3A_1169 = arith.constant dense<0xFF800000> : vector<2xf32>
      %reduce_max3A_1170 = vector.multi_reduction <maximumf>, %select_n3A_1168, %reduce_max3A_1169 [1] : vector<2x512xf32> to vector<2xf32>
      %broadcast_in_dim3A_1171 = vector.shape_cast %reduce_max3A_1170 : vector<2xf32> to vector<2x1xf32>
      %eq3A_1172 = vector.broadcast %broadcast_in_dim3A_1171 : vector<2x1xf32> to vector<2x512xf32>
      %eq3A_1173 = arith.cmpf oeq, %select_n3A_1168, %eq3A_1172 : vector<2x512xf32>
      %jit3A_1174 = arith.constant 1073741824 : i32
      %broadcast_in_dim3A_1175 = vector.broadcast %jit3A_1174 : i32 to vector<2x512xi32>
      %select_n3A_1176 = arith.select %eq3A_1173, %iota3A, %broadcast_in_dim3A_1175 : vector<2x512xi1>, vector<2x512xi32>
      %reduce_min3A_1177 = arith.constant dense<2147483647> : vector<2xi32>
      %reduce_min3A_1178 = vector.multi_reduction <minsi>, %select_n3A_1176, %reduce_min3A_1177 [1] : vector<2x512xi32> to vector<2xi32>
      %broadcast_in_dim3A_1179 = vector.shape_cast %reduce_min3A_1178 : vector<2xi32> to vector<2x1xi32>
      %eq3A_1180 = arith.constant 8 : i32
      %eq3A_1181 = vector.broadcast %eq3A_1180 : i32 to vector<2x32xi32>
      %eq3A_1182 = arith.cmpi eq, %iota3A_50, %eq3A_1181 : vector<2x32xi32>
      %broadcast_in_dim3A_1183 = vector.shape_cast %broadcast_in_dim3A_1171 : vector<2x1xf32> to vector<2x1xf32>
      %broadcast_in_dim3A_1184 = vector.broadcast %broadcast_in_dim3A_1183 : vector<2x1xf32> to vector<2x32xf32>
      %select_n3A_1185 = arith.select %eq3A_1182, %broadcast_in_dim3A_1184, %select_n3A_1157 : vector<2x32xi1>, vector<2x32xf32>
      %eq3A_1186 = arith.constant 8 : i32
      %eq3A_1187 = vector.broadcast %eq3A_1186 : i32 to vector<2x32xi32>
      %eq3A_1188 = arith.cmpi eq, %iota3A_50, %eq3A_1187 : vector<2x32xi32>
      %broadcast_in_dim3A_1189 = vector.shape_cast %broadcast_in_dim3A_1179 : vector<2x1xi32> to vector<2x1xi32>
      %broadcast_in_dim3A_1190 = vector.broadcast %broadcast_in_dim3A_1189 : vector<2x1xi32> to vector<2x32xi32>
      %select_n3A_1191 = arith.select %eq3A_1188, %broadcast_in_dim3A_1190, %select_n3A_1163 : vector<2x32xi1>, vector<2x32xi32>
      %eq3A_1192 = vector.broadcast %broadcast_in_dim3A_1179 : vector<2x1xi32> to vector<2x512xi32>
      %eq3A_1193 = arith.cmpi eq, %iota3A, %eq3A_1192 : vector<2x512xi32>
      %jit3A_1194 = arith.constant -1.000000e+30 : f32
      %broadcast_in_dim3A_1195 = vector.broadcast %jit3A_1194 : f32 to vector<2x512xf32>
      %select_n3A_1196 = arith.select %eq3A_1193, %broadcast_in_dim3A_1195, %select_n3A_1168 : vector<2x512xi1>, vector<2x512xf32>
      %reduce_max3A_1197 = arith.constant dense<0xFF800000> : vector<2xf32>
      %reduce_max3A_1198 = vector.multi_reduction <maximumf>, %select_n3A_1196, %reduce_max3A_1197 [1] : vector<2x512xf32> to vector<2xf32>
      %broadcast_in_dim3A_1199 = vector.shape_cast %reduce_max3A_1198 : vector<2xf32> to vector<2x1xf32>
      %eq3A_1200 = vector.broadcast %broadcast_in_dim3A_1199 : vector<2x1xf32> to vector<2x512xf32>
      %eq3A_1201 = arith.cmpf oeq, %select_n3A_1196, %eq3A_1200 : vector<2x512xf32>
      %jit3A_1202 = arith.constant 1073741824 : i32
      %broadcast_in_dim3A_1203 = vector.broadcast %jit3A_1202 : i32 to vector<2x512xi32>
      %select_n3A_1204 = arith.select %eq3A_1201, %iota3A, %broadcast_in_dim3A_1203 : vector<2x512xi1>, vector<2x512xi32>
      %reduce_min3A_1205 = arith.constant dense<2147483647> : vector<2xi32>
      %reduce_min3A_1206 = vector.multi_reduction <minsi>, %select_n3A_1204, %reduce_min3A_1205 [1] : vector<2x512xi32> to vector<2xi32>
      %broadcast_in_dim3A_1207 = vector.shape_cast %reduce_min3A_1206 : vector<2xi32> to vector<2x1xi32>
      %eq3A_1208 = arith.constant 9 : i32
      %eq3A_1209 = vector.broadcast %eq3A_1208 : i32 to vector<2x32xi32>
      %eq3A_1210 = arith.cmpi eq, %iota3A_50, %eq3A_1209 : vector<2x32xi32>
      %broadcast_in_dim3A_1211 = vector.shape_cast %broadcast_in_dim3A_1199 : vector<2x1xf32> to vector<2x1xf32>
      %broadcast_in_dim3A_1212 = vector.broadcast %broadcast_in_dim3A_1211 : vector<2x1xf32> to vector<2x32xf32>
      %select_n3A_1213 = arith.select %eq3A_1210, %broadcast_in_dim3A_1212, %select_n3A_1185 : vector<2x32xi1>, vector<2x32xf32>
      %eq3A_1214 = arith.constant 9 : i32
      %eq3A_1215 = vector.broadcast %eq3A_1214 : i32 to vector<2x32xi32>
      %eq3A_1216 = arith.cmpi eq, %iota3A_50, %eq3A_1215 : vector<2x32xi32>
      %broadcast_in_dim3A_1217 = vector.shape_cast %broadcast_in_dim3A_1207 : vector<2x1xi32> to vector<2x1xi32>
      %broadcast_in_dim3A_1218 = vector.broadcast %broadcast_in_dim3A_1217 : vector<2x1xi32> to vector<2x32xi32>
      %select_n3A_1219 = arith.select %eq3A_1216, %broadcast_in_dim3A_1218, %select_n3A_1191 : vector<2x32xi1>, vector<2x32xi32>
      %eq3A_1220 = vector.broadcast %broadcast_in_dim3A_1207 : vector<2x1xi32> to vector<2x512xi32>
      %eq3A_1221 = arith.cmpi eq, %iota3A, %eq3A_1220 : vector<2x512xi32>
      %jit3A_1222 = arith.constant -1.000000e+30 : f32
      %broadcast_in_dim3A_1223 = vector.broadcast %jit3A_1222 : f32 to vector<2x512xf32>
      %select_n3A_1224 = arith.select %eq3A_1221, %broadcast_in_dim3A_1223, %select_n3A_1196 : vector<2x512xi1>, vector<2x512xf32>
      %reduce_max3A_1225 = arith.constant dense<0xFF800000> : vector<2xf32>
      %reduce_max3A_1226 = vector.multi_reduction <maximumf>, %select_n3A_1224, %reduce_max3A_1225 [1] : vector<2x512xf32> to vector<2xf32>
      %broadcast_in_dim3A_1227 = vector.shape_cast %reduce_max3A_1226 : vector<2xf32> to vector<2x1xf32>
      %eq3A_1228 = vector.broadcast %broadcast_in_dim3A_1227 : vector<2x1xf32> to vector<2x512xf32>
      %eq3A_1229 = arith.cmpf oeq, %select_n3A_1224, %eq3A_1228 : vector<2x512xf32>
      %jit3A_1230 = arith.constant 1073741824 : i32
      %broadcast_in_dim3A_1231 = vector.broadcast %jit3A_1230 : i32 to vector<2x512xi32>
      %select_n3A_1232 = arith.select %eq3A_1229, %iota3A, %broadcast_in_dim3A_1231 : vector<2x512xi1>, vector<2x512xi32>
      %reduce_min3A_1233 = arith.constant dense<2147483647> : vector<2xi32>
      %reduce_min3A_1234 = vector.multi_reduction <minsi>, %select_n3A_1232, %reduce_min3A_1233 [1] : vector<2x512xi32> to vector<2xi32>
      %broadcast_in_dim3A_1235 = vector.shape_cast %reduce_min3A_1234 : vector<2xi32> to vector<2x1xi32>
      %eq3A_1236 = arith.constant 10 : i32
      %eq3A_1237 = vector.broadcast %eq3A_1236 : i32 to vector<2x32xi32>
      %eq3A_1238 = arith.cmpi eq, %iota3A_50, %eq3A_1237 : vector<2x32xi32>
      %broadcast_in_dim3A_1239 = vector.shape_cast %broadcast_in_dim3A_1227 : vector<2x1xf32> to vector<2x1xf32>
      %broadcast_in_dim3A_1240 = vector.broadcast %broadcast_in_dim3A_1239 : vector<2x1xf32> to vector<2x32xf32>
      %select_n3A_1241 = arith.select %eq3A_1238, %broadcast_in_dim3A_1240, %select_n3A_1213 : vector<2x32xi1>, vector<2x32xf32>
      %eq3A_1242 = arith.constant 10 : i32
      %eq3A_1243 = vector.broadcast %eq3A_1242 : i32 to vector<2x32xi32>
      %eq3A_1244 = arith.cmpi eq, %iota3A_50, %eq3A_1243 : vector<2x32xi32>
      %broadcast_in_dim3A_1245 = vector.shape_cast %broadcast_in_dim3A_1235 : vector<2x1xi32> to vector<2x1xi32>
      %broadcast_in_dim3A_1246 = vector.broadcast %broadcast_in_dim3A_1245 : vector<2x1xi32> to vector<2x32xi32>
      %select_n3A_1247 = arith.select %eq3A_1244, %broadcast_in_dim3A_1246, %select_n3A_1219 : vector<2x32xi1>, vector<2x32xi32>
      %eq3A_1248 = vector.broadcast %broadcast_in_dim3A_1235 : vector<2x1xi32> to vector<2x512xi32>
      %eq3A_1249 = arith.cmpi eq, %iota3A, %eq3A_1248 : vector<2x512xi32>
      %jit3A_1250 = arith.constant -1.000000e+30 : f32
      %broadcast_in_dim3A_1251 = vector.broadcast %jit3A_1250 : f32 to vector<2x512xf32>
      %select_n3A_1252 = arith.select %eq3A_1249, %broadcast_in_dim3A_1251, %select_n3A_1224 : vector<2x512xi1>, vector<2x512xf32>
      %reduce_max3A_1253 = arith.constant dense<0xFF800000> : vector<2xf32>
      %reduce_max3A_1254 = vector.multi_reduction <maximumf>, %select_n3A_1252, %reduce_max3A_1253 [1] : vector<2x512xf32> to vector<2xf32>
      %broadcast_in_dim3A_1255 = vector.shape_cast %reduce_max3A_1254 : vector<2xf32> to vector<2x1xf32>
      %eq3A_1256 = vector.broadcast %broadcast_in_dim3A_1255 : vector<2x1xf32> to vector<2x512xf32>
      %eq3A_1257 = arith.cmpf oeq, %select_n3A_1252, %eq3A_1256 : vector<2x512xf32>
      %jit3A_1258 = arith.constant 1073741824 : i32
      %broadcast_in_dim3A_1259 = vector.broadcast %jit3A_1258 : i32 to vector<2x512xi32>
      %select_n3A_1260 = arith.select %eq3A_1257, %iota3A, %broadcast_in_dim3A_1259 : vector<2x512xi1>, vector<2x512xi32>
      %reduce_min3A_1261 = arith.constant dense<2147483647> : vector<2xi32>
      %reduce_min3A_1262 = vector.multi_reduction <minsi>, %select_n3A_1260, %reduce_min3A_1261 [1] : vector<2x512xi32> to vector<2xi32>
      %broadcast_in_dim3A_1263 = vector.shape_cast %reduce_min3A_1262 : vector<2xi32> to vector<2x1xi32>
      %eq3A_1264 = arith.constant 11 : i32
      %eq3A_1265 = vector.broadcast %eq3A_1264 : i32 to vector<2x32xi32>
      %eq3A_1266 = arith.cmpi eq, %iota3A_50, %eq3A_1265 : vector<2x32xi32>
      %broadcast_in_dim3A_1267 = vector.shape_cast %broadcast_in_dim3A_1255 : vector<2x1xf32> to vector<2x1xf32>
      %broadcast_in_dim3A_1268 = vector.broadcast %broadcast_in_dim3A_1267 : vector<2x1xf32> to vector<2x32xf32>
      %select_n3A_1269 = arith.select %eq3A_1266, %broadcast_in_dim3A_1268, %select_n3A_1241 : vector<2x32xi1>, vector<2x32xf32>
      %eq3A_1270 = arith.constant 11 : i32
      %eq3A_1271 = vector.broadcast %eq3A_1270 : i32 to vector<2x32xi32>
      %eq3A_1272 = arith.cmpi eq, %iota3A_50, %eq3A_1271 : vector<2x32xi32>
      %broadcast_in_dim3A_1273 = vector.shape_cast %broadcast_in_dim3A_1263 : vector<2x1xi32> to vector<2x1xi32>
      %broadcast_in_dim3A_1274 = vector.broadcast %broadcast_in_dim3A_1273 : vector<2x1xi32> to vector<2x32xi32>
      %select_n3A_1275 = arith.select %eq3A_1272, %broadcast_in_dim3A_1274, %select_n3A_1247 : vector<2x32xi1>, vector<2x32xi32>
      %eq3A_1276 = vector.broadcast %broadcast_in_dim3A_1263 : vector<2x1xi32> to vector<2x512xi32>
      %eq3A_1277 = arith.cmpi eq, %iota3A, %eq3A_1276 : vector<2x512xi32>
      %jit3A_1278 = arith.constant -1.000000e+30 : f32
      %broadcast_in_dim3A_1279 = vector.broadcast %jit3A_1278 : f32 to vector<2x512xf32>
      %select_n3A_1280 = arith.select %eq3A_1277, %broadcast_in_dim3A_1279, %select_n3A_1252 : vector<2x512xi1>, vector<2x512xf32>
      %reduce_max3A_1281 = arith.constant dense<0xFF800000> : vector<2xf32>
      %reduce_max3A_1282 = vector.multi_reduction <maximumf>, %select_n3A_1280, %reduce_max3A_1281 [1] : vector<2x512xf32> to vector<2xf32>
      %broadcast_in_dim3A_1283 = vector.shape_cast %reduce_max3A_1282 : vector<2xf32> to vector<2x1xf32>
      %eq3A_1284 = vector.broadcast %broadcast_in_dim3A_1283 : vector<2x1xf32> to vector<2x512xf32>
      %eq3A_1285 = arith.cmpf oeq, %select_n3A_1280, %eq3A_1284 : vector<2x512xf32>
      %jit3A_1286 = arith.constant 1073741824 : i32
      %broadcast_in_dim3A_1287 = vector.broadcast %jit3A_1286 : i32 to vector<2x512xi32>
      %select_n3A_1288 = arith.select %eq3A_1285, %iota3A, %broadcast_in_dim3A_1287 : vector<2x512xi1>, vector<2x512xi32>
      %reduce_min3A_1289 = arith.constant dense<2147483647> : vector<2xi32>
      %reduce_min3A_1290 = vector.multi_reduction <minsi>, %select_n3A_1288, %reduce_min3A_1289 [1] : vector<2x512xi32> to vector<2xi32>
      %broadcast_in_dim3A_1291 = vector.shape_cast %reduce_min3A_1290 : vector<2xi32> to vector<2x1xi32>
      %eq3A_1292 = arith.constant 12 : i32
      %eq3A_1293 = vector.broadcast %eq3A_1292 : i32 to vector<2x32xi32>
      %eq3A_1294 = arith.cmpi eq, %iota3A_50, %eq3A_1293 : vector<2x32xi32>
      %broadcast_in_dim3A_1295 = vector.shape_cast %broadcast_in_dim3A_1283 : vector<2x1xf32> to vector<2x1xf32>
      %broadcast_in_dim3A_1296 = vector.broadcast %broadcast_in_dim3A_1295 : vector<2x1xf32> to vector<2x32xf32>
      %select_n3A_1297 = arith.select %eq3A_1294, %broadcast_in_dim3A_1296, %select_n3A_1269 : vector<2x32xi1>, vector<2x32xf32>
      %eq3A_1298 = arith.constant 12 : i32
      %eq3A_1299 = vector.broadcast %eq3A_1298 : i32 to vector<2x32xi32>
      %eq3A_1300 = arith.cmpi eq, %iota3A_50, %eq3A_1299 : vector<2x32xi32>
      %broadcast_in_dim3A_1301 = vector.shape_cast %broadcast_in_dim3A_1291 : vector<2x1xi32> to vector<2x1xi32>
      %broadcast_in_dim3A_1302 = vector.broadcast %broadcast_in_dim3A_1301 : vector<2x1xi32> to vector<2x32xi32>
      %select_n3A_1303 = arith.select %eq3A_1300, %broadcast_in_dim3A_1302, %select_n3A_1275 : vector<2x32xi1>, vector<2x32xi32>
      %eq3A_1304 = vector.broadcast %broadcast_in_dim3A_1291 : vector<2x1xi32> to vector<2x512xi32>
      %eq3A_1305 = arith.cmpi eq, %iota3A, %eq3A_1304 : vector<2x512xi32>
      %jit3A_1306 = arith.constant -1.000000e+30 : f32
      %broadcast_in_dim3A_1307 = vector.broadcast %jit3A_1306 : f32 to vector<2x512xf32>
      %select_n3A_1308 = arith.select %eq3A_1305, %broadcast_in_dim3A_1307, %select_n3A_1280 : vector<2x512xi1>, vector<2x512xf32>
      %reduce_max3A_1309 = arith.constant dense<0xFF800000> : vector<2xf32>
      %reduce_max3A_1310 = vector.multi_reduction <maximumf>, %select_n3A_1308, %reduce_max3A_1309 [1] : vector<2x512xf32> to vector<2xf32>
      %broadcast_in_dim3A_1311 = vector.shape_cast %reduce_max3A_1310 : vector<2xf32> to vector<2x1xf32>
      %eq3A_1312 = vector.broadcast %broadcast_in_dim3A_1311 : vector<2x1xf32> to vector<2x512xf32>
      %eq3A_1313 = arith.cmpf oeq, %select_n3A_1308, %eq3A_1312 : vector<2x512xf32>
      %jit3A_1314 = arith.constant 1073741824 : i32
      %broadcast_in_dim3A_1315 = vector.broadcast %jit3A_1314 : i32 to vector<2x512xi32>
      %select_n3A_1316 = arith.select %eq3A_1313, %iota3A, %broadcast_in_dim3A_1315 : vector<2x512xi1>, vector<2x512xi32>
      %reduce_min3A_1317 = arith.constant dense<2147483647> : vector<2xi32>
      %reduce_min3A_1318 = vector.multi_reduction <minsi>, %select_n3A_1316, %reduce_min3A_1317 [1] : vector<2x512xi32> to vector<2xi32>
      %broadcast_in_dim3A_1319 = vector.shape_cast %reduce_min3A_1318 : vector<2xi32> to vector<2x1xi32>
      %eq3A_1320 = arith.constant 13 : i32
      %eq3A_1321 = vector.broadcast %eq3A_1320 : i32 to vector<2x32xi32>
      %eq3A_1322 = arith.cmpi eq, %iota3A_50, %eq3A_1321 : vector<2x32xi32>
      %broadcast_in_dim3A_1323 = vector.shape_cast %broadcast_in_dim3A_1311 : vector<2x1xf32> to vector<2x1xf32>
      %broadcast_in_dim3A_1324 = vector.broadcast %broadcast_in_dim3A_1323 : vector<2x1xf32> to vector<2x32xf32>
      %select_n3A_1325 = arith.select %eq3A_1322, %broadcast_in_dim3A_1324, %select_n3A_1297 : vector<2x32xi1>, vector<2x32xf32>
      %eq3A_1326 = arith.constant 13 : i32
      %eq3A_1327 = vector.broadcast %eq3A_1326 : i32 to vector<2x32xi32>
      %eq3A_1328 = arith.cmpi eq, %iota3A_50, %eq3A_1327 : vector<2x32xi32>
      %broadcast_in_dim3A_1329 = vector.shape_cast %broadcast_in_dim3A_1319 : vector<2x1xi32> to vector<2x1xi32>
      %broadcast_in_dim3A_1330 = vector.broadcast %broadcast_in_dim3A_1329 : vector<2x1xi32> to vector<2x32xi32>
      %select_n3A_1331 = arith.select %eq3A_1328, %broadcast_in_dim3A_1330, %select_n3A_1303 : vector<2x32xi1>, vector<2x32xi32>
      %eq3A_1332 = vector.broadcast %broadcast_in_dim3A_1319 : vector<2x1xi32> to vector<2x512xi32>
      %eq3A_1333 = arith.cmpi eq, %iota3A, %eq3A_1332 : vector<2x512xi32>
      %jit3A_1334 = arith.constant -1.000000e+30 : f32
      %broadcast_in_dim3A_1335 = vector.broadcast %jit3A_1334 : f32 to vector<2x512xf32>
      %select_n3A_1336 = arith.select %eq3A_1333, %broadcast_in_dim3A_1335, %select_n3A_1308 : vector<2x512xi1>, vector<2x512xf32>
      %reduce_max3A_1337 = arith.constant dense<0xFF800000> : vector<2xf32>
      %reduce_max3A_1338 = vector.multi_reduction <maximumf>, %select_n3A_1336, %reduce_max3A_1337 [1] : vector<2x512xf32> to vector<2xf32>
      %broadcast_in_dim3A_1339 = vector.shape_cast %reduce_max3A_1338 : vector<2xf32> to vector<2x1xf32>
      %eq3A_1340 = vector.broadcast %broadcast_in_dim3A_1339 : vector<2x1xf32> to vector<2x512xf32>
      %eq3A_1341 = arith.cmpf oeq, %select_n3A_1336, %eq3A_1340 : vector<2x512xf32>
      %jit3A_1342 = arith.constant 1073741824 : i32
      %broadcast_in_dim3A_1343 = vector.broadcast %jit3A_1342 : i32 to vector<2x512xi32>
      %select_n3A_1344 = arith.select %eq3A_1341, %iota3A, %broadcast_in_dim3A_1343 : vector<2x512xi1>, vector<2x512xi32>
      %reduce_min3A_1345 = arith.constant dense<2147483647> : vector<2xi32>
      %reduce_min3A_1346 = vector.multi_reduction <minsi>, %select_n3A_1344, %reduce_min3A_1345 [1] : vector<2x512xi32> to vector<2xi32>
      %broadcast_in_dim3A_1347 = vector.shape_cast %reduce_min3A_1346 : vector<2xi32> to vector<2x1xi32>
      %eq3A_1348 = arith.constant 14 : i32
      %eq3A_1349 = vector.broadcast %eq3A_1348 : i32 to vector<2x32xi32>
      %eq3A_1350 = arith.cmpi eq, %iota3A_50, %eq3A_1349 : vector<2x32xi32>
      %broadcast_in_dim3A_1351 = vector.shape_cast %broadcast_in_dim3A_1339 : vector<2x1xf32> to vector<2x1xf32>
      %broadcast_in_dim3A_1352 = vector.broadcast %broadcast_in_dim3A_1351 : vector<2x1xf32> to vector<2x32xf32>
      %select_n3A_1353 = arith.select %eq3A_1350, %broadcast_in_dim3A_1352, %select_n3A_1325 : vector<2x32xi1>, vector<2x32xf32>
      %eq3A_1354 = arith.constant 14 : i32
      %eq3A_1355 = vector.broadcast %eq3A_1354 : i32 to vector<2x32xi32>
      %eq3A_1356 = arith.cmpi eq, %iota3A_50, %eq3A_1355 : vector<2x32xi32>
      %broadcast_in_dim3A_1357 = vector.shape_cast %broadcast_in_dim3A_1347 : vector<2x1xi32> to vector<2x1xi32>
      %broadcast_in_dim3A_1358 = vector.broadcast %broadcast_in_dim3A_1357 : vector<2x1xi32> to vector<2x32xi32>
      %select_n3A_1359 = arith.select %eq3A_1356, %broadcast_in_dim3A_1358, %select_n3A_1331 : vector<2x32xi1>, vector<2x32xi32>
      %eq3A_1360 = vector.broadcast %broadcast_in_dim3A_1347 : vector<2x1xi32> to vector<2x512xi32>
      %eq3A_1361 = arith.cmpi eq, %iota3A, %eq3A_1360 : vector<2x512xi32>
      %jit3A_1362 = arith.constant -1.000000e+30 : f32
      %broadcast_in_dim3A_1363 = vector.broadcast %jit3A_1362 : f32 to vector<2x512xf32>
      %select_n3A_1364 = arith.select %eq3A_1361, %broadcast_in_dim3A_1363, %select_n3A_1336 : vector<2x512xi1>, vector<2x512xf32>
      %reduce_max3A_1365 = arith.constant dense<0xFF800000> : vector<2xf32>
      %reduce_max3A_1366 = vector.multi_reduction <maximumf>, %select_n3A_1364, %reduce_max3A_1365 [1] : vector<2x512xf32> to vector<2xf32>
      %broadcast_in_dim3A_1367 = vector.shape_cast %reduce_max3A_1366 : vector<2xf32> to vector<2x1xf32>
      %eq3A_1368 = vector.broadcast %broadcast_in_dim3A_1367 : vector<2x1xf32> to vector<2x512xf32>
      %eq3A_1369 = arith.cmpf oeq, %select_n3A_1364, %eq3A_1368 : vector<2x512xf32>
      %jit3A_1370 = arith.constant 1073741824 : i32
      %broadcast_in_dim3A_1371 = vector.broadcast %jit3A_1370 : i32 to vector<2x512xi32>
      %select_n3A_1372 = arith.select %eq3A_1369, %iota3A, %broadcast_in_dim3A_1371 : vector<2x512xi1>, vector<2x512xi32>
      %reduce_min3A_1373 = arith.constant dense<2147483647> : vector<2xi32>
      %reduce_min3A_1374 = vector.multi_reduction <minsi>, %select_n3A_1372, %reduce_min3A_1373 [1] : vector<2x512xi32> to vector<2xi32>
      %broadcast_in_dim3A_1375 = vector.shape_cast %reduce_min3A_1374 : vector<2xi32> to vector<2x1xi32>
      %eq3A_1376 = arith.constant 15 : i32
      %eq3A_1377 = vector.broadcast %eq3A_1376 : i32 to vector<2x32xi32>
      %eq3A_1378 = arith.cmpi eq, %iota3A_50, %eq3A_1377 : vector<2x32xi32>
      %broadcast_in_dim3A_1379 = vector.shape_cast %broadcast_in_dim3A_1367 : vector<2x1xf32> to vector<2x1xf32>
      %broadcast_in_dim3A_1380 = vector.broadcast %broadcast_in_dim3A_1379 : vector<2x1xf32> to vector<2x32xf32>
      %select_n3A_1381 = arith.select %eq3A_1378, %broadcast_in_dim3A_1380, %select_n3A_1353 : vector<2x32xi1>, vector<2x32xf32>
      %eq3A_1382 = arith.constant 15 : i32
      %eq3A_1383 = vector.broadcast %eq3A_1382 : i32 to vector<2x32xi32>
      %eq3A_1384 = arith.cmpi eq, %iota3A_50, %eq3A_1383 : vector<2x32xi32>
      %broadcast_in_dim3A_1385 = vector.shape_cast %broadcast_in_dim3A_1375 : vector<2x1xi32> to vector<2x1xi32>
      %broadcast_in_dim3A_1386 = vector.broadcast %broadcast_in_dim3A_1385 : vector<2x1xi32> to vector<2x32xi32>
      %select_n3A_1387 = arith.select %eq3A_1384, %broadcast_in_dim3A_1386, %select_n3A_1359 : vector<2x32xi1>, vector<2x32xi32>
      %eq3A_1388 = vector.broadcast %broadcast_in_dim3A_1375 : vector<2x1xi32> to vector<2x512xi32>
      %eq3A_1389 = arith.cmpi eq, %iota3A, %eq3A_1388 : vector<2x512xi32>
      %jit3A_1390 = arith.constant -1.000000e+30 : f32
      %broadcast_in_dim3A_1391 = vector.broadcast %jit3A_1390 : f32 to vector<2x512xf32>
      %select_n3A_1392 = arith.select %eq3A_1389, %broadcast_in_dim3A_1391, %select_n3A_1364 : vector<2x512xi1>, vector<2x512xf32>
      %reduce_max3A_1393 = arith.constant dense<0xFF800000> : vector<2xf32>
      %reduce_max3A_1394 = vector.multi_reduction <maximumf>, %select_n3A_1392, %reduce_max3A_1393 [1] : vector<2x512xf32> to vector<2xf32>
      %broadcast_in_dim3A_1395 = vector.shape_cast %reduce_max3A_1394 : vector<2xf32> to vector<2x1xf32>
      %eq3A_1396 = vector.broadcast %broadcast_in_dim3A_1395 : vector<2x1xf32> to vector<2x512xf32>
      %eq3A_1397 = arith.cmpf oeq, %select_n3A_1392, %eq3A_1396 : vector<2x512xf32>
      %jit3A_1398 = arith.constant 1073741824 : i32
      %broadcast_in_dim3A_1399 = vector.broadcast %jit3A_1398 : i32 to vector<2x512xi32>
      %select_n3A_1400 = arith.select %eq3A_1397, %iota3A, %broadcast_in_dim3A_1399 : vector<2x512xi1>, vector<2x512xi32>
      %reduce_min3A_1401 = arith.constant dense<2147483647> : vector<2xi32>
      %reduce_min3A_1402 = vector.multi_reduction <minsi>, %select_n3A_1400, %reduce_min3A_1401 [1] : vector<2x512xi32> to vector<2xi32>
      %broadcast_in_dim3A_1403 = vector.shape_cast %reduce_min3A_1402 : vector<2xi32> to vector<2x1xi32>
      %eq3A_1404 = arith.constant 16 : i32
      %eq3A_1405 = vector.broadcast %eq3A_1404 : i32 to vector<2x32xi32>
      %eq3A_1406 = arith.cmpi eq, %iota3A_50, %eq3A_1405 : vector<2x32xi32>
      %broadcast_in_dim3A_1407 = vector.shape_cast %broadcast_in_dim3A_1395 : vector<2x1xf32> to vector<2x1xf32>
      %broadcast_in_dim3A_1408 = vector.broadcast %broadcast_in_dim3A_1407 : vector<2x1xf32> to vector<2x32xf32>
      %select_n3A_1409 = arith.select %eq3A_1406, %broadcast_in_dim3A_1408, %select_n3A_1381 : vector<2x32xi1>, vector<2x32xf32>
      %eq3A_1410 = arith.constant 16 : i32
      %eq3A_1411 = vector.broadcast %eq3A_1410 : i32 to vector<2x32xi32>
      %eq3A_1412 = arith.cmpi eq, %iota3A_50, %eq3A_1411 : vector<2x32xi32>
      %broadcast_in_dim3A_1413 = vector.shape_cast %broadcast_in_dim3A_1403 : vector<2x1xi32> to vector<2x1xi32>
      %broadcast_in_dim3A_1414 = vector.broadcast %broadcast_in_dim3A_1413 : vector<2x1xi32> to vector<2x32xi32>
      %select_n3A_1415 = arith.select %eq3A_1412, %broadcast_in_dim3A_1414, %select_n3A_1387 : vector<2x32xi1>, vector<2x32xi32>
      %eq3A_1416 = vector.broadcast %broadcast_in_dim3A_1403 : vector<2x1xi32> to vector<2x512xi32>
      %eq3A_1417 = arith.cmpi eq, %iota3A, %eq3A_1416 : vector<2x512xi32>
      %jit3A_1418 = arith.constant -1.000000e+30 : f32
      %broadcast_in_dim3A_1419 = vector.broadcast %jit3A_1418 : f32 to vector<2x512xf32>
      %select_n3A_1420 = arith.select %eq3A_1417, %broadcast_in_dim3A_1419, %select_n3A_1392 : vector<2x512xi1>, vector<2x512xf32>
      %reduce_max3A_1421 = arith.constant dense<0xFF800000> : vector<2xf32>
      %reduce_max3A_1422 = vector.multi_reduction <maximumf>, %select_n3A_1420, %reduce_max3A_1421 [1] : vector<2x512xf32> to vector<2xf32>
      %broadcast_in_dim3A_1423 = vector.shape_cast %reduce_max3A_1422 : vector<2xf32> to vector<2x1xf32>
      %eq3A_1424 = vector.broadcast %broadcast_in_dim3A_1423 : vector<2x1xf32> to vector<2x512xf32>
      %eq3A_1425 = arith.cmpf oeq, %select_n3A_1420, %eq3A_1424 : vector<2x512xf32>
      %jit3A_1426 = arith.constant 1073741824 : i32
      %broadcast_in_dim3A_1427 = vector.broadcast %jit3A_1426 : i32 to vector<2x512xi32>
      %select_n3A_1428 = arith.select %eq3A_1425, %iota3A, %broadcast_in_dim3A_1427 : vector<2x512xi1>, vector<2x512xi32>
      %reduce_min3A_1429 = arith.constant dense<2147483647> : vector<2xi32>
      %reduce_min3A_1430 = vector.multi_reduction <minsi>, %select_n3A_1428, %reduce_min3A_1429 [1] : vector<2x512xi32> to vector<2xi32>
      %broadcast_in_dim3A_1431 = vector.shape_cast %reduce_min3A_1430 : vector<2xi32> to vector<2x1xi32>
      %eq3A_1432 = arith.constant 17 : i32
      %eq3A_1433 = vector.broadcast %eq3A_1432 : i32 to vector<2x32xi32>
      %eq3A_1434 = arith.cmpi eq, %iota3A_50, %eq3A_1433 : vector<2x32xi32>
      %broadcast_in_dim3A_1435 = vector.shape_cast %broadcast_in_dim3A_1423 : vector<2x1xf32> to vector<2x1xf32>
      %broadcast_in_dim3A_1436 = vector.broadcast %broadcast_in_dim3A_1435 : vector<2x1xf32> to vector<2x32xf32>
      %select_n3A_1437 = arith.select %eq3A_1434, %broadcast_in_dim3A_1436, %select_n3A_1409 : vector<2x32xi1>, vector<2x32xf32>
      %eq3A_1438 = arith.constant 17 : i32
      %eq3A_1439 = vector.broadcast %eq3A_1438 : i32 to vector<2x32xi32>
      %eq3A_1440 = arith.cmpi eq, %iota3A_50, %eq3A_1439 : vector<2x32xi32>
      %broadcast_in_dim3A_1441 = vector.shape_cast %broadcast_in_dim3A_1431 : vector<2x1xi32> to vector<2x1xi32>
      %broadcast_in_dim3A_1442 = vector.broadcast %broadcast_in_dim3A_1441 : vector<2x1xi32> to vector<2x32xi32>
      %select_n3A_1443 = arith.select %eq3A_1440, %broadcast_in_dim3A_1442, %select_n3A_1415 : vector<2x32xi1>, vector<2x32xi32>
      %eq3A_1444 = vector.broadcast %broadcast_in_dim3A_1431 : vector<2x1xi32> to vector<2x512xi32>
      %eq3A_1445 = arith.cmpi eq, %iota3A, %eq3A_1444 : vector<2x512xi32>
      %jit3A_1446 = arith.constant -1.000000e+30 : f32
      %broadcast_in_dim3A_1447 = vector.broadcast %jit3A_1446 : f32 to vector<2x512xf32>
      %select_n3A_1448 = arith.select %eq3A_1445, %broadcast_in_dim3A_1447, %select_n3A_1420 : vector<2x512xi1>, vector<2x512xf32>
      %reduce_max3A_1449 = arith.constant dense<0xFF800000> : vector<2xf32>
      %reduce_max3A_1450 = vector.multi_reduction <maximumf>, %select_n3A_1448, %reduce_max3A_1449 [1] : vector<2x512xf32> to vector<2xf32>
      %broadcast_in_dim3A_1451 = vector.shape_cast %reduce_max3A_1450 : vector<2xf32> to vector<2x1xf32>
      %eq3A_1452 = vector.broadcast %broadcast_in_dim3A_1451 : vector<2x1xf32> to vector<2x512xf32>
      %eq3A_1453 = arith.cmpf oeq, %select_n3A_1448, %eq3A_1452 : vector<2x512xf32>
      %jit3A_1454 = arith.constant 1073741824 : i32
      %broadcast_in_dim3A_1455 = vector.broadcast %jit3A_1454 : i32 to vector<2x512xi32>
      %select_n3A_1456 = arith.select %eq3A_1453, %iota3A, %broadcast_in_dim3A_1455 : vector<2x512xi1>, vector<2x512xi32>
      %reduce_min3A_1457 = arith.constant dense<2147483647> : vector<2xi32>
      %reduce_min3A_1458 = vector.multi_reduction <minsi>, %select_n3A_1456, %reduce_min3A_1457 [1] : vector<2x512xi32> to vector<2xi32>
      %broadcast_in_dim3A_1459 = vector.shape_cast %reduce_min3A_1458 : vector<2xi32> to vector<2x1xi32>
      %eq3A_1460 = arith.constant 18 : i32
      %eq3A_1461 = vector.broadcast %eq3A_1460 : i32 to vector<2x32xi32>
      %eq3A_1462 = arith.cmpi eq, %iota3A_50, %eq3A_1461 : vector<2x32xi32>
      %broadcast_in_dim3A_1463 = vector.shape_cast %broadcast_in_dim3A_1451 : vector<2x1xf32> to vector<2x1xf32>
      %broadcast_in_dim3A_1464 = vector.broadcast %broadcast_in_dim3A_1463 : vector<2x1xf32> to vector<2x32xf32>
      %select_n3A_1465 = arith.select %eq3A_1462, %broadcast_in_dim3A_1464, %select_n3A_1437 : vector<2x32xi1>, vector<2x32xf32>
      %eq3A_1466 = arith.constant 18 : i32
      %eq3A_1467 = vector.broadcast %eq3A_1466 : i32 to vector<2x32xi32>
      %eq3A_1468 = arith.cmpi eq, %iota3A_50, %eq3A_1467 : vector<2x32xi32>
      %broadcast_in_dim3A_1469 = vector.shape_cast %broadcast_in_dim3A_1459 : vector<2x1xi32> to vector<2x1xi32>
      %broadcast_in_dim3A_1470 = vector.broadcast %broadcast_in_dim3A_1469 : vector<2x1xi32> to vector<2x32xi32>
      %select_n3A_1471 = arith.select %eq3A_1468, %broadcast_in_dim3A_1470, %select_n3A_1443 : vector<2x32xi1>, vector<2x32xi32>
      %eq3A_1472 = vector.broadcast %broadcast_in_dim3A_1459 : vector<2x1xi32> to vector<2x512xi32>
      %eq3A_1473 = arith.cmpi eq, %iota3A, %eq3A_1472 : vector<2x512xi32>
      %jit3A_1474 = arith.constant -1.000000e+30 : f32
      %broadcast_in_dim3A_1475 = vector.broadcast %jit3A_1474 : f32 to vector<2x512xf32>
      %select_n3A_1476 = arith.select %eq3A_1473, %broadcast_in_dim3A_1475, %select_n3A_1448 : vector<2x512xi1>, vector<2x512xf32>
      %reduce_max3A_1477 = arith.constant dense<0xFF800000> : vector<2xf32>
      %reduce_max3A_1478 = vector.multi_reduction <maximumf>, %select_n3A_1476, %reduce_max3A_1477 [1] : vector<2x512xf32> to vector<2xf32>
      %broadcast_in_dim3A_1479 = vector.shape_cast %reduce_max3A_1478 : vector<2xf32> to vector<2x1xf32>
      %eq3A_1480 = vector.broadcast %broadcast_in_dim3A_1479 : vector<2x1xf32> to vector<2x512xf32>
      %eq3A_1481 = arith.cmpf oeq, %select_n3A_1476, %eq3A_1480 : vector<2x512xf32>
      %jit3A_1482 = arith.constant 1073741824 : i32
      %broadcast_in_dim3A_1483 = vector.broadcast %jit3A_1482 : i32 to vector<2x512xi32>
      %select_n3A_1484 = arith.select %eq3A_1481, %iota3A, %broadcast_in_dim3A_1483 : vector<2x512xi1>, vector<2x512xi32>
      %reduce_min3A_1485 = arith.constant dense<2147483647> : vector<2xi32>
      %reduce_min3A_1486 = vector.multi_reduction <minsi>, %select_n3A_1484, %reduce_min3A_1485 [1] : vector<2x512xi32> to vector<2xi32>
      %broadcast_in_dim3A_1487 = vector.shape_cast %reduce_min3A_1486 : vector<2xi32> to vector<2x1xi32>
      %eq3A_1488 = arith.constant 19 : i32
      %eq3A_1489 = vector.broadcast %eq3A_1488 : i32 to vector<2x32xi32>
      %eq3A_1490 = arith.cmpi eq, %iota3A_50, %eq3A_1489 : vector<2x32xi32>
      %broadcast_in_dim3A_1491 = vector.shape_cast %broadcast_in_dim3A_1479 : vector<2x1xf32> to vector<2x1xf32>
      %broadcast_in_dim3A_1492 = vector.broadcast %broadcast_in_dim3A_1491 : vector<2x1xf32> to vector<2x32xf32>
      %select_n3A_1493 = arith.select %eq3A_1490, %broadcast_in_dim3A_1492, %select_n3A_1465 : vector<2x32xi1>, vector<2x32xf32>
      %eq3A_1494 = arith.constant 19 : i32
      %eq3A_1495 = vector.broadcast %eq3A_1494 : i32 to vector<2x32xi32>
      %eq3A_1496 = arith.cmpi eq, %iota3A_50, %eq3A_1495 : vector<2x32xi32>
      %broadcast_in_dim3A_1497 = vector.shape_cast %broadcast_in_dim3A_1487 : vector<2x1xi32> to vector<2x1xi32>
      %broadcast_in_dim3A_1498 = vector.broadcast %broadcast_in_dim3A_1497 : vector<2x1xi32> to vector<2x32xi32>
      %select_n3A_1499 = arith.select %eq3A_1496, %broadcast_in_dim3A_1498, %select_n3A_1471 : vector<2x32xi1>, vector<2x32xi32>
      %eq3A_1500 = vector.broadcast %broadcast_in_dim3A_1487 : vector<2x1xi32> to vector<2x512xi32>
      %eq3A_1501 = arith.cmpi eq, %iota3A, %eq3A_1500 : vector<2x512xi32>
      %jit3A_1502 = arith.constant -1.000000e+30 : f32
      %broadcast_in_dim3A_1503 = vector.broadcast %jit3A_1502 : f32 to vector<2x512xf32>
      %select_n3A_1504 = arith.select %eq3A_1501, %broadcast_in_dim3A_1503, %select_n3A_1476 : vector<2x512xi1>, vector<2x512xf32>
      %reduce_max3A_1505 = arith.constant dense<0xFF800000> : vector<2xf32>
      %reduce_max3A_1506 = vector.multi_reduction <maximumf>, %select_n3A_1504, %reduce_max3A_1505 [1] : vector<2x512xf32> to vector<2xf32>
      %broadcast_in_dim3A_1507 = vector.shape_cast %reduce_max3A_1506 : vector<2xf32> to vector<2x1xf32>
      %eq3A_1508 = vector.broadcast %broadcast_in_dim3A_1507 : vector<2x1xf32> to vector<2x512xf32>
      %eq3A_1509 = arith.cmpf oeq, %select_n3A_1504, %eq3A_1508 : vector<2x512xf32>
      %jit3A_1510 = arith.constant 1073741824 : i32
      %broadcast_in_dim3A_1511 = vector.broadcast %jit3A_1510 : i32 to vector<2x512xi32>
      %select_n3A_1512 = arith.select %eq3A_1509, %iota3A, %broadcast_in_dim3A_1511 : vector<2x512xi1>, vector<2x512xi32>
      %reduce_min3A_1513 = arith.constant dense<2147483647> : vector<2xi32>
      %reduce_min3A_1514 = vector.multi_reduction <minsi>, %select_n3A_1512, %reduce_min3A_1513 [1] : vector<2x512xi32> to vector<2xi32>
      %broadcast_in_dim3A_1515 = vector.shape_cast %reduce_min3A_1514 : vector<2xi32> to vector<2x1xi32>
      %eq3A_1516 = arith.constant 20 : i32
      %eq3A_1517 = vector.broadcast %eq3A_1516 : i32 to vector<2x32xi32>
      %eq3A_1518 = arith.cmpi eq, %iota3A_50, %eq3A_1517 : vector<2x32xi32>
      %broadcast_in_dim3A_1519 = vector.shape_cast %broadcast_in_dim3A_1507 : vector<2x1xf32> to vector<2x1xf32>
      %broadcast_in_dim3A_1520 = vector.broadcast %broadcast_in_dim3A_1519 : vector<2x1xf32> to vector<2x32xf32>
      %select_n3A_1521 = arith.select %eq3A_1518, %broadcast_in_dim3A_1520, %select_n3A_1493 : vector<2x32xi1>, vector<2x32xf32>
      %eq3A_1522 = arith.constant 20 : i32
      %eq3A_1523 = vector.broadcast %eq3A_1522 : i32 to vector<2x32xi32>
      %eq3A_1524 = arith.cmpi eq, %iota3A_50, %eq3A_1523 : vector<2x32xi32>
      %broadcast_in_dim3A_1525 = vector.shape_cast %broadcast_in_dim3A_1515 : vector<2x1xi32> to vector<2x1xi32>
      %broadcast_in_dim3A_1526 = vector.broadcast %broadcast_in_dim3A_1525 : vector<2x1xi32> to vector<2x32xi32>
      %select_n3A_1527 = arith.select %eq3A_1524, %broadcast_in_dim3A_1526, %select_n3A_1499 : vector<2x32xi1>, vector<2x32xi32>
      %eq3A_1528 = vector.broadcast %broadcast_in_dim3A_1515 : vector<2x1xi32> to vector<2x512xi32>
      %eq3A_1529 = arith.cmpi eq, %iota3A, %eq3A_1528 : vector<2x512xi32>
      %jit3A_1530 = arith.constant -1.000000e+30 : f32
      %broadcast_in_dim3A_1531 = vector.broadcast %jit3A_1530 : f32 to vector<2x512xf32>
      %select_n3A_1532 = arith.select %eq3A_1529, %broadcast_in_dim3A_1531, %select_n3A_1504 : vector<2x512xi1>, vector<2x512xf32>
      %reduce_max3A_1533 = arith.constant dense<0xFF800000> : vector<2xf32>
      %reduce_max3A_1534 = vector.multi_reduction <maximumf>, %select_n3A_1532, %reduce_max3A_1533 [1] : vector<2x512xf32> to vector<2xf32>
      %broadcast_in_dim3A_1535 = vector.shape_cast %reduce_max3A_1534 : vector<2xf32> to vector<2x1xf32>
      %eq3A_1536 = vector.broadcast %broadcast_in_dim3A_1535 : vector<2x1xf32> to vector<2x512xf32>
      %eq3A_1537 = arith.cmpf oeq, %select_n3A_1532, %eq3A_1536 : vector<2x512xf32>
      %jit3A_1538 = arith.constant 1073741824 : i32
      %broadcast_in_dim3A_1539 = vector.broadcast %jit3A_1538 : i32 to vector<2x512xi32>
      %select_n3A_1540 = arith.select %eq3A_1537, %iota3A, %broadcast_in_dim3A_1539 : vector<2x512xi1>, vector<2x512xi32>
      %reduce_min3A_1541 = arith.constant dense<2147483647> : vector<2xi32>
      %reduce_min3A_1542 = vector.multi_reduction <minsi>, %select_n3A_1540, %reduce_min3A_1541 [1] : vector<2x512xi32> to vector<2xi32>
      %broadcast_in_dim3A_1543 = vector.shape_cast %reduce_min3A_1542 : vector<2xi32> to vector<2x1xi32>
      %eq3A_1544 = arith.constant 21 : i32
      %eq3A_1545 = vector.broadcast %eq3A_1544 : i32 to vector<2x32xi32>
      %eq3A_1546 = arith.cmpi eq, %iota3A_50, %eq3A_1545 : vector<2x32xi32>
      %broadcast_in_dim3A_1547 = vector.shape_cast %broadcast_in_dim3A_1535 : vector<2x1xf32> to vector<2x1xf32>
      %broadcast_in_dim3A_1548 = vector.broadcast %broadcast_in_dim3A_1547 : vector<2x1xf32> to vector<2x32xf32>
      %select_n3A_1549 = arith.select %eq3A_1546, %broadcast_in_dim3A_1548, %select_n3A_1521 : vector<2x32xi1>, vector<2x32xf32>
      %eq3A_1550 = arith.constant 21 : i32
      %eq3A_1551 = vector.broadcast %eq3A_1550 : i32 to vector<2x32xi32>
      %eq3A_1552 = arith.cmpi eq, %iota3A_50, %eq3A_1551 : vector<2x32xi32>
      %broadcast_in_dim3A_1553 = vector.shape_cast %broadcast_in_dim3A_1543 : vector<2x1xi32> to vector<2x1xi32>
      %broadcast_in_dim3A_1554 = vector.broadcast %broadcast_in_dim3A_1553 : vector<2x1xi32> to vector<2x32xi32>
      %select_n3A_1555 = arith.select %eq3A_1552, %broadcast_in_dim3A_1554, %select_n3A_1527 : vector<2x32xi1>, vector<2x32xi32>
      %eq3A_1556 = vector.broadcast %broadcast_in_dim3A_1543 : vector<2x1xi32> to vector<2x512xi32>
      %eq3A_1557 = arith.cmpi eq, %iota3A, %eq3A_1556 : vector<2x512xi32>
      %jit3A_1558 = arith.constant -1.000000e+30 : f32
      %broadcast_in_dim3A_1559 = vector.broadcast %jit3A_1558 : f32 to vector<2x512xf32>
      %select_n3A_1560 = arith.select %eq3A_1557, %broadcast_in_dim3A_1559, %select_n3A_1532 : vector<2x512xi1>, vector<2x512xf32>
      %reduce_max3A_1561 = arith.constant dense<0xFF800000> : vector<2xf32>
      %reduce_max3A_1562 = vector.multi_reduction <maximumf>, %select_n3A_1560, %reduce_max3A_1561 [1] : vector<2x512xf32> to vector<2xf32>
      %broadcast_in_dim3A_1563 = vector.shape_cast %reduce_max3A_1562 : vector<2xf32> to vector<2x1xf32>
      %eq3A_1564 = vector.broadcast %broadcast_in_dim3A_1563 : vector<2x1xf32> to vector<2x512xf32>
      %eq3A_1565 = arith.cmpf oeq, %select_n3A_1560, %eq3A_1564 : vector<2x512xf32>
      %jit3A_1566 = arith.constant 1073741824 : i32
      %broadcast_in_dim3A_1567 = vector.broadcast %jit3A_1566 : i32 to vector<2x512xi32>
      %select_n3A_1568 = arith.select %eq3A_1565, %iota3A, %broadcast_in_dim3A_1567 : vector<2x512xi1>, vector<2x512xi32>
      %reduce_min3A_1569 = arith.constant dense<2147483647> : vector<2xi32>
      %reduce_min3A_1570 = vector.multi_reduction <minsi>, %select_n3A_1568, %reduce_min3A_1569 [1] : vector<2x512xi32> to vector<2xi32>
      %broadcast_in_dim3A_1571 = vector.shape_cast %reduce_min3A_1570 : vector<2xi32> to vector<2x1xi32>
      %eq3A_1572 = arith.constant 22 : i32
      %eq3A_1573 = vector.broadcast %eq3A_1572 : i32 to vector<2x32xi32>
      %eq3A_1574 = arith.cmpi eq, %iota3A_50, %eq3A_1573 : vector<2x32xi32>
      %broadcast_in_dim3A_1575 = vector.shape_cast %broadcast_in_dim3A_1563 : vector<2x1xf32> to vector<2x1xf32>
      %broadcast_in_dim3A_1576 = vector.broadcast %broadcast_in_dim3A_1575 : vector<2x1xf32> to vector<2x32xf32>
      %select_n3A_1577 = arith.select %eq3A_1574, %broadcast_in_dim3A_1576, %select_n3A_1549 : vector<2x32xi1>, vector<2x32xf32>
      %eq3A_1578 = arith.constant 22 : i32
      %eq3A_1579 = vector.broadcast %eq3A_1578 : i32 to vector<2x32xi32>
      %eq3A_1580 = arith.cmpi eq, %iota3A_50, %eq3A_1579 : vector<2x32xi32>
      %broadcast_in_dim3A_1581 = vector.shape_cast %broadcast_in_dim3A_1571 : vector<2x1xi32> to vector<2x1xi32>
      %broadcast_in_dim3A_1582 = vector.broadcast %broadcast_in_dim3A_1581 : vector<2x1xi32> to vector<2x32xi32>
      %select_n3A_1583 = arith.select %eq3A_1580, %broadcast_in_dim3A_1582, %select_n3A_1555 : vector<2x32xi1>, vector<2x32xi32>
      %eq3A_1584 = vector.broadcast %broadcast_in_dim3A_1571 : vector<2x1xi32> to vector<2x512xi32>
      %eq3A_1585 = arith.cmpi eq, %iota3A, %eq3A_1584 : vector<2x512xi32>
      %jit3A_1586 = arith.constant -1.000000e+30 : f32
      %broadcast_in_dim3A_1587 = vector.broadcast %jit3A_1586 : f32 to vector<2x512xf32>
      %select_n3A_1588 = arith.select %eq3A_1585, %broadcast_in_dim3A_1587, %select_n3A_1560 : vector<2x512xi1>, vector<2x512xf32>
      %reduce_max3A_1589 = arith.constant dense<0xFF800000> : vector<2xf32>
      %reduce_max3A_1590 = vector.multi_reduction <maximumf>, %select_n3A_1588, %reduce_max3A_1589 [1] : vector<2x512xf32> to vector<2xf32>
      %broadcast_in_dim3A_1591 = vector.shape_cast %reduce_max3A_1590 : vector<2xf32> to vector<2x1xf32>
      %eq3A_1592 = vector.broadcast %broadcast_in_dim3A_1591 : vector<2x1xf32> to vector<2x512xf32>
      %eq3A_1593 = arith.cmpf oeq, %select_n3A_1588, %eq3A_1592 : vector<2x512xf32>
      %jit3A_1594 = arith.constant 1073741824 : i32
      %broadcast_in_dim3A_1595 = vector.broadcast %jit3A_1594 : i32 to vector<2x512xi32>
      %select_n3A_1596 = arith.select %eq3A_1593, %iota3A, %broadcast_in_dim3A_1595 : vector<2x512xi1>, vector<2x512xi32>
      %reduce_min3A_1597 = arith.constant dense<2147483647> : vector<2xi32>
      %reduce_min3A_1598 = vector.multi_reduction <minsi>, %select_n3A_1596, %reduce_min3A_1597 [1] : vector<2x512xi32> to vector<2xi32>
      %broadcast_in_dim3A_1599 = vector.shape_cast %reduce_min3A_1598 : vector<2xi32> to vector<2x1xi32>
      %eq3A_1600 = arith.constant 23 : i32
      %eq3A_1601 = vector.broadcast %eq3A_1600 : i32 to vector<2x32xi32>
      %eq3A_1602 = arith.cmpi eq, %iota3A_50, %eq3A_1601 : vector<2x32xi32>
      %broadcast_in_dim3A_1603 = vector.shape_cast %broadcast_in_dim3A_1591 : vector<2x1xf32> to vector<2x1xf32>
      %broadcast_in_dim3A_1604 = vector.broadcast %broadcast_in_dim3A_1603 : vector<2x1xf32> to vector<2x32xf32>
      %select_n3A_1605 = arith.select %eq3A_1602, %broadcast_in_dim3A_1604, %select_n3A_1577 : vector<2x32xi1>, vector<2x32xf32>
      %eq3A_1606 = arith.constant 23 : i32
      %eq3A_1607 = vector.broadcast %eq3A_1606 : i32 to vector<2x32xi32>
      %eq3A_1608 = arith.cmpi eq, %iota3A_50, %eq3A_1607 : vector<2x32xi32>
      %broadcast_in_dim3A_1609 = vector.shape_cast %broadcast_in_dim3A_1599 : vector<2x1xi32> to vector<2x1xi32>
      %broadcast_in_dim3A_1610 = vector.broadcast %broadcast_in_dim3A_1609 : vector<2x1xi32> to vector<2x32xi32>
      %select_n3A_1611 = arith.select %eq3A_1608, %broadcast_in_dim3A_1610, %select_n3A_1583 : vector<2x32xi1>, vector<2x32xi32>
      %eq3A_1612 = vector.broadcast %broadcast_in_dim3A_1599 : vector<2x1xi32> to vector<2x512xi32>
      %eq3A_1613 = arith.cmpi eq, %iota3A, %eq3A_1612 : vector<2x512xi32>
      %jit3A_1614 = arith.constant -1.000000e+30 : f32
      %broadcast_in_dim3A_1615 = vector.broadcast %jit3A_1614 : f32 to vector<2x512xf32>
      %select_n3A_1616 = arith.select %eq3A_1613, %broadcast_in_dim3A_1615, %select_n3A_1588 : vector<2x512xi1>, vector<2x512xf32>
      %reduce_max3A_1617 = arith.constant dense<0xFF800000> : vector<2xf32>
      %reduce_max3A_1618 = vector.multi_reduction <maximumf>, %select_n3A_1616, %reduce_max3A_1617 [1] : vector<2x512xf32> to vector<2xf32>
      %broadcast_in_dim3A_1619 = vector.shape_cast %reduce_max3A_1618 : vector<2xf32> to vector<2x1xf32>
      %eq3A_1620 = vector.broadcast %broadcast_in_dim3A_1619 : vector<2x1xf32> to vector<2x512xf32>
      %eq3A_1621 = arith.cmpf oeq, %select_n3A_1616, %eq3A_1620 : vector<2x512xf32>
      %jit3A_1622 = arith.constant 1073741824 : i32
      %broadcast_in_dim3A_1623 = vector.broadcast %jit3A_1622 : i32 to vector<2x512xi32>
      %select_n3A_1624 = arith.select %eq3A_1621, %iota3A, %broadcast_in_dim3A_1623 : vector<2x512xi1>, vector<2x512xi32>
      %reduce_min3A_1625 = arith.constant dense<2147483647> : vector<2xi32>
      %reduce_min3A_1626 = vector.multi_reduction <minsi>, %select_n3A_1624, %reduce_min3A_1625 [1] : vector<2x512xi32> to vector<2xi32>
      %broadcast_in_dim3A_1627 = vector.shape_cast %reduce_min3A_1626 : vector<2xi32> to vector<2x1xi32>
      %eq3A_1628 = arith.constant 24 : i32
      %eq3A_1629 = vector.broadcast %eq3A_1628 : i32 to vector<2x32xi32>
      %eq3A_1630 = arith.cmpi eq, %iota3A_50, %eq3A_1629 : vector<2x32xi32>
      %broadcast_in_dim3A_1631 = vector.shape_cast %broadcast_in_dim3A_1619 : vector<2x1xf32> to vector<2x1xf32>
      %broadcast_in_dim3A_1632 = vector.broadcast %broadcast_in_dim3A_1631 : vector<2x1xf32> to vector<2x32xf32>
      %select_n3A_1633 = arith.select %eq3A_1630, %broadcast_in_dim3A_1632, %select_n3A_1605 : vector<2x32xi1>, vector<2x32xf32>
      %eq3A_1634 = arith.constant 24 : i32
      %eq3A_1635 = vector.broadcast %eq3A_1634 : i32 to vector<2x32xi32>
      %eq3A_1636 = arith.cmpi eq, %iota3A_50, %eq3A_1635 : vector<2x32xi32>
      %broadcast_in_dim3A_1637 = vector.shape_cast %broadcast_in_dim3A_1627 : vector<2x1xi32> to vector<2x1xi32>
      %broadcast_in_dim3A_1638 = vector.broadcast %broadcast_in_dim3A_1637 : vector<2x1xi32> to vector<2x32xi32>
      %select_n3A_1639 = arith.select %eq3A_1636, %broadcast_in_dim3A_1638, %select_n3A_1611 : vector<2x32xi1>, vector<2x32xi32>
      %eq3A_1640 = vector.broadcast %broadcast_in_dim3A_1627 : vector<2x1xi32> to vector<2x512xi32>
      %eq3A_1641 = arith.cmpi eq, %iota3A, %eq3A_1640 : vector<2x512xi32>
      %jit3A_1642 = arith.constant -1.000000e+30 : f32
      %broadcast_in_dim3A_1643 = vector.broadcast %jit3A_1642 : f32 to vector<2x512xf32>
      %select_n3A_1644 = arith.select %eq3A_1641, %broadcast_in_dim3A_1643, %select_n3A_1616 : vector<2x512xi1>, vector<2x512xf32>
      %reduce_max3A_1645 = arith.constant dense<0xFF800000> : vector<2xf32>
      %reduce_max3A_1646 = vector.multi_reduction <maximumf>, %select_n3A_1644, %reduce_max3A_1645 [1] : vector<2x512xf32> to vector<2xf32>
      %broadcast_in_dim3A_1647 = vector.shape_cast %reduce_max3A_1646 : vector<2xf32> to vector<2x1xf32>
      %eq3A_1648 = vector.broadcast %broadcast_in_dim3A_1647 : vector<2x1xf32> to vector<2x512xf32>
      %eq3A_1649 = arith.cmpf oeq, %select_n3A_1644, %eq3A_1648 : vector<2x512xf32>
      %jit3A_1650 = arith.constant 1073741824 : i32
      %broadcast_in_dim3A_1651 = vector.broadcast %jit3A_1650 : i32 to vector<2x512xi32>
      %select_n3A_1652 = arith.select %eq3A_1649, %iota3A, %broadcast_in_dim3A_1651 : vector<2x512xi1>, vector<2x512xi32>
      %reduce_min3A_1653 = arith.constant dense<2147483647> : vector<2xi32>
      %reduce_min3A_1654 = vector.multi_reduction <minsi>, %select_n3A_1652, %reduce_min3A_1653 [1] : vector<2x512xi32> to vector<2xi32>
      %broadcast_in_dim3A_1655 = vector.shape_cast %reduce_min3A_1654 : vector<2xi32> to vector<2x1xi32>
      %eq3A_1656 = arith.constant 25 : i32
      %eq3A_1657 = vector.broadcast %eq3A_1656 : i32 to vector<2x32xi32>
      %eq3A_1658 = arith.cmpi eq, %iota3A_50, %eq3A_1657 : vector<2x32xi32>
      %broadcast_in_dim3A_1659 = vector.shape_cast %broadcast_in_dim3A_1647 : vector<2x1xf32> to vector<2x1xf32>
      %broadcast_in_dim3A_1660 = vector.broadcast %broadcast_in_dim3A_1659 : vector<2x1xf32> to vector<2x32xf32>
      %select_n3A_1661 = arith.select %eq3A_1658, %broadcast_in_dim3A_1660, %select_n3A_1633 : vector<2x32xi1>, vector<2x32xf32>
      %eq3A_1662 = arith.constant 25 : i32
      %eq3A_1663 = vector.broadcast %eq3A_1662 : i32 to vector<2x32xi32>
      %eq3A_1664 = arith.cmpi eq, %iota3A_50, %eq3A_1663 : vector<2x32xi32>
      %broadcast_in_dim3A_1665 = vector.shape_cast %broadcast_in_dim3A_1655 : vector<2x1xi32> to vector<2x1xi32>
      %broadcast_in_dim3A_1666 = vector.broadcast %broadcast_in_dim3A_1665 : vector<2x1xi32> to vector<2x32xi32>
      %select_n3A_1667 = arith.select %eq3A_1664, %broadcast_in_dim3A_1666, %select_n3A_1639 : vector<2x32xi1>, vector<2x32xi32>
      %eq3A_1668 = vector.broadcast %broadcast_in_dim3A_1655 : vector<2x1xi32> to vector<2x512xi32>
      %eq3A_1669 = arith.cmpi eq, %iota3A, %eq3A_1668 : vector<2x512xi32>
      %jit3A_1670 = arith.constant -1.000000e+30 : f32
      %broadcast_in_dim3A_1671 = vector.broadcast %jit3A_1670 : f32 to vector<2x512xf32>
      %select_n3A_1672 = arith.select %eq3A_1669, %broadcast_in_dim3A_1671, %select_n3A_1644 : vector<2x512xi1>, vector<2x512xf32>
      %reduce_max3A_1673 = arith.constant dense<0xFF800000> : vector<2xf32>
      %reduce_max3A_1674 = vector.multi_reduction <maximumf>, %select_n3A_1672, %reduce_max3A_1673 [1] : vector<2x512xf32> to vector<2xf32>
      %broadcast_in_dim3A_1675 = vector.shape_cast %reduce_max3A_1674 : vector<2xf32> to vector<2x1xf32>
      %eq3A_1676 = vector.broadcast %broadcast_in_dim3A_1675 : vector<2x1xf32> to vector<2x512xf32>
      %eq3A_1677 = arith.cmpf oeq, %select_n3A_1672, %eq3A_1676 : vector<2x512xf32>
      %jit3A_1678 = arith.constant 1073741824 : i32
      %broadcast_in_dim3A_1679 = vector.broadcast %jit3A_1678 : i32 to vector<2x512xi32>
      %select_n3A_1680 = arith.select %eq3A_1677, %iota3A, %broadcast_in_dim3A_1679 : vector<2x512xi1>, vector<2x512xi32>
      %reduce_min3A_1681 = arith.constant dense<2147483647> : vector<2xi32>
      %reduce_min3A_1682 = vector.multi_reduction <minsi>, %select_n3A_1680, %reduce_min3A_1681 [1] : vector<2x512xi32> to vector<2xi32>
      %broadcast_in_dim3A_1683 = vector.shape_cast %reduce_min3A_1682 : vector<2xi32> to vector<2x1xi32>
      %eq3A_1684 = arith.constant 26 : i32
      %eq3A_1685 = vector.broadcast %eq3A_1684 : i32 to vector<2x32xi32>
      %eq3A_1686 = arith.cmpi eq, %iota3A_50, %eq3A_1685 : vector<2x32xi32>
      %broadcast_in_dim3A_1687 = vector.shape_cast %broadcast_in_dim3A_1675 : vector<2x1xf32> to vector<2x1xf32>
      %broadcast_in_dim3A_1688 = vector.broadcast %broadcast_in_dim3A_1687 : vector<2x1xf32> to vector<2x32xf32>
      %select_n3A_1689 = arith.select %eq3A_1686, %broadcast_in_dim3A_1688, %select_n3A_1661 : vector<2x32xi1>, vector<2x32xf32>
      %eq3A_1690 = arith.constant 26 : i32
      %eq3A_1691 = vector.broadcast %eq3A_1690 : i32 to vector<2x32xi32>
      %eq3A_1692 = arith.cmpi eq, %iota3A_50, %eq3A_1691 : vector<2x32xi32>
      %broadcast_in_dim3A_1693 = vector.shape_cast %broadcast_in_dim3A_1683 : vector<2x1xi32> to vector<2x1xi32>
      %broadcast_in_dim3A_1694 = vector.broadcast %broadcast_in_dim3A_1693 : vector<2x1xi32> to vector<2x32xi32>
      %select_n3A_1695 = arith.select %eq3A_1692, %broadcast_in_dim3A_1694, %select_n3A_1667 : vector<2x32xi1>, vector<2x32xi32>
      %eq3A_1696 = vector.broadcast %broadcast_in_dim3A_1683 : vector<2x1xi32> to vector<2x512xi32>
      %eq3A_1697 = arith.cmpi eq, %iota3A, %eq3A_1696 : vector<2x512xi32>
      %jit3A_1698 = arith.constant -1.000000e+30 : f32
      %broadcast_in_dim3A_1699 = vector.broadcast %jit3A_1698 : f32 to vector<2x512xf32>
      %select_n3A_1700 = arith.select %eq3A_1697, %broadcast_in_dim3A_1699, %select_n3A_1672 : vector<2x512xi1>, vector<2x512xf32>
      %reduce_max3A_1701 = arith.constant dense<0xFF800000> : vector<2xf32>
      %reduce_max3A_1702 = vector.multi_reduction <maximumf>, %select_n3A_1700, %reduce_max3A_1701 [1] : vector<2x512xf32> to vector<2xf32>
      %broadcast_in_dim3A_1703 = vector.shape_cast %reduce_max3A_1702 : vector<2xf32> to vector<2x1xf32>
      %eq3A_1704 = vector.broadcast %broadcast_in_dim3A_1703 : vector<2x1xf32> to vector<2x512xf32>
      %eq3A_1705 = arith.cmpf oeq, %select_n3A_1700, %eq3A_1704 : vector<2x512xf32>
      %jit3A_1706 = arith.constant 1073741824 : i32
      %broadcast_in_dim3A_1707 = vector.broadcast %jit3A_1706 : i32 to vector<2x512xi32>
      %select_n3A_1708 = arith.select %eq3A_1705, %iota3A, %broadcast_in_dim3A_1707 : vector<2x512xi1>, vector<2x512xi32>
      %reduce_min3A_1709 = arith.constant dense<2147483647> : vector<2xi32>
      %reduce_min3A_1710 = vector.multi_reduction <minsi>, %select_n3A_1708, %reduce_min3A_1709 [1] : vector<2x512xi32> to vector<2xi32>
      %broadcast_in_dim3A_1711 = vector.shape_cast %reduce_min3A_1710 : vector<2xi32> to vector<2x1xi32>
      %eq3A_1712 = arith.constant 27 : i32
      %eq3A_1713 = vector.broadcast %eq3A_1712 : i32 to vector<2x32xi32>
      %eq3A_1714 = arith.cmpi eq, %iota3A_50, %eq3A_1713 : vector<2x32xi32>
      %broadcast_in_dim3A_1715 = vector.shape_cast %broadcast_in_dim3A_1703 : vector<2x1xf32> to vector<2x1xf32>
      %broadcast_in_dim3A_1716 = vector.broadcast %broadcast_in_dim3A_1715 : vector<2x1xf32> to vector<2x32xf32>
      %select_n3A_1717 = arith.select %eq3A_1714, %broadcast_in_dim3A_1716, %select_n3A_1689 : vector<2x32xi1>, vector<2x32xf32>
      %eq3A_1718 = arith.constant 27 : i32
      %eq3A_1719 = vector.broadcast %eq3A_1718 : i32 to vector<2x32xi32>
      %eq3A_1720 = arith.cmpi eq, %iota3A_50, %eq3A_1719 : vector<2x32xi32>
      %broadcast_in_dim3A_1721 = vector.shape_cast %broadcast_in_dim3A_1711 : vector<2x1xi32> to vector<2x1xi32>
      %broadcast_in_dim3A_1722 = vector.broadcast %broadcast_in_dim3A_1721 : vector<2x1xi32> to vector<2x32xi32>
      %select_n3A_1723 = arith.select %eq3A_1720, %broadcast_in_dim3A_1722, %select_n3A_1695 : vector<2x32xi1>, vector<2x32xi32>
      %eq3A_1724 = vector.broadcast %broadcast_in_dim3A_1711 : vector<2x1xi32> to vector<2x512xi32>
      %eq3A_1725 = arith.cmpi eq, %iota3A, %eq3A_1724 : vector<2x512xi32>
      %jit3A_1726 = arith.constant -1.000000e+30 : f32
      %broadcast_in_dim3A_1727 = vector.broadcast %jit3A_1726 : f32 to vector<2x512xf32>
      %select_n3A_1728 = arith.select %eq3A_1725, %broadcast_in_dim3A_1727, %select_n3A_1700 : vector<2x512xi1>, vector<2x512xf32>
      %reduce_max3A_1729 = arith.constant dense<0xFF800000> : vector<2xf32>
      %reduce_max3A_1730 = vector.multi_reduction <maximumf>, %select_n3A_1728, %reduce_max3A_1729 [1] : vector<2x512xf32> to vector<2xf32>
      %broadcast_in_dim3A_1731 = vector.shape_cast %reduce_max3A_1730 : vector<2xf32> to vector<2x1xf32>
      %eq3A_1732 = vector.broadcast %broadcast_in_dim3A_1731 : vector<2x1xf32> to vector<2x512xf32>
      %eq3A_1733 = arith.cmpf oeq, %select_n3A_1728, %eq3A_1732 : vector<2x512xf32>
      %jit3A_1734 = arith.constant 1073741824 : i32
      %broadcast_in_dim3A_1735 = vector.broadcast %jit3A_1734 : i32 to vector<2x512xi32>
      %select_n3A_1736 = arith.select %eq3A_1733, %iota3A, %broadcast_in_dim3A_1735 : vector<2x512xi1>, vector<2x512xi32>
      %reduce_min3A_1737 = arith.constant dense<2147483647> : vector<2xi32>
      %reduce_min3A_1738 = vector.multi_reduction <minsi>, %select_n3A_1736, %reduce_min3A_1737 [1] : vector<2x512xi32> to vector<2xi32>
      %broadcast_in_dim3A_1739 = vector.shape_cast %reduce_min3A_1738 : vector<2xi32> to vector<2x1xi32>
      %eq3A_1740 = arith.constant 28 : i32
      %eq3A_1741 = vector.broadcast %eq3A_1740 : i32 to vector<2x32xi32>
      %eq3A_1742 = arith.cmpi eq, %iota3A_50, %eq3A_1741 : vector<2x32xi32>
      %broadcast_in_dim3A_1743 = vector.shape_cast %broadcast_in_dim3A_1731 : vector<2x1xf32> to vector<2x1xf32>
      %broadcast_in_dim3A_1744 = vector.broadcast %broadcast_in_dim3A_1743 : vector<2x1xf32> to vector<2x32xf32>
      %select_n3A_1745 = arith.select %eq3A_1742, %broadcast_in_dim3A_1744, %select_n3A_1717 : vector<2x32xi1>, vector<2x32xf32>
      %eq3A_1746 = arith.constant 28 : i32
      %eq3A_1747 = vector.broadcast %eq3A_1746 : i32 to vector<2x32xi32>
      %eq3A_1748 = arith.cmpi eq, %iota3A_50, %eq3A_1747 : vector<2x32xi32>
      %broadcast_in_dim3A_1749 = vector.shape_cast %broadcast_in_dim3A_1739 : vector<2x1xi32> to vector<2x1xi32>
      %broadcast_in_dim3A_1750 = vector.broadcast %broadcast_in_dim3A_1749 : vector<2x1xi32> to vector<2x32xi32>
      %select_n3A_1751 = arith.select %eq3A_1748, %broadcast_in_dim3A_1750, %select_n3A_1723 : vector<2x32xi1>, vector<2x32xi32>
      %eq3A_1752 = vector.broadcast %broadcast_in_dim3A_1739 : vector<2x1xi32> to vector<2x512xi32>
      %eq3A_1753 = arith.cmpi eq, %iota3A, %eq3A_1752 : vector<2x512xi32>
      %jit3A_1754 = arith.constant -1.000000e+30 : f32
      %broadcast_in_dim3A_1755 = vector.broadcast %jit3A_1754 : f32 to vector<2x512xf32>
      %select_n3A_1756 = arith.select %eq3A_1753, %broadcast_in_dim3A_1755, %select_n3A_1728 : vector<2x512xi1>, vector<2x512xf32>
      %reduce_max3A_1757 = arith.constant dense<0xFF800000> : vector<2xf32>
      %reduce_max3A_1758 = vector.multi_reduction <maximumf>, %select_n3A_1756, %reduce_max3A_1757 [1] : vector<2x512xf32> to vector<2xf32>
      %broadcast_in_dim3A_1759 = vector.shape_cast %reduce_max3A_1758 : vector<2xf32> to vector<2x1xf32>
      %eq3A_1760 = vector.broadcast %broadcast_in_dim3A_1759 : vector<2x1xf32> to vector<2x512xf32>
      %eq3A_1761 = arith.cmpf oeq, %select_n3A_1756, %eq3A_1760 : vector<2x512xf32>
      %jit3A_1762 = arith.constant 1073741824 : i32
      %broadcast_in_dim3A_1763 = vector.broadcast %jit3A_1762 : i32 to vector<2x512xi32>
      %select_n3A_1764 = arith.select %eq3A_1761, %iota3A, %broadcast_in_dim3A_1763 : vector<2x512xi1>, vector<2x512xi32>
      %reduce_min3A_1765 = arith.constant dense<2147483647> : vector<2xi32>
      %reduce_min3A_1766 = vector.multi_reduction <minsi>, %select_n3A_1764, %reduce_min3A_1765 [1] : vector<2x512xi32> to vector<2xi32>
      %broadcast_in_dim3A_1767 = vector.shape_cast %reduce_min3A_1766 : vector<2xi32> to vector<2x1xi32>
      %eq3A_1768 = arith.constant 29 : i32
      %eq3A_1769 = vector.broadcast %eq3A_1768 : i32 to vector<2x32xi32>
      %eq3A_1770 = arith.cmpi eq, %iota3A_50, %eq3A_1769 : vector<2x32xi32>
      %broadcast_in_dim3A_1771 = vector.shape_cast %broadcast_in_dim3A_1759 : vector<2x1xf32> to vector<2x1xf32>
      %broadcast_in_dim3A_1772 = vector.broadcast %broadcast_in_dim3A_1771 : vector<2x1xf32> to vector<2x32xf32>
      %select_n3A_1773 = arith.select %eq3A_1770, %broadcast_in_dim3A_1772, %select_n3A_1745 : vector<2x32xi1>, vector<2x32xf32>
      %eq3A_1774 = arith.constant 29 : i32
      %eq3A_1775 = vector.broadcast %eq3A_1774 : i32 to vector<2x32xi32>
      %eq3A_1776 = arith.cmpi eq, %iota3A_50, %eq3A_1775 : vector<2x32xi32>
      %broadcast_in_dim3A_1777 = vector.shape_cast %broadcast_in_dim3A_1767 : vector<2x1xi32> to vector<2x1xi32>
      %broadcast_in_dim3A_1778 = vector.broadcast %broadcast_in_dim3A_1777 : vector<2x1xi32> to vector<2x32xi32>
      %select_n3A_1779 = arith.select %eq3A_1776, %broadcast_in_dim3A_1778, %select_n3A_1751 : vector<2x32xi1>, vector<2x32xi32>
      %eq3A_1780 = vector.broadcast %broadcast_in_dim3A_1767 : vector<2x1xi32> to vector<2x512xi32>
      %eq3A_1781 = arith.cmpi eq, %iota3A, %eq3A_1780 : vector<2x512xi32>
      %jit3A_1782 = arith.constant -1.000000e+30 : f32
      %broadcast_in_dim3A_1783 = vector.broadcast %jit3A_1782 : f32 to vector<2x512xf32>
      %select_n3A_1784 = arith.select %eq3A_1781, %broadcast_in_dim3A_1783, %select_n3A_1756 : vector<2x512xi1>, vector<2x512xf32>
      %reduce_max3A_1785 = arith.constant dense<0xFF800000> : vector<2xf32>
      %reduce_max3A_1786 = vector.multi_reduction <maximumf>, %select_n3A_1784, %reduce_max3A_1785 [1] : vector<2x512xf32> to vector<2xf32>
      %broadcast_in_dim3A_1787 = vector.shape_cast %reduce_max3A_1786 : vector<2xf32> to vector<2x1xf32>
      %eq3A_1788 = vector.broadcast %broadcast_in_dim3A_1787 : vector<2x1xf32> to vector<2x512xf32>
      %eq3A_1789 = arith.cmpf oeq, %select_n3A_1784, %eq3A_1788 : vector<2x512xf32>
      %jit3A_1790 = arith.constant 1073741824 : i32
      %broadcast_in_dim3A_1791 = vector.broadcast %jit3A_1790 : i32 to vector<2x512xi32>
      %select_n3A_1792 = arith.select %eq3A_1789, %iota3A, %broadcast_in_dim3A_1791 : vector<2x512xi1>, vector<2x512xi32>
      %reduce_min3A_1793 = arith.constant dense<2147483647> : vector<2xi32>
      %reduce_min3A_1794 = vector.multi_reduction <minsi>, %select_n3A_1792, %reduce_min3A_1793 [1] : vector<2x512xi32> to vector<2xi32>
      %broadcast_in_dim3A_1795 = vector.shape_cast %reduce_min3A_1794 : vector<2xi32> to vector<2x1xi32>
      %eq3A_1796 = arith.constant 30 : i32
      %eq3A_1797 = vector.broadcast %eq3A_1796 : i32 to vector<2x32xi32>
      %eq3A_1798 = arith.cmpi eq, %iota3A_50, %eq3A_1797 : vector<2x32xi32>
      %broadcast_in_dim3A_1799 = vector.shape_cast %broadcast_in_dim3A_1787 : vector<2x1xf32> to vector<2x1xf32>
      %broadcast_in_dim3A_1800 = vector.broadcast %broadcast_in_dim3A_1799 : vector<2x1xf32> to vector<2x32xf32>
      %select_n3A_1801 = arith.select %eq3A_1798, %broadcast_in_dim3A_1800, %select_n3A_1773 : vector<2x32xi1>, vector<2x32xf32>
      %eq3A_1802 = arith.constant 30 : i32
      %eq3A_1803 = vector.broadcast %eq3A_1802 : i32 to vector<2x32xi32>
      %eq3A_1804 = arith.cmpi eq, %iota3A_50, %eq3A_1803 : vector<2x32xi32>
      %broadcast_in_dim3A_1805 = vector.shape_cast %broadcast_in_dim3A_1795 : vector<2x1xi32> to vector<2x1xi32>
      %broadcast_in_dim3A_1806 = vector.broadcast %broadcast_in_dim3A_1805 : vector<2x1xi32> to vector<2x32xi32>
      %select_n3A_1807 = arith.select %eq3A_1804, %broadcast_in_dim3A_1806, %select_n3A_1779 : vector<2x32xi1>, vector<2x32xi32>
      %eq3A_1808 = vector.broadcast %broadcast_in_dim3A_1795 : vector<2x1xi32> to vector<2x512xi32>
      %eq3A_1809 = arith.cmpi eq, %iota3A, %eq3A_1808 : vector<2x512xi32>
      %jit3A_1810 = arith.constant -1.000000e+30 : f32
      %broadcast_in_dim3A_1811 = vector.broadcast %jit3A_1810 : f32 to vector<2x512xf32>
      %select_n3A_1812 = arith.select %eq3A_1809, %broadcast_in_dim3A_1811, %select_n3A_1784 : vector<2x512xi1>, vector<2x512xf32>
      %reduce_max3A_1813 = arith.constant dense<0xFF800000> : vector<2xf32>
      %reduce_max3A_1814 = vector.multi_reduction <maximumf>, %select_n3A_1812, %reduce_max3A_1813 [1] : vector<2x512xf32> to vector<2xf32>
      %broadcast_in_dim3A_1815 = vector.shape_cast %reduce_max3A_1814 : vector<2xf32> to vector<2x1xf32>
      %eq3A_1816 = vector.broadcast %broadcast_in_dim3A_1815 : vector<2x1xf32> to vector<2x512xf32>
      %eq3A_1817 = arith.cmpf oeq, %select_n3A_1812, %eq3A_1816 : vector<2x512xf32>
      %jit3A_1818 = arith.constant 1073741824 : i32
      %broadcast_in_dim3A_1819 = vector.broadcast %jit3A_1818 : i32 to vector<2x512xi32>
      %select_n3A_1820 = arith.select %eq3A_1817, %iota3A, %broadcast_in_dim3A_1819 : vector<2x512xi1>, vector<2x512xi32>
      %reduce_min3A_1821 = arith.constant dense<2147483647> : vector<2xi32>
      %reduce_min3A_1822 = vector.multi_reduction <minsi>, %select_n3A_1820, %reduce_min3A_1821 [1] : vector<2x512xi32> to vector<2xi32>
      %broadcast_in_dim3A_1823 = vector.shape_cast %reduce_min3A_1822 : vector<2xi32> to vector<2x1xi32>
      %eq3A_1824 = arith.constant 31 : i32
      %eq3A_1825 = vector.broadcast %eq3A_1824 : i32 to vector<2x32xi32>
      %eq3A_1826 = arith.cmpi eq, %iota3A_50, %eq3A_1825 : vector<2x32xi32>
      %broadcast_in_dim3A_1827 = vector.shape_cast %broadcast_in_dim3A_1815 : vector<2x1xf32> to vector<2x1xf32>
      %broadcast_in_dim3A_1828 = vector.broadcast %broadcast_in_dim3A_1827 : vector<2x1xf32> to vector<2x32xf32>
      %select_n3A_1829 = arith.select %eq3A_1826, %broadcast_in_dim3A_1828, %select_n3A_1801 : vector<2x32xi1>, vector<2x32xf32>
      %eq3A_1830 = arith.constant 31 : i32
      %eq3A_1831 = vector.broadcast %eq3A_1830 : i32 to vector<2x32xi32>
      %eq3A_1832 = arith.cmpi eq, %iota3A_50, %eq3A_1831 : vector<2x32xi32>
      %broadcast_in_dim3A_1833 = vector.shape_cast %broadcast_in_dim3A_1823 : vector<2x1xi32> to vector<2x1xi32>
      %broadcast_in_dim3A_1834 = vector.broadcast %broadcast_in_dim3A_1833 : vector<2x1xi32> to vector<2x32xi32>
      %select_n3A_1835 = arith.select %eq3A_1832, %broadcast_in_dim3A_1834, %select_n3A_1807 : vector<2x32xi1>, vector<2x32xi32>
      %sub3A = vector.broadcast %broadcast_in_dim3A_55 : vector<2x1xf32> to vector<2x32xf32>
      %sub3A_1836 = arith.subf %select_n3A_934, %sub3A : vector<2x32xf32>
      %mul3A_1837 = arith.constant 0.176776692 : f32
      %mul3A_1838 = vector.broadcast %mul3A_1837 : f32 to vector<2x32xf32>
      %mul3A_1839 = arith.mulf %sub3A_1836, %mul3A_1838 : vector<2x32xf32>
      %exp3A = math.exp %mul3A_1839 : vector<2x32xf32>
      %sub3A_1840 = vector.broadcast %broadcast_in_dim3A_947 : vector<2x1xf32> to vector<2x32xf32>
      %sub3A_1841 = arith.subf %select_n3A_1829, %sub3A_1840 : vector<2x32xf32>
      %mul3A_1842 = arith.constant 0.176776692 : f32
      %mul3A_1843 = vector.broadcast %mul3A_1842 : f32 to vector<2x32xf32>
      %mul3A_1844 = arith.mulf %sub3A_1841, %mul3A_1843 : vector<2x32xf32>
      %exp3A_1845 = math.exp %mul3A_1844 : vector<2x32xf32>
      %reduce_sum3A_1846 = arith.constant dense<0.000000e+00> : vector<2xf32>
      %reduce_sum3A_1847 = vector.multi_reduction <add>, %exp3A, %reduce_sum3A_1846 [1] : vector<2x32xf32> to vector<2xf32>
      %broadcast_in_dim3A_1848 = vector.shape_cast %reduce_sum3A_1847 : vector<2xf32> to vector<2x1xf32>
      %div3A = vector.broadcast %broadcast_in_dim3A_1848 : vector<2x1xf32> to vector<2x32xf32>
      %div3A_1849 = arith.divf %exp3A, %div3A : vector<2x32xf32>
      %swap3A_1850 = arith.constant 0 : index
      %swap3A_1851 = arith.constant 0 : index
      %swap3A_1852 = vector.load %arg12[%swap3A_1850, %swap3A_1851] : memref<2x32xf32, #tpu.memory_space<vmem>>, vector<2x32xf32>
      tpu.vector_store %arg12[%swap3A_1850, %swap3A_1851], %div3A_1849 {strides = array<i32>} : memref<2x32xf32, #tpu.memory_space<vmem>>, vector<2x32xf32>,
      %reduce_sum3A_1853 = arith.constant dense<0.000000e+00> : vector<2xf32>
      %reduce_sum3A_1854 = vector.multi_reduction <add>, %exp3A_1845, %reduce_sum3A_1853 [1] : vector<2x32xf32> to vector<2xf32>
      %broadcast_in_dim3A_1855 = vector.shape_cast %reduce_sum3A_1854 : vector<2xf32> to vector<2x1xf32>
      %div3A_1856 = vector.broadcast %broadcast_in_dim3A_1855 : vector<2x1xf32> to vector<2x32xf32>
      %div3A_1857 = arith.divf %exp3A_1845, %div3A_1856 : vector<2x32xf32>
      %swap3A_1858 = arith.constant 0 : index
      %swap3A_1859 = arith.constant 0 : index
      %swap3A_1860 = vector.load %arg13[%swap3A_1858, %swap3A_1859] : memref<2x32xf32, #tpu.memory_space<vmem>>, vector<2x32xf32>
      tpu.vector_store %arg13[%swap3A_1858, %swap3A_1859], %div3A_1857 {strides = array<i32>} : memref<2x32xf32, #tpu.memory_space<vmem>>, vector<2x32xf32>,
      %swap3A_1861 = arith.constant 0 : index
      %swap3A_1862 = arith.constant 0 : index
      %swap3A_1863 = vector.load %arg14[%swap3A_1861, %swap3A_1862] : memref<2x32xi32, #tpu.memory_space<vmem>>, vector<2x32xi32>
      tpu.vector_store %arg14[%swap3A_1861, %swap3A_1862], %select_n3A_940 {strides = array<i32>} : memref<2x32xi32, #tpu.memory_space<vmem>>, vector<2x32xi32>,
      %swap3A_1864 = arith.constant 0 : index
      %swap3A_1865 = arith.constant 0 : index
      %swap3A_1866 = vector.load %arg15[%swap3A_1864, %swap3A_1865] : memref<2x32xi32, #tpu.memory_space<vmem>>, vector<2x32xi32>
      tpu.vector_store %arg15[%swap3A_1864, %swap3A_1865], %select_n3A_1835 {strides = array<i32>} : memref<2x32xi32, #tpu.memory_space<vmem>>, vector<2x32xi32>,
      %get3A_1867 = arith.constant 0 : index
      %get3A_1868 = arith.constant 0 : index
      %get3A_1869 = vector.load %arg8[%get3A_1867, %get3A_1868] : memref<1024x1xf32, #tpu.memory_space<vmem>>, vector<1024x1xf32>
      %dot_general3A_1870 = arith.constant dense<0.000000e+00> : vector<2x1xf32>
      %dot_general3A_1871 = tpu.matmul %mul3A_20, %get3A_1869, %dot_general3A_1870 {dimension_numbers = #tpu.dot_dimension_numbers<[1], [0], [0], [1], [0, 0, 1, 1], [], []>, transpose_lhs_hint = false} : vector<2x1024xf32>, vector<1024x1xf32>, vector<2x1xf32> -> vector<2x1xf32>
      %get3A_1872 = arith.constant 0 : index
      %get3A_1873 = arith.constant 0 : index
      %get3A_1874 = vector.load %arg9[%get3A_1872, %get3A_1873] : memref<1x1xf32, #tpu.memory_space<vmem>>, vector<1x1xf32>
      %add3A_1875 = vector.broadcast %get3A_1874 : vector<1x1xf32> to vector<2x1xf32>
      %add3A_1876 = arith.addf %dot_general3A_1871, %add3A_1875 : vector<2x1xf32>
      %neg3A = arith.constant 0.000000e+00 : f32
      %neg3A_1877 = vector.broadcast %neg3A : f32 to vector<2x1xf32>
      %neg3A_1878 = arith.subf %neg3A_1877, %add3A_1876 : vector<2x1xf32>
      %exp3A_1879 = math.exp %neg3A_1878 : vector<2x1xf32>
      %add3A_1880 = arith.constant 1.000000e+00 : f32
      %add3A_1881 = vector.broadcast %add3A_1880 : f32 to vector<2x1xf32>
      %add3A_1882 = arith.addf %add3A_1881, %exp3A_1879 : vector<2x1xf32>
      %div3A_1883 = arith.constant 1.000000e+00 : f32
      %div3A_1884 = vector.broadcast %div3A_1883 : f32 to vector<2x1xf32>
      %div3A_1885 = arith.divf %div3A_1884, %add3A_1882 : vector<2x1xf32>
      %mul3A_1886 = arith.constant 1.000000e-01 : f32
      %mul3A_1887 = vector.broadcast %mul3A_1886 : f32 to vector<2x1xf32>
      %mul3A_1888 = arith.mulf %mul3A_1887, %div3A_1885 : vector<2x1xf32>
      %get3A_1889 = arith.constant 0 : index
      %get3A_1890 = arith.constant 0 : index
      %get3A_1891 = vector.load %arg6[%get3A_1889, %get3A_1890] : memref<1024x64xf32, #tpu.memory_space<vmem>>, vector<1024x64xf32>
      %dot_general3A_1892 = arith.constant dense<0.000000e+00> : vector<2x64xf32>
      %dot_general3A_1893 = tpu.matmul %mul3A_20, %get3A_1891, %dot_general3A_1892 {dimension_numbers = #tpu.dot_dimension_numbers<[1], [0], [0], [1], [0, 0, 1, 1], [], []>, transpose_lhs_hint = false} : vector<2x1024xf32>, vector<1024x64xf32>, vector<2x64xf32> -> vector<2x64xf32>
      %get3A_1894 = arith.constant 0 : index
      %get3A_1895 = arith.constant 0 : index
      %get3A_1896 = vector.load %arg7[%get3A_1894, %get3A_1895] : memref<1x64xf32, #tpu.memory_space<vmem>>, vector<1x64xf32>
      %add3A_1897 = vector.broadcast %get3A_1896 : vector<1x64xf32> to vector<2x64xf32>
      %add3A_1898 = arith.addf %dot_general3A_1893, %add3A_1897 : vector<2x64xf32>
      %mul3A_1899 = vector.broadcast %mul3A_1888 : vector<2x1xf32> to vector<2x64xf32>
      %mul3A_1900 = arith.mulf %mul3A_1899, %add3A_1898 : vector<2x64xf32>
      %swap3A_1901 = arith.constant 0 : index
      %swap3A_1902 = arith.constant 0 : index
      %swap3A_1903 = vector.load %arg16[%swap3A_1901, %swap3A_1902] : memref<2x64xf32, #tpu.memory_space<vmem>>, vector<2x64xf32>
      tpu.vector_store %arg16[%swap3A_1901, %swap3A_1902], %mul3A_1900 {strides = array<i32>} : memref<2x64xf32, #tpu.memory_space<vmem>>, vector<2x64xf32>,
    } else {
    }
    return
  }
  func.func @transform_0(%arg0: i32) -> (i32, i32, i32) {
    %c0_i32 = arith.constant 0 : i32
    %c0_i32_0 = arith.constant 0 : i32
    %c0_i32_1 = arith.constant 0 : i32
    return %c0_i32, %arg0, %c0_i32_0 : i32, i32, i32
  }
  func.func @transform_1(%arg0: i32) -> (i32, i32) {
    %c0_i32 = arith.constant 0 : i32
    %c0_i32_0 = arith.constant 0 : i32
    %c0_i32_1 = arith.constant 0 : i32
    return %c0_i32, %c0_i32_0 : i32, i32
  }
  func.func @transform_2(%arg0: i32) -> (i32, i32) {
    %c0_i32 = arith.constant 0 : i32
    %c0_i32_0 = arith.constant 0 : i32
    %c0_i32_1 = arith.constant 0 : i32
    return %c0_i32, %c0_i32_0 : i32, i32
  }
  func.func @transform_3(%arg0: i32) -> (i32, i32) {
    %c0_i32 = arith.constant 0 : i32
    %c0_i32_0 = arith.constant 0 : i32
    %c0_i32_1 = arith.constant 0 : i32
    return %c0_i32, %c0_i32_0 : i32, i32
  }
  func.func @transform_4(%arg0: i32) -> (i32, i32) {
    %c0_i32 = arith.constant 0 : i32
    %c0_i32_0 = arith.constant 0 : i32
    %c0_i32_1 = arith.constant 0 : i32
    return %c0_i32, %c0_i32_0 : i32, i32
  }
  func.func @transform_5(%arg0: i32) -> (i32, i32) {
    %c0_i32 = arith.constant 0 : i32
    %c0_i32_0 = arith.constant 0 : i32
    %c0_i32_1 = arith.constant 0 : i32
    return %c0_i32, %c0_i32_0 : i32, i32
  }
  func.func @transform_6(%arg0: i32) -> (i32, i32) {
    %c0_i32 = arith.constant 0 : i32
    %c0_i32_0 = arith.constant 0 : i32
    %c0_i32_1 = arith.constant 0 : i32
    return %c0_i32, %c0_i32_0 : i32, i32
  }
  func.func @transform_7(%arg0: i32) -> (i32, i32) {
    %c0_i32 = arith.constant 0 : i32
    %c0_i32_0 = arith.constant 0 : i32
    %c0_i32_1 = arith.constant 0 : i32
    return %c0_i32, %c0_i32_0 : i32, i32
  }
  func.func @transform_8(%arg0: i32) -> (i32, i32) {
    %c0_i32 = arith.constant 0 : i32
    %c0_i32_0 = arith.constant 0 : i32
    %c0_i32_1 = arith.constant 0 : i32
    return %c0_i32, %c0_i32_0 : i32, i32
  }
  func.func @transform_9(%arg0: i32) -> (i32, i32) {
    %c0_i32 = arith.constant 0 : i32
    %c0_i32_0 = arith.constant 0 : i32
    %c0_i32_1 = arith.constant 0 : i32
    return %c0_i32, %c0_i32_0 : i32, i32
  }
  func.func @transform_10(%arg0: i32) -> (i32, i32) {
    %c0_i32 = arith.constant 0 : i32
    %c0_i32_0 = arith.constant 0 : i32
    %c0_i32_1 = arith.constant 0 : i32
    return %c0_i32, %c0_i32_0 : i32, i32
  }
  func.func @transform_11(%arg0: i32) -> (i32, i32) {
    %c0_i32 = arith.constant 0 : i32
    %c0_i32_0 = arith.constant 0 : i32
    %c0_i32_1 = arith.constant 0 : i32
    return %c0_i32, %c0_i32_0 : i32, i32
  }
  func.func @transform_12(%arg0: i32) -> (i32, i32) {
    %c0_i32 = arith.constant 0 : i32
    %c0_i32_0 = arith.constant 0 : i32
    %c0_i32_1 = arith.constant 0 : i32
    return %c0_i32, %c0_i32_0 : i32, i32
  }
  func.func @transform_13(%arg0: i32) -> (i32, i32) {
    %c0_i32 = arith.constant 0 : i32
    %c0_i32_0 = arith.constant 0 : i32
    %c0_i32_1 = arith.constant 0 : i32
    return %c0_i32, %c0_i32_0 : i32, i32
  }
  func.func @transform_14(%arg0: i32) -> (i32, i32) {
    %c0_i32 = arith.constant 0 : i32
    %c0_i32_0 = arith.constant 0 : i32
    %c0_i32_1 = arith.constant 0 : i32
    return %c0_i32, %c0_i32_0 : i32, i32
  }
  func.func @transform_15(%arg0: i32) -> (i32, i32) {
    %c0_i32 = arith.constant 0 : i32
    %c0_i32_0 = arith.constant 0 : i32
    %c0_i32_1 = arith.constant 0 : i32
    return %c0_i32, %c0_i32_0 : i32, i32
  }
}

module attributes {stable_mosaic.version = 14 : i64} {
  func.func @_k4_body(%arg0: i32, %arg1: memref<2x8192x64xf32, #tpu.memory_space<vmem>>, %arg2: memref<2x1x64xf32, #tpu.memory_space<vmem>>, %arg3: memref<2x8192x64xf32, #tpu.memory_space<vmem>>) attributes {dimension_semantics = [#tpu.dimension_semantics<arbitrary>], iteration_bounds = array<i64: 32>, scalar_prefetch = 0 : i64, scratch_operands = 0 : i64, tpu.core_type = #tpu.core_type<tc>, window_params = [{transform_indices = @transform_0, window_bounds = array<i64: 2, 8192, 64>}, {pipeline_mode = #tpu.pipeline_mode<synchronous>, transform_indices = @transform_1, window_bounds = array<i64: 2, 1, 64>}, {transform_indices = @transform_2, window_bounds = array<i64: 2, 8192, 64>}]} {
    %get3A = arith.constant 0 : index
    %get3A_0 = arith.constant 0 : index
    %get3A_1 = arith.constant 0 : index
    %get3A_2 = vector.load %arg1[%get3A, %get3A_0, %get3A_1] : memref<2x8192x64xf32, #tpu.memory_space<vmem>>, vector<2x8192x64xf32>
    %get3A_3 = arith.constant 0 : index
    %get3A_4 = arith.constant 0 : index
    %get3A_5 = arith.constant 0 : index
    %get3A_6 = vector.load %arg2[%get3A_3, %get3A_4, %get3A_5] : memref<2x1x64xf32, #tpu.memory_space<vmem>>, vector<2x1x64xf32>
    %add3A = vector.broadcast %get3A_6 : vector<2x1x64xf32> to vector<2x8192x64xf32>
    %add3A_7 = arith.addf %get3A_2, %add3A : vector<2x8192x64xf32>
    %swap3A = arith.constant 0 : index
    %swap3A_8 = arith.constant 0 : index
    %swap3A_9 = arith.constant 0 : index
    %swap3A_10 = vector.load %arg3[%swap3A, %swap3A_8, %swap3A_9] : memref<2x8192x64xf32, #tpu.memory_space<vmem>>, vector<2x8192x64xf32>
    tpu.vector_store %arg3[%swap3A, %swap3A_8, %swap3A_9], %add3A_7 {strides = array<i32>} : memref<2x8192x64xf32, #tpu.memory_space<vmem>>, vector<2x8192x64xf32>,
    return
  }
  func.func @transform_0(%arg0: i32) -> (i32, i32, i32) {
    %c0_i32 = arith.constant 0 : i32
    %c0_i32_0 = arith.constant 0 : i32
    %c0_i32_1 = arith.constant 0 : i32
    return %c0_i32, %arg0, %c0_i32_0 : i32, i32, i32
  }
  func.func @transform_1(%arg0: i32) -> (i32, i32, i32) {
    %c0_i32 = arith.constant 0 : i32
    %c0_i32_0 = arith.constant 0 : i32
    %c0_i32_1 = arith.constant 0 : i32
    %c0_i32_2 = arith.constant 0 : i32
    return %c0_i32, %c0_i32_0, %c0_i32_1 : i32, i32, i32
  }
  func.func @transform_2(%arg0: i32) -> (i32, i32, i32) {
    %c0_i32 = arith.constant 0 : i32
    %c0_i32_0 = arith.constant 0 : i32
    %c0_i32_1 = arith.constant 0 : i32
    return %c0_i32, %arg0, %c0_i32_0 : i32, i32, i32
  }
}

module attributes {stable_mosaic.version = 14 : i64} {
  func.func @_k3_body(%arg0: memref<2x1024xf32, #tpu.memory_space<vmem>>, %arg1: memref<2x1024x64xf32, #tpu.memory_space<vmem>>, %arg2: memref<64x1024xf32, #tpu.memory_space<vmem>>, %arg3: memref<1x1024xf32, #tpu.memory_space<vmem>>, %arg4: memref<2x1024xf32, #tpu.memory_space<vmem>>) attributes {dimension_semantics = [], scalar_prefetch = 0 : i64, scratch_operands = 0 : i64, tpu.core_type = #tpu.core_type<tc>} {
    %get3A = arith.constant 0 : index
    %get3A_0 = arith.constant 0 : index
    %get3A_1 = vector.load %arg0[%get3A, %get3A_0] : memref<2x1024xf32, #tpu.memory_space<vmem>>, vector<1x1024xf32>
    %get3A_2 = arith.constant 0 : index
    %get3A_3 = arith.constant 0 : index
    %get3A_4 = arith.constant 0 : index
    %get3A_5 = vector.load %arg1[%get3A_2, %get3A_3, %get3A_4] : memref<2x1024x64xf32, #tpu.memory_space<vmem>>, vector<1x1024x64xf32>
    %get3A_6 = vector.shape_cast %get3A_5 : vector<1x1024x64xf32> to vector<1024x64xf32>
    %dot_general3A = arith.constant dense<0.000000e+00> : vector<1x64xf32>
    %dot_general3A_7 = tpu.matmul %get3A_1, %get3A_6, %dot_general3A {dimension_numbers = #tpu.dot_dimension_numbers<[1], [0], [0], [1], [0, 0, 1, 1], [], []>, transpose_lhs_hint = false} : vector<1x1024xf32>, vector<1024x64xf32>, vector<1x64xf32> -> vector<1x64xf32>
    %get3A_8 = arith.constant 1 : index
    %get3A_9 = arith.constant 0 : index
    %get3A_10 = vector.load %arg0[%get3A_8, %get3A_9] : memref<2x1024xf32, #tpu.memory_space<vmem>>, vector<1x1024xf32>
    %get3A_11 = arith.constant 1 : index
    %get3A_12 = arith.constant 0 : index
    %get3A_13 = arith.constant 0 : index
    %get3A_14 = vector.load %arg1[%get3A_11, %get3A_12, %get3A_13] : memref<2x1024x64xf32, #tpu.memory_space<vmem>>, vector<1x1024x64xf32>
    %get3A_15 = vector.shape_cast %get3A_14 : vector<1x1024x64xf32> to vector<1024x64xf32>
    %dot_general3A_16 = arith.constant dense<0.000000e+00> : vector<1x64xf32>
    %dot_general3A_17 = tpu.matmul %get3A_10, %get3A_15, %dot_general3A_16 {dimension_numbers = #tpu.dot_dimension_numbers<[1], [0], [0], [1], [0, 0, 1, 1], [], []>, transpose_lhs_hint = false} : vector<1x1024xf32>, vector<1024x64xf32>, vector<1x64xf32> -> vector<1x64xf32>
    %concatenate3A = tpu.concatenate %dot_general3A_7, %dot_general3A_17 in 0 : vector<1x64xf32>, vector<1x64xf32> -> vector<2x64xf32>
    %get3A_18 = arith.constant 0 : index
    %get3A_19 = arith.constant 0 : index
    %get3A_20 = vector.load %arg2[%get3A_18, %get3A_19] : memref<64x1024xf32, #tpu.memory_space<vmem>>, vector<64x1024xf32>
    %dot_general3A_21 = arith.constant dense<0.000000e+00> : vector<2x1024xf32>
    %dot_general3A_22 = tpu.matmul %concatenate3A, %get3A_20, %dot_general3A_21 {dimension_numbers = #tpu.dot_dimension_numbers<[1], [0], [0], [1], [0, 0, 1, 1], [], []>, transpose_lhs_hint = false} : vector<2x64xf32>, vector<64x1024xf32>, vector<2x1024xf32> -> vector<2x1024xf32>
    %get3A_23 = arith.constant 0 : index
    %get3A_24 = arith.constant 0 : index
    %get3A_25 = vector.load %arg3[%get3A_23, %get3A_24] : memref<1x1024xf32, #tpu.memory_space<vmem>>, vector<1x1024xf32>
    %add3A = vector.broadcast %get3A_25 : vector<1x1024xf32> to vector<2x1024xf32>
    %add3A_26 = arith.addf %dot_general3A_22, %add3A : vector<2x1024xf32>
    %swap3A = arith.constant 0 : index
    %swap3A_27 = arith.constant 0 : index
    %swap3A_28 = vector.load %arg4[%swap3A, %swap3A_27] : memref<2x1024xf32, #tpu.memory_space<vmem>>, vector<2x1024xf32>
    tpu.vector_store %arg4[%swap3A, %swap3A_27], %add3A_26 {strides = array<i32>} : memref<2x1024xf32, #tpu.memory_space<vmem>>, vector<2x1024xf32>,
    return
  }
}

module attributes {stable_mosaic.version = 14 : i64} {
  func.func @_k4_body(%arg0: i32, %arg1: memref<2x256x1024xf32, #tpu.memory_space<vmem>>, %arg2: memref<2x1x1024xf32, #tpu.memory_space<vmem>>, %arg3: memref<2x256x1024xf32, #tpu.memory_space<vmem>>) attributes {dimension_semantics = [#tpu.dimension_semantics<arbitrary>], iteration_bounds = array<i64: 8>, scalar_prefetch = 0 : i64, scratch_operands = 0 : i64, tpu.core_type = #tpu.core_type<tc>, window_params = [{transform_indices = @transform_0, window_bounds = array<i64: 2, 256, 1024>}, {pipeline_mode = #tpu.pipeline_mode<synchronous>, transform_indices = @transform_1, window_bounds = array<i64: 2, 1, 1024>}, {transform_indices = @transform_2, window_bounds = array<i64: 2, 256, 1024>}]} {
    %get3A = arith.constant 0 : index
    %get3A_0 = arith.constant 0 : index
    %get3A_1 = arith.constant 0 : index
    %get3A_2 = vector.load %arg1[%get3A, %get3A_0, %get3A_1] : memref<2x256x1024xf32, #tpu.memory_space<vmem>>, vector<2x256x1024xf32>
    %get3A_3 = arith.constant 0 : index
    %get3A_4 = arith.constant 0 : index
    %get3A_5 = arith.constant 0 : index
    %get3A_6 = vector.load %arg2[%get3A_3, %get3A_4, %get3A_5] : memref<2x1x1024xf32, #tpu.memory_space<vmem>>, vector<2x1x1024xf32>
    %add3A = vector.broadcast %get3A_6 : vector<2x1x1024xf32> to vector<2x256x1024xf32>
    %add3A_7 = arith.addf %get3A_2, %add3A : vector<2x256x1024xf32>
    %swap3A = arith.constant 0 : index
    %swap3A_8 = arith.constant 0 : index
    %swap3A_9 = arith.constant 0 : index
    %swap3A_10 = vector.load %arg3[%swap3A, %swap3A_8, %swap3A_9] : memref<2x256x1024xf32, #tpu.memory_space<vmem>>, vector<2x256x1024xf32>
    tpu.vector_store %arg3[%swap3A, %swap3A_8, %swap3A_9], %add3A_7 {strides = array<i32>} : memref<2x256x1024xf32, #tpu.memory_space<vmem>>, vector<2x256x1024xf32>,
    return
  }
  func.func @transform_0(%arg0: i32) -> (i32, i32, i32) {
    %c0_i32 = arith.constant 0 : i32
    %c0_i32_0 = arith.constant 0 : i32
    %c0_i32_1 = arith.constant 0 : i32
    return %c0_i32, %arg0, %c0_i32_0 : i32, i32, i32
  }
  func.func @transform_1(%arg0: i32) -> (i32, i32, i32) {
    %c0_i32 = arith.constant 0 : i32
    %c0_i32_0 = arith.constant 0 : i32
    %c0_i32_1 = arith.constant 0 : i32
    %c0_i32_2 = arith.constant 0 : i32
    return %c0_i32, %c0_i32_0, %c0_i32_1 : i32, i32, i32
  }
  func.func @transform_2(%arg0: i32) -> (i32, i32, i32) {
    %c0_i32 = arith.constant 0 : i32
    %c0_i32_0 = arith.constant 0 : i32
    %c0_i32_1 = arith.constant 0 : i32
    return %c0_i32, %arg0, %c0_i32_0 : i32, i32, i32
  }
}

</mosaic_0001>

<sc_bundles>
// kernel: kernel.7.cloned.1.call-start
scs
__scs_entry_jumppad:
0x0: {  	(pc) =	sbr.rel $0x88, $3  }
0x1: {  	(tag) =	ssettag $0x0;
	lr =	simm.s32 $0x1  }
0x2: {  	[smem:$0x3F93] =	sst lr;
	_ =	strace $0xD0000000  }
0x3: {  	_ = 	snop  }
0x4: {  	_ = 	snop  }
0x5: {  	_ = 	snop  }
0x6: {  	_ = 	snop  }
0x7: {  	_ = 	snop  }
__scs_overlays_trampoline_lowered:
0x8: {  	[smem:$0x3FA2] =	sst s0  }
0x9: {  	[smem:$0x3FA3] =	sst s1  }
0xa: {  	[smem:$0x3FA4] =	sst s2  }
0xb: {  	[smem:$0x3FA5] =	sst s3  }
0xc: {  	[smem:$0x3FA6] =	sst s4  }
0xd: {  	[smem:$0x3FA7] =	sst s5  }
0xe: {  	[smem:$0x3FA8] =	sst s6  }
0xf: {  	[smem:$0x3FA9] =	sst s7  }
0x10: {  	[smem:$0x3FAA] =	sst s8  }
0x11: {  	[smem:$0x3FAB] =	sst s9;
	s0 =	simm.s32 @!p0 $0x0  }
0x12: {  	s1 =	sld [smem:$0x3F91];
	s0 =	simm.s32 @p0 $0x1  }
0x13: {  	[smem:$0x3FAC] =	sst s0;
	s0 =	simm.s32 @!p1 $0x0  }
0x14: {  	s2 =	sld [smem:$0x3F90];
	s0 =	simm.s32 @p1 $0x1  }
0x15: {  	[smem:$0x3FAD] =	sst s0;
	s0 =	simm.s32 @!p2 $0x0  }
0x16: {  	s3 =	sld [smem:$0x3FDB];
	s0 =	simm.s32 @p2 $0x1  }
0x17: {  	s4 =	simm.s32 $0x1BF5;
	[smem:$0x3FAF] =	sst s0  }
0x18: {  	s0 =	sld [smem:$0x3F92];
	_ =	swait.ge [sflag:s4], $0x0  }
0x19: {  	s7 =	sld [smem:$0x3F93]  }
0x1a: {  	s8 =	sadd.s32 $0xFFFFE003, lr  }
0x1b: {  	s9 =	sadd.s32 $0xFFFFFEF7, lr;
	s5 =	simm.s32 $0xFFFFFFFF;
	p2 =	slt.u32 s8, $0xFFFFF086  }
0x1c: {  	p1 =	slt.u32 s9, $0xF7A;
	s5 =	simm.s32 @!p2 $0x0  }
0x1d: {  	s5 =	simm.s32 @p1 $0x1;
	p0 =	seq.s32 s7, s2  }
0x1e: {  	s7 =	smul.u32 @!p0 $0xF7A, s2;
	p2 =	seq.s32 @!p0 s5, $0x0  }
0x1f: {  	s9 =	smul.u32 $0xF7A, s1;
	s8 =	simm.s32 @!p0 $0x1BF5;
	p2 =	por !p2, p0  }
0x20: {  	[sflag:s8] =	ssyncset.s32 @!p0 $0xFFFFF086;
	s6 =	sadd.s32 @!p0 s3, s7;
	s7 =	simm.s32 @!p0 $0x108  }
0x21: {  	s3 =	sadd.s32 s3, s9;
	s6 =	sadd.s32 @!p0 $0x88, s6;
	s7 =	simm.s32 @p2 $0x1082  }
0x22: {  	[simem:s7], [sflag:s8] =	dma.local @!p0 [hbm:s6], $0xF7A  }
0x23: {  	s9 =	sor.u32 $0xD0000000, s2;
	s6 =	simm.s32 $0x108;
	_ =	swait.ge @!p0 [sflag:s8], $0x0  }
0x24: {  	s3 =	sadd.s32 $0x88, s3;
	s6 =	simm.s32 @!p1 $0x1082;
	[sflag:s4] =	ssyncset.s32 $0xFFFFF086  }
0x25: {  	[simem:s6], [sflag:s4] =	dma.local [hbm:s3], $0xF7A  }
0x26: {  	[smem:$0x3F93] =	sst s1;
	(tag) =	ssettag s2;
	_ =	strace s9  }
0x27: {  	s1 =	sld [smem:$0x3FA3]  }
0x28: {  	s2 =	sld [smem:$0x3FA4]  }
0x29: {  	s4 =	sld [smem:$0x3FA6]  }
0x2a: {  	p0 =	seq.s32 s5, $0x0;
	s5 =	sld [smem:$0x3FA7]  }
0x2b: {  	s6 =	sld [smem:$0x3FA8]  }
0x2c: {  	s7 =	sld [smem:$0x3FA9]  }
0x2d: {  	s3 =	simm.s32 $0x108;
	s8 =	sld [smem:$0x3FAA]  }
0x2e: {  	s3 =	simm.s32 @!p0 $0x1082;
	s9 =	sld [smem:$0x3FAB]  }
0x2f: {  	lr =	sadd.s32 s0, s3;
	s0 =	sld [smem:$0x3FA2]  }
0x30: {  	s3 =	sld [smem:$0x3FA5]  }
0x31: {  	[smem:$0x3FAE] =	sst s10  }
0x32: {  	s10 =	sld [smem:$0x3FAC];
	_ =	sdelay $0x3  }
0x33: {  	p0 =	seq.s32 s10, $0x1;
	s10 =	sld [smem:$0x3FAE];
	_ =	sdelay $0x3  }
0x34: {  	[smem:$0x3FAE] =	sst s10  }
0x35: {  	s10 =	sld [smem:$0x3FAD];
	_ =	sdelay $0x3  }
0x36: {  	p1 =	seq.s32 s10, $0x1;
	s10 =	sld [smem:$0x3FAE];
	_ =	sdelay $0x3  }
0x37: {  	[smem:$0x3FAE] =	sst s10  }
0x38: {  	s10 =	sld [smem:$0x3FAF]  }
0x39: {  	_ = 	snop;
	(pc) =	sbr.ind lr, $3  }
0x3a: {  	_ = 	snop  }
0x3b: {  	_ = 	snop  }
0x3c: {  	p2 =	seq.s32 s10, $0x1;
	s10 =	sld [smem:$0x3FAE]  }
0x3d: {  	_ =	shalt  }
0x3e: {  	_ =	shalt  }
0x3f: {  	_ =	shalt  }
0x40: {  	_ =	shalt  }
0x41: {  	_ =	shalt  }
0x42: {  	_ =	shalt  }
0x43: {  	_ =	shalt  }
0x44: {  	_ =	shalt  }
0x45: {  	_ =	shalt  }
0x46: {  	_ =	shalt  }
0x47: {  	_ =	shalt  }
0x48: {  	_ =	shalt  }
0x49: {  	_ =	shalt  }
0x4a: {  	_ =	shalt  }
0x4b: {  	_ =	shalt  }
0x4c: {  	_ =	shalt  }
0x4d: {  	_ =	shalt  }
0x4e: {  	_ =	shalt  }
0x4f: {  	_ =	shalt  }
0x50: {  	_ =	shalt  }
0x51: {  	_ =	shalt  }
0x52: {  	_ =	shalt  }
0x53: {  	_ =	shalt  }
0x54: {  	_ =	shalt  }
0x55: {  	_ =	shalt  }
0x56: {  	_ =	shalt  }
0x57: {  	_ =	shalt  }
0x58: {  	_ =	shalt  }
0x59: {  	_ =	shalt  }
0x5a: {  	_ =	shalt  }
0x5b: {  	_ =	shalt  }
0x5c: {  	_ =	shalt  }
0x5d: {  	_ =	shalt  }
0x5e: {  	_ =	shalt  }
0x5f: {  	_ =	shalt  }
0x60: {  	_ =	shalt  }
0x61: {  	_ =	shalt  }
0x62: {  	_ =	shalt  }
0x63: {  	_ =	shalt  }
0x64: {  	_ =	shalt  }
0x65: {  	_ =	shalt  }
0x66: {  	_ =	shalt  }
0x67: {  	_ =	shalt  }
0x68: {  	_ =	shalt  }
0x69: {  	_ =	shalt  }
0x6a: {  	_ =	shalt  }
0x6b: {  	_ =	shalt  }
0x6c: {  	_ =	shalt  }
0x6d: {  	_ =	shalt  }
0x6e: {  	_ =	shalt  }
0x6f: {  	_ =	shalt  }
0x70: {  	_ =	shalt  }
0x71: {  	_ =	shalt  }
0x72: {  	_ =	shalt  }
0x73: {  	_ =	shalt  }
0x74: {  	_ =	shalt  }
0x75: {  	_ =	shalt  }
0x76: {  	_ =	shalt  }
0x77: {  	_ =	shalt  }
0x78: {  	_ =	shalt  }
0x79: {  	_ =	shalt  }
0x7a: {  	_ =	shalt  }
0x7b: {  	_ =	shalt  }
0x7c: {  	_ =	shalt  }
0x7d: {  	_ =	shalt  }
0x7e: {  	_ =	shalt  }
0x7f: {  	_ =	shalt  }
0x80: {  	_ =	shalt  }
0x81: {  	_ =	shalt  }
0x82: {  	_ =	shalt  }
0x83: {  	_ =	shalt  }
0x84: {  	_ =	shalt  }
0x85: {  	_ =	shalt  }
0x86: {  	_ =	shalt  }
0x87: {  	_ =	shalt  }
.Lfunc_end0:
.L_simem_size_0:
called_computation_lowered:
.L_overlay_start_0:
0x88: {  	s2 =	sld [smem:$0x3FD9]  }
0x89: {  	s3 =	sld [smem:$0x3FFE];
	_ =	sdelay $0x1  }
0x8a: {  	s1 =	srdreg.scid  }
0x8b: {  	s0 =	sand.u32 $0x1, s1  }
0x8c: {  	s14 =	sshll.u32 s0, $0xA;
	s2 =	sadd.s32 s3, s2  }
0x8d: {  	s2 =	sadd.s32 s2, s14  }
0x8e: {  	[smem:$0x3FBA] =	sst s2  }
0x8f: {  	_ = 	snop  }
0x90: {  	s2 =	sld [smem:$0x3FD0];
	_ =	sdelay $0x2  }
0x91: {  	s15 =	simm.s32 $0xA;
	s4 =	simm.s32 $0x10  }
0x92: {  	[smem:s4], [sflag:s15] =	dma.local [hbm:s2], $0x1  }
0x93: {  	_ =	swait.eq [sflag:s15], $0x1  }
0x94: {  	[sflag:s15] =	ssyncset.done $0x0  }
0x95: {  	[sflag:s15] =	ssyncadd.s32 $0xFFFFFFFF  }
0x96: {  	s16 =	sld [smem:$0x10];
	(tm) =	ssettm $0x1  }
0x97: {  	s17 =	sld [smem:$0x3FFB];
	_ =	sdelay $0x3  }
0x98: {  	_ =	strace s17  }
0x99: {  	s3 =	sld [smem:$0x3FFC];
	_ =	sdelay $0x3  }
0x9a: {  	_ =	strace s3  }
0x9b: {  	s3 =	sld [smem:$0x3FFD];
	_ =	sdelay $0x3  }
0x9c: {  	_ =	strace s3  }
0x9d: {  	_ =	strace $0x8FFFFFFF  }
0x9e: {  	s18 =	sld [smem:$0x3FDB];
	_ =	sdelay $0x1  }
0x9f: {  	s19 =	simm.s32 $_scs_section_size  }
0xa0: {  	s5 =	simm.s32 $_size__tile_overlayer_lowered;
	s6 =	simm.s32 $_tile_overlayer_lowered  }
0xa1: {  	s22 =	simm.s32 $0x1BFF;
	s21 =	sshll.u32 s6, $0x1;
	s3 =	sadd.s32 s19, s18  }
0xa2: {  	s7 =	simm.s32 $0x0;
	s20 =	sshll.u32 s5, $0x1;
	s5 =	sadd.s32 s21, s3  }
0xa3: {  	[timem:s7], [sflag:s22] =	dma.local [hbm:s5], s20  }
0xa4: {  	_ =	swait.ge [sflag:s22], s20  }
0xa5: {  	s4 =	ssub.s32 $0x0, s20;
	[sflag:s22] =	ssyncset.done $0x0  }
0xa6: {  	[sflag:s22] =	ssyncadd.s32 s4;
	_ =	sdelay $0x1  }
0xa7: {  	s23 =	simm.s32 $0x1B8B  }
0xa8: {  	_ =	swait.ge [sflag:s23], $0x1  }
0xa9: {  	[sflag:s23] =	ssyncset.done $0x0  }
0xaa: {  	s25 =	simm.s32 $0x1B8E;
	s24 =	sld [smem:$0x3FFE];
	[sflag:s23] =	ssyncadd.s32 $0xFFFFFFFF  }
0xab: {  	s26 =	simm.s32 $execute0_lowered;
	[smem:$0x3FD2] =	sst s25  }
0xac: {  	s5 =	sshll.u32 s26, $0x1;
	_ =	strace $0x80000046;
	[dreg:$0x1] =	wrdreg $0xFFFFFFFF  }
0xad: {  	s28 =	simm.s32 $_size_execute0_lowered;
	s3 =	sadd.s32 s3, s5;
	[dreg:$0x0] =	wrdreg $0x0  }
0xae: {  	s5 =	sshll.u32 s28, $0x1;
	[dreg:$0x2] =	wrdreg s3  }
0xaf: {  	[dreg:$0x3] =	wrdreg s5  }
0xb0: {  	[dreg:$0x4] =	wrdreg $0xC0  }
0xb1: {  	_ =	task [dreg:s7], $0x5FFFF  }
0xb2: {  	[dreg:$0x1] =	wrdreg $0xFFFFFFFF  }
0xb3: {  	[dreg:$0x0] =	wrdreg $0x60  }
0xb4: {  	[dreg:$0x2] =	wrdreg s24  }
0xb5: {  	[dreg:$0x3] =	wrdreg s16  }
0xb6: {  	[dreg:$0x4] =	wrdreg $0x9  }
0xb7: {  	_ =	task.clear_ibuf [dreg:s7], $0x5FFFF;
	_ =	strace $0x90000046  }
0xb8: {  	s29 =	simm.s32 $0x9;
	_ =	strace $0x80000048  }
0xb9: {  	_ =	swait.ge [sflag:s29], $0x1  }
0xba: {  	[sflag:s29] =	ssyncadd.s32 $0xFFFFFFFF  }
0xbb: {  	_ =	strace $0x90000048  }
0xbc: {  	_ =	sfence  }
0xbd: {  	s30 =	sld [smem:$0x0];
	_ =	sdelay $0x2  }
0xbe: {  	s31 =	sshll.u32 s1, $0xD;
	s1 =	sshrl.u32 s1, $0x2  }
0xbf: {  	s3 =	sand.u32 $0x4000, s31;
	s1 =	sadd.s32 s1, s30  }
0xc0: {  	s0 =	sor.u32 s3, s0;
	s1 =	sshll.u32 s1, $0x11  }
0xc1: {  	s0 =	sor.u32 s1, s0  }
0xc2: {  	s0 =	sadd.s32 $0x8F2B, s0  }
0xc3: {  	[sflag:s0] =	ssyncadd.remote.s32 $0x1  }
0xc4: {  	_ =	sfence.sel $0xFFFF  }
0xc5: {  	[dreg:$0x0] =	wrdreg $0xFFFFFFFF;
	(pc) =	sbr.abs _section_cstart, $3  }
0xc6: {  	[dreg:$0x1] =	wrdreg $0xFFFFFFFF  }
0xc7: {  	_ =	task.clear_ibuf [dreg:s7], $0x2FFFF;
	_ =	strace $0x9FFFFFFF  }
0xc8: {  	(tm) =	ssettm $0x7FFFFFFF  }
0xc9: {  	_ =	shalt  }
tec
execute0_lowered:
.L_overlay_start_1:
0x0: {  	(tag) =	ssettag $0x1  }
0x1: {  	s1 =	srdreg.scid  }
0x2: {  	s0 =	stileid.u32;
	s6 =	sand.u32 $0x1, s1  }
0x3: {  	s5 =	rddreg [dreg:$0x0];
	s30 =	sshll.u32 s0, $0x7;
	s2 =	sshll.u32 s6, $0x6  }
0x4: {  	s8 =	rddreg [dreg:$0x1];
	s9 =	sor.u32 s2, s30  }
0x5: {  	s1 =	rddreg [dreg:$0x2];
	s2 =	simm.s32 $0x0;
	s3 =	sshrl.u32 s9, $0x3  }
0x6: {  	s10 =	ssub.s32 $0x2, s6;
	[smem:$0x7FF] =	sst s2;
	s3 =	sadd.s32 s3, s5  }
0x7: {  	_ =	strace $0x80000047;
	s4 =	sadd.s32 $0x2A00, s3;
	s3 =	simm.s32 $0x2  }
0x8: {  	[tilespmem:s2], [sflag:$0x2] =	stream.linear.gather [hbm4b:s4+s2], $0x40, $0x38;
	[tilespmem:$0x1040] =	vst v63  }
0x9: {  	s7 =	simm.s32 $0x1;
	s11 =	sshrl.u32 s10, $0x1;
	_ =	swait.ge [sflag:s3], $0x40  }
0xa: {  	s6 =	simm.s32 $0x40;
	s10 =	ssub.s32 s10, s11;
	[sflag:s3] =	ssyncset.done $0x0  }
0xb: {  	s5 =	sadd.s32 $0x802C00, s5;
	s31 =	smax.u32 s10, $0x1;
	[sflag:s3] =	ssyncadd.s32 $0xFFFFFFC0  }
0xc: {  	[tilespmem:s6], [sflag:$0x1] =	stream.indirect.gather [hbm4b:s5+s6], $0x40, s2, s6, $0xb8;
	[tilespmem:$0x1040] =	vst v63  }
0xd: {  	p0 =	sne.s32 s31, $0x1;
	_ =	swait.ge [sflag:s7], $0x1000  }
.Ltmp0:
0xe: {  	s9 =	sshll.u32 s9, $0x3;
	[sflag:s7] =	ssyncset.done $0x0;
	(pc) =	sbr.rel @!p0 .LBB2_2-.Ltmp0, $4  }
0xf: {  	s8 =	sadd.s32 s8, s9;
	[sflag:s7] =	ssyncadd.s32 $0xFFFFF000  }
0x10: {  	[hbm4b:s8+s2] =	stream.linear.scatter [tilespmem:s6], [sflag:$0x2], $0x1000, $0x38;
	[tilespmem:$0x1040] =	vst v63  }
0x11: {  	_ =	swait.ge [sflag:s3], $0x1000  }
0x12: {  	s9 =	sadd.s32 $0xFFFFFFFF, s31;
	[sflag:s3] =	ssyncset.done $0x0  }
.LBB2_1:
0x13: {  	p0 =	sne.s32 s9, $0x1;
	s9 =	sadd.s32 $0xFFFFFFFF, s9;
	[sflag:s3] =	ssyncadd.s32 $0xFFFFF000  }
0x14: {  	[tilespmem:s2], [sflag:$0x2] =	stream.linear.gather [hbm4b:s4+s2], $0x40, $0x38;
	[tilespmem:$0x1040] =	vst v63  }
0x15: {  	_ =	swait.ge [sflag:s3], $0x40  }
0x16: {  	[sflag:s3] =	ssyncset.done $0x0  }
0x17: {  	[sflag:s3] =	ssyncadd.s32 $0xFFFFFFC0  }
0x18: {  	[tilespmem:s6], [sflag:$0x1] =	stream.indirect.gather [hbm4b:s5+s6], $0x40, s2, s6, $0xb8;
	[tilespmem:$0x1040] =	vst v63  }
0x19: {  	_ =	swait.ge [sflag:s7], $0x1000  }
.Ltmp1:
0x1a: {  	[sflag:s7] =	ssyncset.done $0x0;
	(pc) =	sbr.rel @p0 .LBB2_1-.Ltmp1, $4  }
0x1b: {  	[sflag:s7] =	ssyncadd.s32 $0xFFFFF000  }
0x1c: {  	[hbm4b:s8+s2] =	stream.linear.scatter [tilespmem:s6], [sflag:$0x2], $0x1000, $0x38;
	[tilespmem:$0x1040] =	vst v63  }
0x1d: {  	_ =	swait.ge [sflag:s3], $0x1000  }
0x1e: {  	[sflag:s3] =	ssyncset.done $0x0  }
.LBB2_2:
0x1f: {  	[sflag:s3] =	ssyncadd.s32 $0xFFFFF000  }
0x20: {  	_ =	sfence.sel $0x180000  }
0x21: {  	[bflag:$0x0] =	sbarrier.arrive $0xFFFF  }
0x22: {  	p0 =	sne.s32 s0, $0x0;
	_ =	strace $0x90000047  }
0x23: {  	s0 =	sadd.s32 @!p0 $0x100000, s1;
	[bflag:$0x2] =	sbarrier.arrive $0xFFFF  }
0x24: {  	[sflag:s0] =	ssyncadd.tile.s32 @!p0 $0x1;
	_ =	shalt  }
.Lfunc_end2:
_tile_overlayer_lowered:
.L_overlay_start_2:
0x25: {  	(tag) =	ssettag $0x2  }
0x26: {  	s0 =	rddreg [dreg:$0x0];
	s2 =	stileid.u32  }
0x27: {  	s1 =	rddreg [dreg:$0x1];
	p0 =	sne.s32 s2, $0x0  }
0x28: {  	s3 =	rddreg [dreg:$0x2];
	[bflag:$0x3] =	sbarrier.arrive $0xFFFF;
	s2 =	simm.s32 @!p0 $0x1C02  }
0x29: {  	[timem:s3], [sflag:s2] =	dma.local @!p0 [hbm:s0], s1  }
0x2a: {  	s0 =	simm.s32 @!p0 $0x2  }
0x2b: {  	_ =	swait.ge @!p0 [sflag:s0], s1  }
0x2c: {  	s1 =	ssub.s32 @!p0 $0x0, s1;
	[sflag:s0] =	ssyncset.done @!p0 $0x0  }
0x2d: {  	[sflag:s0] =	ssyncadd.s32 @!p0 s1  }
0x2e: {  	[bflag:$0x3] =	sbarrier.arrive $0xFFFF  }
0x2f: {  	_ =	shalt  }

</sc_bundles>
